<compile_context>
chip_gen: v7x
topology: tpu7x:2x2x1
jax: 0.10.2.dev20260603
libtpu: 0.0.44.dev20260713+nightly
codegen_flags: <defaults>
</compile_context>

<pallas_src>
import functools

import jax
import jax.numpy as jnp
from jax import lax
from jax.experimental import pallas as pl
from jax.experimental.pallas import tpu as pltpu
from jax.experimental.pallas import tpu_sc as plsc

N_DAYS = 16384
N_TIMES = 390
F = 8
WINDOW = 60
L = 16
NC, NS = 2, 16
NW = NC * NS
N_ROWS = WINDOW * F
ROWS_PER_W = N_ROWS // NW


def _make_gather(batch):
    n_vec = batch // L
    mesh = plsc.VectorSubcoreMesh(
        core_axis_name="c", subcore_axis_name="s",
        num_cores=NC, num_subcores=NS)

    @functools.partial(
        pl.kernel,
        mesh=mesh,
        out_type=jax.ShapeDtypeStruct((N_ROWS, batch), jnp.float32),
        scratch_types=[
            pltpu.VMEM((batch,), jnp.int32),
            pltpu.VMEM((batch,), jnp.float32),
            pltpu.VMEM((batch,), jnp.float32),
            pltpu.VMEM((batch,), jnp.float32),
            pltpu.VMEM((batch,), jnp.float32),
            pltpu.VMEM((batch,), jnp.float32),
            pltpu.VMEM((batch,), jnp.float32),
            pltpu.VMEM((L,), jnp.int32),
            pltpu.SemaphoreType.DMA,
            pltpu.SemaphoreType.DMA,
        ],
        compiler_params=pltpu.CompilerParams(needs_layout_passes=False),
    )
    def k(table, didx, row0, out, didx_v, slab_a, slab_b, slab_c, slab_d,
          orow_a, orow_b, r0_v, ld_sem, st_sem):
        wid = lax.axis_index("s") * NC + lax.axis_index("c")
        s0 = wid * ROWS_PER_W
        pltpu.sync_copy(didx.at[pl.ds(0, batch)], didx_v)
        pltpu.sync_copy(row0, r0_v)
        r0s = jnp.min(r0_v[...])
        DEPTH = 4
        half = batch // 2
        slabs = [slab_a, slab_b, slab_c, slab_d]
        orows = [orow_a, orow_b]
        copies = [None] * DEPTH
        stores = [None, None]

        def load_row(row, buf, j):
            return [
                pltpu.async_copy(
                    table.at[row, pl.ds(0, half)],
                    buf.at[pl.ds(0, half)], ld_sem),
                pltpu.async_copy(
                    table.at[row, pl.ds(half, half)],
                    buf.at[pl.ds(half, half)], ld_sem),
            ]

        for j in range(DEPTH - 1):
            copies[j] = load_row(r0s + s0 + j, slabs[j], j)
        for i in range(ROWS_PER_W):
            cur = i % DEPTH
            for cp in copies[cur]:
                cp.wait()
            if i + DEPTH - 1 < ROWS_PER_W:
                nxt = (i + DEPTH - 1) % DEPTH
                copies[nxt] = load_row(
                    r0s + s0 + i + DEPTH - 1, slabs[nxt], nxt)
            slab = slabs[cur]
            orow_v = orows[i % 2]
            if stores[i % 2] is not None:
                for st in stores[i % 2]:
                    st.wait()

            @plsc.parallel_loop(0, n_vec, 1, unroll=8)
            def body(v):
                idx = didx_v[pl.ds(v * L, L)]
                orow_v[pl.ds(v * L, L)] = plsc.load_gather(slab, [idx])

            stores[i % 2] = [
                pltpu.async_copy(
                    orow_v.at[pl.ds(0, half)],
                    out.at[s0 + i, pl.ds(0, half)], st_sem),
                pltpu.async_copy(
                    orow_v.at[pl.ds(half, half)],
                    out.at[s0 + i, pl.ds(half, half)], st_sem),
            ]
        for grp in stores:
            if grp is not None:
                for st in grp:
                    st.wait()

    return k


def kernel(price_data, date_idx, time_idx):
    batch = date_idx.shape[0]
    table = jnp.transpose(price_data, (1, 2, 0)).reshape(N_TIMES * F, N_DAYS)
    row0 = (time_idx - WINDOW) * F
    row0_arr = jnp.full((L,), row0, dtype=jnp.int32)
    didx = date_idx.astype(jnp.int32)
    out = _make_gather(batch)(table, didx, row0_arr)
    return jnp.transpose(out.reshape(WINDOW, F, batch), (2, 0, 1))

# --- scband reference (transcript-rebuilt; emitter-appended) ---
"""Pipeline reference for scband-price-data-window-11355893531117 (READ-ONLY COPY).

The authoritative reference and input builder live on the scoring server;
editing this copy changes nothing except your own understanding.
"""

import jax, jax.numpy as jnp
import numpy as np

SECONDS_IN_DAY = 24.0 * 60.0 * 60.0
N_DAYS = 16384
N_TIMES = 390
WINDOW_SIZE = 60
VOL_SMA_WINDOW = 60
BATCH = 16384
TIME_IDX = 200


def _sma(x, w):
    padded = jnp.concatenate([jnp.full((w - 1,), x[0], dtype=x.dtype), x])
    c = jnp.cumsum(padded)
    c0 = jnp.concatenate([jnp.zeros((1,), dtype=c.dtype), c[:-1]])
    return (c[w - 1:] - c0[:x.shape[0]]) / w


def _build_price_data(key):
    k1, k2, k3, k4, k5 = jax.random.split(key, 5)
    t = jnp.tile(jnp.arange(N_TIMES, dtype=jnp.float32) * 60.0 + 34200.0, (N_DAYS, 1))
    close = 100.0 * jnp.exp(jax.random.normal(k1, (N_DAYS, N_TIMES), dtype=jnp.float32) * 0.01)
    high = close * jnp.exp(jnp.abs(jax.random.normal(k2, (N_DAYS, N_TIMES), dtype=jnp.float32)) * 0.005)
    low = close * jnp.exp(-jnp.abs(jax.random.normal(k3, (N_DAYS, N_TIMES), dtype=jnp.float32)) * 0.005)
    openp = close * jnp.exp(jax.random.normal(k4, (N_DAYS, N_TIMES), dtype=jnp.float32) * 0.005)
    vol = jax.random.uniform(k5, (N_DAYS, N_TIMES), dtype=jnp.float32, minval=1e5, maxval=1e6)
    data = jnp.stack([t, openp, high, low, close, vol], axis=-1)
    prev_close = jnp.concatenate([data[:, 0:1, 1], data[:, :-1, 4]], axis=1)
    cols = []
    cols.append(data[:, :, 0] / SECONDS_IN_DAY)
    cols.append(jnp.log(data[:, :, 2] / data[:, :, 3]))
    cols.append(jnp.log(data[:, :, 2] / data[:, :, 4]))
    cols.append(jnp.log(data[:, :, 4] / data[:, :, 3]))
    cols.append(jnp.log(data[:, :, 4] / prev_close))
    cols.append(jnp.log(data[:, :, 2] / prev_close))
    cols.append(jnp.log(data[:, :, 3] / prev_close))
    adv = data[:, :, 5].mean(axis=1)
    sma_v = _sma(adv, VOL_SMA_WINDOW)[:, None]
    cols.append(data[:, :, 5] / sma_v - 1.0)
    pd = jnp.stack(cols, axis=-1)
    lr = pd[:, :, 1:7]
    lr_mean = lr.mean(axis=1, keepdims=True)
    lr_std = lr.std(axis=1, keepdims=True, ddof=1)
    pd = pd.at[:, :, 1:7].set((lr - lr_mean) / lr_std)
    v = pd[:, :, 7]
    v_mean = v.mean(axis=1, keepdims=True)
    v_std = v.std(axis=1, keepdims=True, ddof=1)
    pd = pd.at[:, :, 7].set((v - v_mean) / v_std)
    return pd


def setup_inputs(seed: int = 0) -> dict:
    key = jax.random.key(seed)
    kd, kp = jax.random.split(key)
    price_data = _build_price_data(kp)
    date_idx = jax.random.randint(kd, (BATCH,), 0, N_DAYS)
    return {"price_data": price_data, "date_idx": date_idx, "time_idx": TIME_IDX}


def reference(price_data, date_idx, time_idx):
    rng = jnp.arange(-WINDOW_SIZE, 0)
    time_indices = rng[None, :] + time_idx
    date_indices = date_idx[:, None]
    return price_data[date_indices, time_indices, :]

if __name__ == "__main__":
    import jax
    _d = setup_inputs()
    print(jax.jit(kernel)(*tuple(_d.values())))

</pallas_src>

<mosaic_0001>
#map = affine_map<(d0, d1) -> (0, 0)>
#map1 = affine_map<(d0, d1) -> (0)>
module attributes {stable_mosaic.version = 14 : i64} {
  func.func @k(%arg0: i32, %arg1: i32, %arg2: memref<3120x16384xf32, #tpu.memory_space<hbm>>, %arg3: memref<16384xi32, #tpu.memory_space<hbm>>, %arg4: memref<16xi32, #tpu.memory_space<hbm>>, %arg5: memref<480x16384xf32, #tpu.memory_space<hbm>>, %arg6: memref<16384xi32, #tpu.memory_space<vmem>>, %arg7: memref<16384xf32, #tpu.memory_space<vmem>>, %arg8: memref<16384xf32, #tpu.memory_space<vmem>>, %arg9: memref<16384xf32, #tpu.memory_space<vmem>>, %arg10: memref<16384xf32, #tpu.memory_space<vmem>>, %arg11: memref<16384xf32, #tpu.memory_space<vmem>>, %arg12: memref<16384xf32, #tpu.memory_space<vmem>>, %arg13: memref<16xi32, #tpu.memory_space<vmem>>, %arg14: memref<!tpu.dma_semaphore, #tpu.memory_space<semaphore_mem>>, %arg15: memref<!tpu.dma_semaphore, #tpu.memory_space<semaphore_mem>>) attributes {dimension_semantics = [#tpu.dimension_semantics<core_parallel>, #tpu.dimension_semantics<subcore_parallel>], iteration_bounds = array<i64: 2, 16>, scalar_prefetch = 0 : i64, scratch_operands = 10 : i64, tpu.core_type = #tpu.core_type<sc_vector_subcore>, window_params = [{transform_indices = #map}, {transform_indices = #map1}, {transform_indices = #map1}, {transform_indices = #map}]} {
    %mul3A = arith.constant 2 : i32
    %mul3A_0 = arith.muli %arg1, %mul3A : i32
    %add3A = arith.addi %mul3A_0, %arg0 : i32
    %mul3A_1 = arith.constant 15 : i32
    %mul3A_2 = arith.muli %add3A, %mul3A_1 : i32
    "tpu.region"() ({
      %run_scoped3A = tpu.sem_alloc : memref<!tpu.dma_semaphore, #tpu.memory_space<semaphore_mem>>
      %dma_start3A_1405 = arith.constant 0 : i32
      %dma_start3A_1406 = tpu.memref_slice %arg3[%dma_start3A_1405] : memref<16384xi32, #tpu.memory_space<hbm>> -> memref<16384xi32, #tpu.memory_space<hbm>>
      %dma_start3A_1407 = arith.constant 0 : i32
      %dma_start3A_1408 = tpu.memref_slice %arg3[%dma_start3A_1407] : memref<16384xi32, #tpu.memory_space<hbm>> -> memref<16384xi32, #tpu.memory_space<hbm>>
      tpu.enqueue_dma source(%dma_start3A_1408 : memref<16384xi32, #tpu.memory_space<hbm>>) target(%arg6 : memref<16384xi32, #tpu.memory_space<vmem>>) target_semaphore(%run_scoped3A : memref<!tpu.dma_semaphore, #tpu.memory_space<semaphore_mem>>)
      %dma_wait3A_1409 = arith.constant 0 : i32
      %dma_wait3A_1410 = tpu.memref_slice %arg3[%dma_wait3A_1409] : memref<16384xi32, #tpu.memory_space<hbm>> -> memref<16384xi32, #tpu.memory_space<hbm>>
      %dma_wait3A_1411 = arith.constant 0 : i32
      %dma_wait3A_1412 = tpu.memref_slice %arg3[%dma_wait3A_1411] : memref<16384xi32, #tpu.memory_space<hbm>> -> memref<16384xi32, #tpu.memory_space<hbm>>
      tpu.wait_dma2 semaphore(%run_scoped3A : memref<!tpu.dma_semaphore, #tpu.memory_space<semaphore_mem>>) src(%dma_wait3A_1412 : memref<16384xi32, #tpu.memory_space<hbm>>) dst(%arg6 : memref<16384xi32, #tpu.memory_space<vmem>>)
      tpu.yield
    }) : () -> ()
    "tpu.region"() ({
      %run_scoped3A = tpu.sem_alloc : memref<!tpu.dma_semaphore, #tpu.memory_space<semaphore_mem>>
      tpu.enqueue_dma source(%arg4 : memref<16xi32, #tpu.memory_space<hbm>>) target(%arg13 : memref<16xi32, #tpu.memory_space<vmem>>) target_semaphore(%run_scoped3A : memref<!tpu.dma_semaphore, #tpu.memory_space<semaphore_mem>>)
      tpu.wait_dma2 semaphore(%run_scoped3A : memref<!tpu.dma_semaphore, #tpu.memory_space<semaphore_mem>>) src(%arg4 : memref<16xi32, #tpu.memory_space<hbm>>) dst(%arg13 : memref<16xi32, #tpu.memory_space<vmem>>)
      tpu.yield
    }) : () -> ()
    %get3A = arith.constant 0 : index
    %get3A_3 = tpu.vector_load %arg13[%get3A] {strides = array<i32>} : memref<16xi32, #tpu.memory_space<vmem>>, vector<16xi32>,
    %reduce_min3A = arith.constant true
    %reduce_min3A_4 = vector.broadcast %reduce_min3A : i1 to vector<16xi1>
    %reduce_min3A_5 = arith.constant -2147483648 : i32
    %reduce_min3A_6 = vector.broadcast %reduce_min3A_5 : i32 to vector<16xi32>
    %reduce_min3A_7 = arith.xori %get3A_3, %reduce_min3A_6 : vector<16xi32>
    %reduce_min3A_8 = tpu.scan <min>, %reduce_min3A_7 masked %reduce_min3A_4 : vector<16xi32>, vector<16xi1> -> vector<16xi32>
    %reduce_min3A_9 = arith.xori %reduce_min3A_8, %reduce_min3A_6 : vector<16xi32>
    %reduce_min3A_10 = vector.extract %reduce_min3A_9[15] : i32 from vector<16xi32>
    %add3A_11 = arith.addi %reduce_min3A_10, %mul3A_2 : i32
    %add3A_12 = arith.constant 0 : i32
    %add3A_13 = arith.addi %add3A_11, %add3A_12 : i32
    %dma_start3A = arith.constant 0 : i32
    %dma_start3A_14 = tpu.memref_slice %arg7[%dma_start3A] : memref<16384xf32, #tpu.memory_space<vmem>> -> memref<8192xf32, #tpu.memory_space<vmem>>
    %dma_start3A_15 = arith.constant 0 : i32
    %dma_start3A_16 = tpu.memref_slice %arg2[%add3A_13, %dma_start3A_15] : memref<3120x16384xf32, #tpu.memory_space<hbm>> -> memref<1x8192xf32, #tpu.memory_space<hbm>>
    %dma_start3A_17 = tpu.memref_squeeze %dma_start3A_16 : memref<1x8192xf32, #tpu.memory_space<hbm>> -> memref<8192xf32, #tpu.memory_space<hbm>>
    %dma_start3A_18 = arith.constant 0 : i32
    %dma_start3A_19 = tpu.memref_slice %arg7[%dma_start3A_18] : memref<16384xf32, #tpu.memory_space<vmem>> -> memref<8192xf32, #tpu.memory_space<vmem>>
    %dma_start3A_20 = arith.constant 0 : i32
    %dma_start3A_21 = tpu.memref_slice %arg2[%add3A_13, %dma_start3A_20] : memref<3120x16384xf32, #tpu.memory_space<hbm>> -> memref<1x8192xf32, #tpu.memory_space<hbm>>
    %dma_start3A_22 = tpu.memref_squeeze %dma_start3A_21 : memref<1x8192xf32, #tpu.memory_space<hbm>> -> memref<8192xf32, #tpu.memory_space<hbm>>
    tpu.enqueue_dma source(%dma_start3A_22 : memref<8192xf32, #tpu.memory_space<hbm>>) target(%dma_start3A_19 : memref<8192xf32, #tpu.memory_space<vmem>>) target_semaphore(%arg14 : memref<!tpu.dma_semaphore, #tpu.memory_space<semaphore_mem>>)
    %dma_start3A_23 = arith.constant 8192 : i32
    %dma_start3A_24 = tpu.memref_slice %arg7[%dma_start3A_23] : memref<16384xf32, #tpu.memory_space<vmem>> -> memref<8192xf32, #tpu.memory_space<vmem>>
    %dma_start3A_25 = arith.constant 8192 : i32
    %dma_start3A_26 = tpu.memref_slice %arg2[%add3A_13, %dma_start3A_25] : memref<3120x16384xf32, #tpu.memory_space<hbm>> -> memref<1x8192xf32, #tpu.memory_space<hbm>>
    %dma_start3A_27 = tpu.memref_squeeze %dma_start3A_26 : memref<1x8192xf32, #tpu.memory_space<hbm>> -> memref<8192xf32, #tpu.memory_space<hbm>>
    %dma_start3A_28 = arith.constant 8192 : i32
    %dma_start3A_29 = tpu.memref_slice %arg7[%dma_start3A_28] : memref<16384xf32, #tpu.memory_space<vmem>> -> memref<8192xf32, #tpu.memory_space<vmem>>
    %dma_start3A_30 = arith.constant 8192 : i32
    %dma_start3A_31 = tpu.memref_slice %arg2[%add3A_13, %dma_start3A_30] : memref<3120x16384xf32, #tpu.memory_space<hbm>> -> memref<1x8192xf32, #tpu.memory_space<hbm>>
    %dma_start3A_32 = tpu.memref_squeeze %dma_start3A_31 : memref<1x8192xf32, #tpu.memory_space<hbm>> -> memref<8192xf32, #tpu.memory_space<hbm>>
    tpu.enqueue_dma source(%dma_start3A_32 : memref<8192xf32, #tpu.memory_space<hbm>>) target(%dma_start3A_29 : memref<8192xf32, #tpu.memory_space<vmem>>) target_semaphore(%arg14 : memref<!tpu.dma_semaphore, #tpu.memory_space<semaphore_mem>>)
    %add3A_33 = arith.addi %reduce_min3A_10, %mul3A_2 : i32
    %add3A_34 = arith.constant 1 : i32
    %add3A_35 = arith.addi %add3A_33, %add3A_34 : i32
    %dma_start3A_36 = arith.constant 0 : i32
    %dma_start3A_37 = tpu.memref_slice %arg8[%dma_start3A_36] : memref<16384xf32, #tpu.memory_space<vmem>> -> memref<8192xf32, #tpu.memory_space<vmem>>
    %dma_start3A_38 = arith.constant 0 : i32
    %dma_start3A_39 = tpu.memref_slice %arg2[%add3A_35, %dma_start3A_38] : memref<3120x16384xf32, #tpu.memory_space<hbm>> -> memref<1x8192xf32, #tpu.memory_space<hbm>>
    %dma_start3A_40 = tpu.memref_squeeze %dma_start3A_39 : memref<1x8192xf32, #tpu.memory_space<hbm>> -> memref<8192xf32, #tpu.memory_space<hbm>>
    %dma_start3A_41 = arith.constant 0 : i32
    %dma_start3A_42 = tpu.memref_slice %arg8[%dma_start3A_41] : memref<16384xf32, #tpu.memory_space<vmem>> -> memref<8192xf32, #tpu.memory_space<vmem>>
    %dma_start3A_43 = arith.constant 0 : i32
    %dma_start3A_44 = tpu.memref_slice %arg2[%add3A_35, %dma_start3A_43] : memref<3120x16384xf32, #tpu.memory_space<hbm>> -> memref<1x8192xf32, #tpu.memory_space<hbm>>
    %dma_start3A_45 = tpu.memref_squeeze %dma_start3A_44 : memref<1x8192xf32, #tpu.memory_space<hbm>> -> memref<8192xf32, #tpu.memory_space<hbm>>
    tpu.enqueue_dma source(%dma_start3A_45 : memref<8192xf32, #tpu.memory_space<hbm>>) target(%dma_start3A_42 : memref<8192xf32, #tpu.memory_space<vmem>>) target_semaphore(%arg14 : memref<!tpu.dma_semaphore, #tpu.memory_space<semaphore_mem>>)
    %dma_start3A_46 = arith.constant 8192 : i32
    %dma_start3A_47 = tpu.memref_slice %arg8[%dma_start3A_46] : memref<16384xf32, #tpu.memory_space<vmem>> -> memref<8192xf32, #tpu.memory_space<vmem>>
    %dma_start3A_48 = arith.constant 8192 : i32
    %dma_start3A_49 = tpu.memref_slice %arg2[%add3A_35, %dma_start3A_48] : memref<3120x16384xf32, #tpu.memory_space<hbm>> -> memref<1x8192xf32, #tpu.memory_space<hbm>>
    %dma_start3A_50 = tpu.memref_squeeze %dma_start3A_49 : memref<1x8192xf32, #tpu.memory_space<hbm>> -> memref<8192xf32, #tpu.memory_space<hbm>>
    %dma_start3A_51 = arith.constant 8192 : i32
    %dma_start3A_52 = tpu.memref_slice %arg8[%dma_start3A_51] : memref<16384xf32, #tpu.memory_space<vmem>> -> memref<8192xf32, #tpu.memory_space<vmem>>
    %dma_start3A_53 = arith.constant 8192 : i32
    %dma_start3A_54 = tpu.memref_slice %arg2[%add3A_35, %dma_start3A_53] : memref<3120x16384xf32, #tpu.memory_space<hbm>> -> memref<1x8192xf32, #tpu.memory_space<hbm>>
    %dma_start3A_55 = tpu.memref_squeeze %dma_start3A_54 : memref<1x8192xf32, #tpu.memory_space<hbm>> -> memref<8192xf32, #tpu.memory_space<hbm>>
    tpu.enqueue_dma source(%dma_start3A_55 : memref<8192xf32, #tpu.memory_space<hbm>>) target(%dma_start3A_52 : memref<8192xf32, #tpu.memory_space<vmem>>) target_semaphore(%arg14 : memref<!tpu.dma_semaphore, #tpu.memory_space<semaphore_mem>>)
    %add3A_56 = arith.addi %reduce_min3A_10, %mul3A_2 : i32
    %add3A_57 = arith.constant 2 : i32
    %add3A_58 = arith.addi %add3A_56, %add3A_57 : i32
    %dma_start3A_59 = arith.constant 0 : i32
    %dma_start3A_60 = tpu.memref_slice %arg9[%dma_start3A_59] : memref<16384xf32, #tpu.memory_space<vmem>> -> memref<8192xf32, #tpu.memory_space<vmem>>
    %dma_start3A_61 = arith.constant 0 : i32
    %dma_start3A_62 = tpu.memref_slice %arg2[%add3A_58, %dma_start3A_61] : memref<3120x16384xf32, #tpu.memory_space<hbm>> -> memref<1x8192xf32, #tpu.memory_space<hbm>>
    %dma_start3A_63 = tpu.memref_squeeze %dma_start3A_62 : memref<1x8192xf32, #tpu.memory_space<hbm>> -> memref<8192xf32, #tpu.memory_space<hbm>>
    %dma_start3A_64 = arith.constant 0 : i32
    %dma_start3A_65 = tpu.memref_slice %arg9[%dma_start3A_64] : memref<16384xf32, #tpu.memory_space<vmem>> -> memref<8192xf32, #tpu.memory_space<vmem>>
    %dma_start3A_66 = arith.constant 0 : i32
    %dma_start3A_67 = tpu.memref_slice %arg2[%add3A_58, %dma_start3A_66] : memref<3120x16384xf32, #tpu.memory_space<hbm>> -> memref<1x8192xf32, #tpu.memory_space<hbm>>
    %dma_start3A_68 = tpu.memref_squeeze %dma_start3A_67 : memref<1x8192xf32, #tpu.memory_space<hbm>> -> memref<8192xf32, #tpu.memory_space<hbm>>
    tpu.enqueue_dma source(%dma_start3A_68 : memref<8192xf32, #tpu.memory_space<hbm>>) target(%dma_start3A_65 : memref<8192xf32, #tpu.memory_space<vmem>>) target_semaphore(%arg14 : memref<!tpu.dma_semaphore, #tpu.memory_space<semaphore_mem>>)
    %dma_start3A_69 = arith.constant 8192 : i32
    %dma_start3A_70 = tpu.memref_slice %arg9[%dma_start3A_69] : memref<16384xf32, #tpu.memory_space<vmem>> -> memref<8192xf32, #tpu.memory_space<vmem>>
    %dma_start3A_71 = arith.constant 8192 : i32
    %dma_start3A_72 = tpu.memref_slice %arg2[%add3A_58, %dma_start3A_71] : memref<3120x16384xf32, #tpu.memory_space<hbm>> -> memref<1x8192xf32, #tpu.memory_space<hbm>>
    %dma_start3A_73 = tpu.memref_squeeze %dma_start3A_72 : memref<1x8192xf32, #tpu.memory_space<hbm>> -> memref<8192xf32, #tpu.memory_space<hbm>>
    %dma_start3A_74 = arith.constant 8192 : i32
    %dma_start3A_75 = tpu.memref_slice %arg9[%dma_start3A_74] : memref<16384xf32, #tpu.memory_space<vmem>> -> memref<8192xf32, #tpu.memory_space<vmem>>
    %dma_start3A_76 = arith.constant 8192 : i32
    %dma_start3A_77 = tpu.memref_slice %arg2[%add3A_58, %dma_start3A_76] : memref<3120x16384xf32, #tpu.memory_space<hbm>> -> memref<1x8192xf32, #tpu.memory_space<hbm>>
    %dma_start3A_78 = tpu.memref_squeeze %dma_start3A_77 : memref<1x8192xf32, #tpu.memory_space<hbm>> -> memref<8192xf32, #tpu.memory_space<hbm>>
    tpu.enqueue_dma source(%dma_start3A_78 : memref<8192xf32, #tpu.memory_space<hbm>>) target(%dma_start3A_75 : memref<8192xf32, #tpu.memory_space<vmem>>) target_semaphore(%arg14 : memref<!tpu.dma_semaphore, #tpu.memory_space<semaphore_mem>>)
    %dma_wait3A = arith.constant 0 : i32
    %dma_wait3A_79 = tpu.memref_slice %arg7[%dma_wait3A] : memref<16384xf32, #tpu.memory_space<vmem>> -> memref<8192xf32, #tpu.memory_space<vmem>>
    %dma_wait3A_80 = arith.constant 0 : i32
    %dma_wait3A_81 = tpu.memref_slice %arg2[%add3A_13, %dma_wait3A_80] : memref<3120x16384xf32, #tpu.memory_space<hbm>> -> memref<1x8192xf32, #tpu.memory_space<hbm>>
    %dma_wait3A_82 = tpu.memref_squeeze %dma_wait3A_81 : memref<1x8192xf32, #tpu.memory_space<hbm>> -> memref<8192xf32, #tpu.memory_space<hbm>>
    %dma_wait3A_83 = arith.constant 0 : i32
    %dma_wait3A_84 = tpu.memref_slice %arg7[%dma_wait3A_83] : memref<16384xf32, #tpu.memory_space<vmem>> -> memref<8192xf32, #tpu.memory_space<vmem>>
    %dma_wait3A_85 = arith.constant 0 : i32
    %dma_wait3A_86 = tpu.memref_slice %arg2[%add3A_13, %dma_wait3A_85] : memref<3120x16384xf32, #tpu.memory_space<hbm>> -> memref<1x8192xf32, #tpu.memory_space<hbm>>
    %dma_wait3A_87 = tpu.memref_squeeze %dma_wait3A_86 : memref<1x8192xf32, #tpu.memory_space<hbm>> -> memref<8192xf32, #tpu.memory_space<hbm>>
    tpu.wait_dma2 semaphore(%arg14 : memref<!tpu.dma_semaphore, #tpu.memory_space<semaphore_mem>>) src(%dma_wait3A_87 : memref<8192xf32, #tpu.memory_space<hbm>>) dst(%dma_wait3A_84 : memref<8192xf32, #tpu.memory_space<vmem>>)
    %dma_wait3A_88 = arith.constant 8192 : i32
    %dma_wait3A_89 = tpu.memref_slice %arg7[%dma_wait3A_88] : memref<16384xf32, #tpu.memory_space<vmem>> -> memref<8192xf32, #tpu.memory_space<vmem>>
    %dma_wait3A_90 = arith.constant 8192 : i32
    %dma_wait3A_91 = tpu.memref_slice %arg2[%add3A_13, %dma_wait3A_90] : memref<3120x16384xf32, #tpu.memory_space<hbm>> -> memref<1x8192xf32, #tpu.memory_space<hbm>>
    %dma_wait3A_92 = tpu.memref_squeeze %dma_wait3A_91 : memref<1x8192xf32, #tpu.memory_space<hbm>> -> memref<8192xf32, #tpu.memory_space<hbm>>
    %dma_wait3A_93 = arith.constant 8192 : i32
    %dma_wait3A_94 = tpu.memref_slice %arg7[%dma_wait3A_93] : memref<16384xf32, #tpu.memory_space<vmem>> -> memref<8192xf32, #tpu.memory_space<vmem>>
    %dma_wait3A_95 = arith.constant 8192 : i32
    %dma_wait3A_96 = tpu.memref_slice %arg2[%add3A_13, %dma_wait3A_95] : memref<3120x16384xf32, #tpu.memory_space<hbm>> -> memref<1x8192xf32, #tpu.memory_space<hbm>>
    %dma_wait3A_97 = tpu.memref_squeeze %dma_wait3A_96 : memref<1x8192xf32, #tpu.memory_space<hbm>> -> memref<8192xf32, #tpu.memory_space<hbm>>
    tpu.wait_dma2 semaphore(%arg14 : memref<!tpu.dma_semaphore, #tpu.memory_space<semaphore_mem>>) src(%dma_wait3A_97 : memref<8192xf32, #tpu.memory_space<hbm>>) dst(%dma_wait3A_94 : memref<8192xf32, #tpu.memory_space<vmem>>)
    %add3A_98 = arith.addi %reduce_min3A_10, %mul3A_2 : i32
    %add3A_99 = arith.constant 0 : i32
    %add3A_100 = arith.addi %add3A_98, %add3A_99 : i32
    %add3A_101 = arith.constant 4 : i32
    %add3A_102 = arith.addi %add3A_100, %add3A_101 : i32
    %sub3A = arith.constant 1 : i32
    %sub3A_103 = arith.subi %add3A_102, %sub3A : i32
    %dma_start3A_104 = arith.constant 0 : i32
    %dma_start3A_105 = tpu.memref_slice %arg10[%dma_start3A_104] : memref<16384xf32, #tpu.memory_space<vmem>> -> memref<8192xf32, #tpu.memory_space<vmem>>
    %dma_start3A_106 = arith.constant 0 : i32
    %dma_start3A_107 = tpu.memref_slice %arg2[%sub3A_103, %dma_start3A_106] : memref<3120x16384xf32, #tpu.memory_space<hbm>> -> memref<1x8192xf32, #tpu.memory_space<hbm>>
    %dma_start3A_108 = tpu.memref_squeeze %dma_start3A_107 : memref<1x8192xf32, #tpu.memory_space<hbm>> -> memref<8192xf32, #tpu.memory_space<hbm>>
    %dma_start3A_109 = arith.constant 0 : i32
    %dma_start3A_110 = tpu.memref_slice %arg10[%dma_start3A_109] : memref<16384xf32, #tpu.memory_space<vmem>> -> memref<8192xf32, #tpu.memory_space<vmem>>
    %dma_start3A_111 = arith.constant 0 : i32
    %dma_start3A_112 = tpu.memref_slice %arg2[%sub3A_103, %dma_start3A_111] : memref<3120x16384xf32, #tpu.memory_space<hbm>> -> memref<1x8192xf32, #tpu.memory_space<hbm>>
    %dma_start3A_113 = tpu.memref_squeeze %dma_start3A_112 : memref<1x8192xf32, #tpu.memory_space<hbm>> -> memref<8192xf32, #tpu.memory_space<hbm>>
    tpu.enqueue_dma source(%dma_start3A_113 : memref<8192xf32, #tpu.memory_space<hbm>>) target(%dma_start3A_110 : memref<8192xf32, #tpu.memory_space<vmem>>) target_semaphore(%arg14 : memref<!tpu.dma_semaphore, #tpu.memory_space<semaphore_mem>>)
    %dma_start3A_114 = arith.constant 8192 : i32
    %dma_start3A_115 = tpu.memref_slice %arg10[%dma_start3A_114] : memref<16384xf32, #tpu.memory_space<vmem>> -> memref<8192xf32, #tpu.memory_space<vmem>>
    %dma_start3A_116 = arith.constant 8192 : i32
    %dma_start3A_117 = tpu.memref_slice %arg2[%sub3A_103, %dma_start3A_116] : memref<3120x16384xf32, #tpu.memory_space<hbm>> -> memref<1x8192xf32, #tpu.memory_space<hbm>>
    %dma_start3A_118 = tpu.memref_squeeze %dma_start3A_117 : memref<1x8192xf32, #tpu.memory_space<hbm>> -> memref<8192xf32, #tpu.memory_space<hbm>>
    %dma_start3A_119 = arith.constant 8192 : i32
    %dma_start3A_120 = tpu.memref_slice %arg10[%dma_start3A_119] : memref<16384xf32, #tpu.memory_space<vmem>> -> memref<8192xf32, #tpu.memory_space<vmem>>
    %dma_start3A_121 = arith.constant 8192 : i32
    %dma_start3A_122 = tpu.memref_slice %arg2[%sub3A_103, %dma_start3A_121] : memref<3120x16384xf32, #tpu.memory_space<hbm>> -> memref<1x8192xf32, #tpu.memory_space<hbm>>
    %dma_start3A_123 = tpu.memref_squeeze %dma_start3A_122 : memref<1x8192xf32, #tpu.memory_space<hbm>> -> memref<8192xf32, #tpu.memory_space<hbm>>
    tpu.enqueue_dma source(%dma_start3A_123 : memref<8192xf32, #tpu.memory_space<hbm>>) target(%dma_start3A_120 : memref<8192xf32, #tpu.memory_space<vmem>>) target_semaphore(%arg14 : memref<!tpu.dma_semaphore, #tpu.memory_space<semaphore_mem>>)
    %parallel_loop3A = arith.constant 0 : i32
    %parallel_loop3A_124 = arith.constant 1024 : i32
    %parallel_loop3A_125 = arith.constant 1 : i32
    scf.for %parallel_loop3A_1405 = %parallel_loop3A to %parallel_loop3A_124 step %parallel_loop3A_125  : i32 {
      %parallel_loop3A_1406 = arith.constant 16 : i32
      %parallel_loop3A_1407 = arith.muli %parallel_loop3A_1405, %parallel_loop3A_1406 : i32
      %parallel_loop3A_1408 = arith.index_cast %parallel_loop3A_1407 : i32 to index
      %parallel_loop3A_1409 = tpu.vector_load %arg6[%parallel_loop3A_1408] {strides = array<i32>} : memref<16384xi32, #tpu.memory_space<vmem>>, vector<16xi32>,
      %parallel_loop3A_1410 = tpu.vector_load_idx %arg7[%parallel_loop3A_1409] : memref<16384xf32, #tpu.memory_space<vmem>>[vector<16xi32>], vector<16xf32>,
      %parallel_loop3A_1411 = arith.constant 16 : i32
      %parallel_loop3A_1412 = arith.muli %parallel_loop3A_1405, %parallel_loop3A_1411 : i32
      %parallel_loop3A_1413 = arith.index_cast %parallel_loop3A_1412 : i32 to index
      %parallel_loop3A_1414 = tpu.vector_load %arg11[%parallel_loop3A_1413] {strides = array<i32>} : memref<16384xf32, #tpu.memory_space<vmem>>, vector<16xf32>,
      tpu.vector_store %arg11[%parallel_loop3A_1413], %parallel_loop3A_1410 {strides = array<i32>} : memref<16384xf32, #tpu.memory_space<vmem>>, vector<16xf32>,
    } {sc.loop_unroll_factor = 8 : i64, sc.parallel_access}
    %add3A_126 = arith.constant 0 : i32
    %add3A_127 = arith.addi %mul3A_2, %add3A_126 : i32
    %dma_start3A_128 = arith.constant 0 : i32
    %dma_start3A_129 = tpu.memref_slice %arg11[%dma_start3A_128] : memref<16384xf32, #tpu.memory_space<vmem>> -> memref<8192xf32, #tpu.memory_space<vmem>>
    %dma_start3A_130 = arith.constant 0 : i32
    %dma_start3A_131 = tpu.memref_slice %arg5[%add3A_127, %dma_start3A_130] : memref<480x16384xf32, #tpu.memory_space<hbm>> -> memref<1x8192xf32, #tpu.memory_space<hbm>>
    %dma_start3A_132 = tpu.memref_squeeze %dma_start3A_131 : memref<1x8192xf32, #tpu.memory_space<hbm>> -> memref<8192xf32, #tpu.memory_space<hbm>>
    %dma_start3A_133 = arith.constant 0 : i32
    %dma_start3A_134 = tpu.memref_slice %arg5[%add3A_127, %dma_start3A_133] : memref<480x16384xf32, #tpu.memory_space<hbm>> -> memref<1x8192xf32, #tpu.memory_space<hbm>>
    %dma_start3A_135 = tpu.memref_squeeze %dma_start3A_134 : memref<1x8192xf32, #tpu.memory_space<hbm>> -> memref<8192xf32, #tpu.memory_space<hbm>>
    %dma_start3A_136 = arith.constant 0 : i32
    %dma_start3A_137 = tpu.memref_slice %arg11[%dma_start3A_136] : memref<16384xf32, #tpu.memory_space<vmem>> -> memref<8192xf32, #tpu.memory_space<vmem>>
    tpu.enqueue_dma source(%dma_start3A_137 : memref<8192xf32, #tpu.memory_space<vmem>>) target(%dma_start3A_135 : memref<8192xf32, #tpu.memory_space<hbm>>) target_semaphore(%arg15 : memref<!tpu.dma_semaphore, #tpu.memory_space<semaphore_mem>>)
    %add3A_138 = arith.constant 0 : i32
    %add3A_139 = arith.addi %mul3A_2, %add3A_138 : i32
    %dma_start3A_140 = arith.constant 8192 : i32
    %dma_start3A_141 = tpu.memref_slice %arg11[%dma_start3A_140] : memref<16384xf32, #tpu.memory_space<vmem>> -> memref<8192xf32, #tpu.memory_space<vmem>>
    %dma_start3A_142 = arith.constant 8192 : i32
    %dma_start3A_143 = tpu.memref_slice %arg5[%add3A_139, %dma_start3A_142] : memref<480x16384xf32, #tpu.memory_space<hbm>> -> memref<1x8192xf32, #tpu.memory_space<hbm>>
    %dma_start3A_144 = tpu.memref_squeeze %dma_start3A_143 : memref<1x8192xf32, #tpu.memory_space<hbm>> -> memref<8192xf32, #tpu.memory_space<hbm>>
    %dma_start3A_145 = arith.constant 8192 : i32
    %dma_start3A_146 = tpu.memref_slice %arg5[%add3A_139, %dma_start3A_145] : memref<480x16384xf32, #tpu.memory_space<hbm>> -> memref<1x8192xf32, #tpu.memory_space<hbm>>
    %dma_start3A_147 = tpu.memref_squeeze %dma_start3A_146 : memref<1x8192xf32, #tpu.memory_space<hbm>> -> memref<8192xf32, #tpu.memory_space<hbm>>
    %dma_start3A_148 = arith.constant 8192 : i32
    %dma_start3A_149 = tpu.memref_slice %arg11[%dma_start3A_148] : memref<16384xf32, #tpu.memory_space<vmem>> -> memref<8192xf32, #tpu.memory_space<vmem>>
    tpu.enqueue_dma source(%dma_start3A_149 : memref<8192xf32, #tpu.memory_space<vmem>>) target(%dma_start3A_147 : memref<8192xf32, #tpu.memory_space<hbm>>) target_semaphore(%arg15 : memref<!tpu.dma_semaphore, #tpu.memory_space<semaphore_mem>>)
    %dma_wait3A_150 = arith.constant 0 : i32
    %dma_wait3A_151 = tpu.memref_slice %arg8[%dma_wait3A_150] : memref<16384xf32, #tpu.memory_space<vmem>> -> memref<8192xf32, #tpu.memory_space<vmem>>
    %dma_wait3A_152 = arith.constant 0 : i32
    %dma_wait3A_153 = tpu.memref_slice %arg2[%add3A_35, %dma_wait3A_152] : memref<3120x16384xf32, #tpu.memory_space<hbm>> -> memref<1x8192xf32, #tpu.memory_space<hbm>>
    %dma_wait3A_154 = tpu.memref_squeeze %dma_wait3A_153 : memref<1x8192xf32, #tpu.memory_space<hbm>> -> memref<8192xf32, #tpu.memory_space<hbm>>
    %dma_wait3A_155 = arith.constant 0 : i32
    %dma_wait3A_156 = tpu.memref_slice %arg8[%dma_wait3A_155] : memref<16384xf32, #tpu.memory_space<vmem>> -> memref<8192xf32, #tpu.memory_space<vmem>>
    %dma_wait3A_157 = arith.constant 0 : i32
    %dma_wait3A_158 = tpu.memref_slice %arg2[%add3A_35, %dma_wait3A_157] : memref<3120x16384xf32, #tpu.memory_space<hbm>> -> memref<1x8192xf32, #tpu.memory_space<hbm>>
    %dma_wait3A_159 = tpu.memref_squeeze %dma_wait3A_158 : memref<1x8192xf32, #tpu.memory_space<hbm>> -> memref<8192xf32, #tpu.memory_space<hbm>>
    tpu.wait_dma2 semaphore(%arg14 : memref<!tpu.dma_semaphore, #tpu.memory_space<semaphore_mem>>) src(%dma_wait3A_159 : memref<8192xf32, #tpu.memory_space<hbm>>) dst(%dma_wait3A_156 : memref<8192xf32, #tpu.memory_space<vmem>>)
    %dma_wait3A_160 = arith.constant 8192 : i32
    %dma_wait3A_161 = tpu.memref_slice %arg8[%dma_wait3A_160] : memref<16384xf32, #tpu.memory_space<vmem>> -> memref<8192xf32, #tpu.memory_space<vmem>>
    %dma_wait3A_162 = arith.constant 8192 : i32
    %dma_wait3A_163 = tpu.memref_slice %arg2[%add3A_35, %dma_wait3A_162] : memref<3120x16384xf32, #tpu.memory_space<hbm>> -> memref<1x8192xf32, #tpu.memory_space<hbm>>
    %dma_wait3A_164 = tpu.memref_squeeze %dma_wait3A_163 : memref<1x8192xf32, #tpu.memory_space<hbm>> -> memref<8192xf32, #tpu.memory_space<hbm>>
    %dma_wait3A_165 = arith.constant 8192 : i32
    %dma_wait3A_166 = tpu.memref_slice %arg8[%dma_wait3A_165] : memref<16384xf32, #tpu.memory_space<vmem>> -> memref<8192xf32, #tpu.memory_space<vmem>>
    %dma_wait3A_167 = arith.constant 8192 : i32
    %dma_wait3A_168 = tpu.memref_slice %arg2[%add3A_35, %dma_wait3A_167] : memref<3120x16384xf32, #tpu.memory_space<hbm>> -> memref<1x8192xf32, #tpu.memory_space<hbm>>
    %dma_wait3A_169 = tpu.memref_squeeze %dma_wait3A_168 : memref<1x8192xf32, #tpu.memory_space<hbm>> -> memref<8192xf32, #tpu.memory_space<hbm>>
    tpu.wait_dma2 semaphore(%arg14 : memref<!tpu.dma_semaphore, #tpu.memory_space<semaphore_mem>>) src(%dma_wait3A_169 : memref<8192xf32, #tpu.memory_space<hbm>>) dst(%dma_wait3A_166 : memref<8192xf32, #tpu.memory_space<vmem>>)
    %add3A_170 = arith.addi %reduce_min3A_10, %mul3A_2 : i32
    %add3A_171 = arith.constant 1 : i32
    %add3A_172 = arith.addi %add3A_170, %add3A_171 : i32
    %add3A_173 = arith.constant 4 : i32
    %add3A_174 = arith.addi %add3A_172, %add3A_173 : i32
    %sub3A_175 = arith.constant 1 : i32
    %sub3A_176 = arith.subi %add3A_174, %sub3A_175 : i32
    %dma_start3A_177 = arith.constant 0 : i32
    %dma_start3A_178 = tpu.memref_slice %arg7[%dma_start3A_177] : memref<16384xf32, #tpu.memory_space<vmem>> -> memref<8192xf32, #tpu.memory_space<vmem>>
    %dma_start3A_179 = arith.constant 0 : i32
    %dma_start3A_180 = tpu.memref_slice %arg2[%sub3A_176, %dma_start3A_179] : memref<3120x16384xf32, #tpu.memory_space<hbm>> -> memref<1x8192xf32, #tpu.memory_space<hbm>>
    %dma_start3A_181 = tpu.memref_squeeze %dma_start3A_180 : memref<1x8192xf32, #tpu.memory_space<hbm>> -> memref<8192xf32, #tpu.memory_space<hbm>>
    %dma_start3A_182 = arith.constant 0 : i32
    %dma_start3A_183 = tpu.memref_slice %arg7[%dma_start3A_182] : memref<16384xf32, #tpu.memory_space<vmem>> -> memref<8192xf32, #tpu.memory_space<vmem>>
    %dma_start3A_184 = arith.constant 0 : i32
    %dma_start3A_185 = tpu.memref_slice %arg2[%sub3A_176, %dma_start3A_184] : memref<3120x16384xf32, #tpu.memory_space<hbm>> -> memref<1x8192xf32, #tpu.memory_space<hbm>>
    %dma_start3A_186 = tpu.memref_squeeze %dma_start3A_185 : memref<1x8192xf32, #tpu.memory_space<hbm>> -> memref<8192xf32, #tpu.memory_space<hbm>>
    tpu.enqueue_dma source(%dma_start3A_186 : memref<8192xf32, #tpu.memory_space<hbm>>) target(%dma_start3A_183 : memref<8192xf32, #tpu.memory_space<vmem>>) target_semaphore(%arg14 : memref<!tpu.dma_semaphore, #tpu.memory_space<semaphore_mem>>)
    %dma_start3A_187 = arith.constant 8192 : i32
    %dma_start3A_188 = tpu.memref_slice %arg7[%dma_start3A_187] : memref<16384xf32, #tpu.memory_space<vmem>> -> memref<8192xf32, #tpu.memory_space<vmem>>
    %dma_start3A_189 = arith.constant 8192 : i32
    %dma_start3A_190 = tpu.memref_slice %arg2[%sub3A_176, %dma_start3A_189] : memref<3120x16384xf32, #tpu.memory_space<hbm>> -> memref<1x8192xf32, #tpu.memory_space<hbm>>
    %dma_start3A_191 = tpu.memref_squeeze %dma_start3A_190 : memref<1x8192xf32, #tpu.memory_space<hbm>> -> memref<8192xf32, #tpu.memory_space<hbm>>
    %dma_start3A_192 = arith.constant 8192 : i32
    %dma_start3A_193 = tpu.memref_slice %arg7[%dma_start3A_192] : memref<16384xf32, #tpu.memory_space<vmem>> -> memref<8192xf32, #tpu.memory_space<vmem>>
    %dma_start3A_194 = arith.constant 8192 : i32
    %dma_start3A_195 = tpu.memref_slice %arg2[%sub3A_176, %dma_start3A_194] : memref<3120x16384xf32, #tpu.memory_space<hbm>> -> memref<1x8192xf32, #tpu.memory_space<hbm>>
    %dma_start3A_196 = tpu.memref_squeeze %dma_start3A_195 : memref<1x8192xf32, #tpu.memory_space<hbm>> -> memref<8192xf32, #tpu.memory_space<hbm>>
    tpu.enqueue_dma source(%dma_start3A_196 : memref<8192xf32, #tpu.memory_space<hbm>>) target(%dma_start3A_193 : memref<8192xf32, #tpu.memory_space<vmem>>) target_semaphore(%arg14 : memref<!tpu.dma_semaphore, #tpu.memory_space<semaphore_mem>>)
    %parallel_loop3A_197 = arith.constant 0 : i32
    %parallel_loop3A_198 = arith.constant 1024 : i32
    %parallel_loop3A_199 = arith.constant 1 : i32
    scf.for %parallel_loop3A_1405 = %parallel_loop3A_197 to %parallel_loop3A_198 step %parallel_loop3A_199  : i32 {
      %parallel_loop3A_1406 = arith.constant 16 : i32
      %parallel_loop3A_1407 = arith.muli %parallel_loop3A_1405, %parallel_loop3A_1406 : i32
      %parallel_loop3A_1408 = arith.index_cast %parallel_loop3A_1407 : i32 to index
      %parallel_loop3A_1409 = tpu.vector_load %arg6[%parallel_loop3A_1408] {strides = array<i32>} : memref<16384xi32, #tpu.memory_space<vmem>>, vector<16xi32>,
      %parallel_loop3A_1410 = tpu.vector_load_idx %arg8[%parallel_loop3A_1409] : memref<16384xf32, #tpu.memory_space<vmem>>[vector<16xi32>], vector<16xf32>,
      %parallel_loop3A_1411 = arith.constant 16 : i32
      %parallel_loop3A_1412 = arith.muli %parallel_loop3A_1405, %parallel_loop3A_1411 : i32
      %parallel_loop3A_1413 = arith.index_cast %parallel_loop3A_1412 : i32 to index
      %parallel_loop3A_1414 = tpu.vector_load %arg12[%parallel_loop3A_1413] {strides = array<i32>} : memref<16384xf32, #tpu.memory_space<vmem>>, vector<16xf32>,
      tpu.vector_store %arg12[%parallel_loop3A_1413], %parallel_loop3A_1410 {strides = array<i32>} : memref<16384xf32, #tpu.memory_space<vmem>>, vector<16xf32>,
    } {sc.loop_unroll_factor = 8 : i64, sc.parallel_access}
    %add3A_200 = arith.constant 1 : i32
    %add3A_201 = arith.addi %mul3A_2, %add3A_200 : i32
    %dma_start3A_202 = arith.constant 0 : i32
    %dma_start3A_203 = tpu.memref_slice %arg12[%dma_start3A_202] : memref<16384xf32, #tpu.memory_space<vmem>> -> memref<8192xf32, #tpu.memory_space<vmem>>
    %dma_start3A_204 = arith.constant 0 : i32
    %dma_start3A_205 = tpu.memref_slice %arg5[%add3A_201, %dma_start3A_204] : memref<480x16384xf32, #tpu.memory_space<hbm>> -> memref<1x8192xf32, #tpu.memory_space<hbm>>
    %dma_start3A_206 = tpu.memref_squeeze %dma_start3A_205 : memref<1x8192xf32, #tpu.memory_space<hbm>> -> memref<8192xf32, #tpu.memory_space<hbm>>
    %dma_start3A_207 = arith.constant 0 : i32
    %dma_start3A_208 = tpu.memref_slice %arg5[%add3A_201, %dma_start3A_207] : memref<480x16384xf32, #tpu.memory_space<hbm>> -> memref<1x8192xf32, #tpu.memory_space<hbm>>
    %dma_start3A_209 = tpu.memref_squeeze %dma_start3A_208 : memref<1x8192xf32, #tpu.memory_space<hbm>> -> memref<8192xf32, #tpu.memory_space<hbm>>
    %dma_start3A_210 = arith.constant 0 : i32
    %dma_start3A_211 = tpu.memref_slice %arg12[%dma_start3A_210] : memref<16384xf32, #tpu.memory_space<vmem>> -> memref<8192xf32, #tpu.memory_space<vmem>>
    tpu.enqueue_dma source(%dma_start3A_211 : memref<8192xf32, #tpu.memory_space<vmem>>) target(%dma_start3A_209 : memref<8192xf32, #tpu.memory_space<hbm>>) target_semaphore(%arg15 : memref<!tpu.dma_semaphore, #tpu.memory_space<semaphore_mem>>)
    %add3A_212 = arith.constant 1 : i32
    %add3A_213 = arith.addi %mul3A_2, %add3A_212 : i32
    %dma_start3A_214 = arith.constant 8192 : i32
    %dma_start3A_215 = tpu.memref_slice %arg12[%dma_start3A_214] : memref<16384xf32, #tpu.memory_space<vmem>> -> memref<8192xf32, #tpu.memory_space<vmem>>
    %dma_start3A_216 = arith.constant 8192 : i32
    %dma_start3A_217 = tpu.memref_slice %arg5[%add3A_213, %dma_start3A_216] : memref<480x16384xf32, #tpu.memory_space<hbm>> -> memref<1x8192xf32, #tpu.memory_space<hbm>>
    %dma_start3A_218 = tpu.memref_squeeze %dma_start3A_217 : memref<1x8192xf32, #tpu.memory_space<hbm>> -> memref<8192xf32, #tpu.memory_space<hbm>>
    %dma_start3A_219 = arith.constant 8192 : i32
    %dma_start3A_220 = tpu.memref_slice %arg5[%add3A_213, %dma_start3A_219] : memref<480x16384xf32, #tpu.memory_space<hbm>> -> memref<1x8192xf32, #tpu.memory_space<hbm>>
    %dma_start3A_221 = tpu.memref_squeeze %dma_start3A_220 : memref<1x8192xf32, #tpu.memory_space<hbm>> -> memref<8192xf32, #tpu.memory_space<hbm>>
    %dma_start3A_222 = arith.constant 8192 : i32
    %dma_start3A_223 = tpu.memref_slice %arg12[%dma_start3A_222] : memref<16384xf32, #tpu.memory_space<vmem>> -> memref<8192xf32, #tpu.memory_space<vmem>>
    tpu.enqueue_dma source(%dma_start3A_223 : memref<8192xf32, #tpu.memory_space<vmem>>) target(%dma_start3A_221 : memref<8192xf32, #tpu.memory_space<hbm>>) target_semaphore(%arg15 : memref<!tpu.dma_semaphore, #tpu.memory_space<semaphore_mem>>)
    %dma_wait3A_224 = arith.constant 0 : i32
    %dma_wait3A_225 = tpu.memref_slice %arg9[%dma_wait3A_224] : memref<16384xf32, #tpu.memory_space<vmem>> -> memref<8192xf32, #tpu.memory_space<vmem>>
    %dma_wait3A_226 = arith.constant 0 : i32
    %dma_wait3A_227 = tpu.memref_slice %arg2[%add3A_58, %dma_wait3A_226] : memref<3120x16384xf32, #tpu.memory_space<hbm>> -> memref<1x8192xf32, #tpu.memory_space<hbm>>
    %dma_wait3A_228 = tpu.memref_squeeze %dma_wait3A_227 : memref<1x8192xf32, #tpu.memory_space<hbm>> -> memref<8192xf32, #tpu.memory_space<hbm>>
    %dma_wait3A_229 = arith.constant 0 : i32
    %dma_wait3A_230 = tpu.memref_slice %arg9[%dma_wait3A_229] : memref<16384xf32, #tpu.memory_space<vmem>> -> memref<8192xf32, #tpu.memory_space<vmem>>
    %dma_wait3A_231 = arith.constant 0 : i32
    %dma_wait3A_232 = tpu.memref_slice %arg2[%add3A_58, %dma_wait3A_231] : memref<3120x16384xf32, #tpu.memory_space<hbm>> -> memref<1x8192xf32, #tpu.memory_space<hbm>>
    %dma_wait3A_233 = tpu.memref_squeeze %dma_wait3A_232 : memref<1x8192xf32, #tpu.memory_space<hbm>> -> memref<8192xf32, #tpu.memory_space<hbm>>
    tpu.wait_dma2 semaphore(%arg14 : memref<!tpu.dma_semaphore, #tpu.memory_space<semaphore_mem>>) src(%dma_wait3A_233 : memref<8192xf32, #tpu.memory_space<hbm>>) dst(%dma_wait3A_230 : memref<8192xf32, #tpu.memory_space<vmem>>)
    %dma_wait3A_234 = arith.constant 8192 : i32
    %dma_wait3A_235 = tpu.memref_slice %arg9[%dma_wait3A_234] : memref<16384xf32, #tpu.memory_space<vmem>> -> memref<8192xf32, #tpu.memory_space<vmem>>
    %dma_wait3A_236 = arith.constant 8192 : i32
    %dma_wait3A_237 = tpu.memref_slice %arg2[%add3A_58, %dma_wait3A_236] : memref<3120x16384xf32, #tpu.memory_space<hbm>> -> memref<1x8192xf32, #tpu.memory_space<hbm>>
    %dma_wait3A_238 = tpu.memref_squeeze %dma_wait3A_237 : memref<1x8192xf32, #tpu.memory_space<hbm>> -> memref<8192xf32, #tpu.memory_space<hbm>>
    %dma_wait3A_239 = arith.constant 8192 : i32
    %dma_wait3A_240 = tpu.memref_slice %arg9[%dma_wait3A_239] : memref<16384xf32, #tpu.memory_space<vmem>> -> memref<8192xf32, #tpu.memory_space<vmem>>
    %dma_wait3A_241 = arith.constant 8192 : i32
    %dma_wait3A_242 = tpu.memref_slice %arg2[%add3A_58, %dma_wait3A_241] : memref<3120x16384xf32, #tpu.memory_space<hbm>> -> memref<1x8192xf32, #tpu.memory_space<hbm>>
    %dma_wait3A_243 = tpu.memref_squeeze %dma_wait3A_242 : memref<1x8192xf32, #tpu.memory_space<hbm>> -> memref<8192xf32, #tpu.memory_space<hbm>>
    tpu.wait_dma2 semaphore(%arg14 : memref<!tpu.dma_semaphore, #tpu.memory_space<semaphore_mem>>) src(%dma_wait3A_243 : memref<8192xf32, #tpu.memory_space<hbm>>) dst(%dma_wait3A_240 : memref<8192xf32, #tpu.memory_space<vmem>>)
    %add3A_244 = arith.addi %reduce_min3A_10, %mul3A_2 : i32
    %add3A_245 = arith.constant 2 : i32
    %add3A_246 = arith.addi %add3A_244, %add3A_245 : i32
    %add3A_247 = arith.constant 4 : i32
    %add3A_248 = arith.addi %add3A_246, %add3A_247 : i32
    %sub3A_249 = arith.constant 1 : i32
    %sub3A_250 = arith.subi %add3A_248, %sub3A_249 : i32
    %dma_start3A_251 = arith.constant 0 : i32
    %dma_start3A_252 = tpu.memref_slice %arg8[%dma_start3A_251] : memref<16384xf32, #tpu.memory_space<vmem>> -> memref<8192xf32, #tpu.memory_space<vmem>>
    %dma_start3A_253 = arith.constant 0 : i32
    %dma_start3A_254 = tpu.memref_slice %arg2[%sub3A_250, %dma_start3A_253] : memref<3120x16384xf32, #tpu.memory_space<hbm>> -> memref<1x8192xf32, #tpu.memory_space<hbm>>
    %dma_start3A_255 = tpu.memref_squeeze %dma_start3A_254 : memref<1x8192xf32, #tpu.memory_space<hbm>> -> memref<8192xf32, #tpu.memory_space<hbm>>
    %dma_start3A_256 = arith.constant 0 : i32
    %dma_start3A_257 = tpu.memref_slice %arg8[%dma_start3A_256] : memref<16384xf32, #tpu.memory_space<vmem>> -> memref<8192xf32, #tpu.memory_space<vmem>>
    %dma_start3A_258 = arith.constant 0 : i32
    %dma_start3A_259 = tpu.memref_slice %arg2[%sub3A_250, %dma_start3A_258] : memref<3120x16384xf32, #tpu.memory_space<hbm>> -> memref<1x8192xf32, #tpu.memory_space<hbm>>
    %dma_start3A_260 = tpu.memref_squeeze %dma_start3A_259 : memref<1x8192xf32, #tpu.memory_space<hbm>> -> memref<8192xf32, #tpu.memory_space<hbm>>
    tpu.enqueue_dma source(%dma_start3A_260 : memref<8192xf32, #tpu.memory_space<hbm>>) target(%dma_start3A_257 : memref<8192xf32, #tpu.memory_space<vmem>>) target_semaphore(%arg14 : memref<!tpu.dma_semaphore, #tpu.memory_space<semaphore_mem>>)
    %dma_start3A_261 = arith.constant 8192 : i32
    %dma_start3A_262 = tpu.memref_slice %arg8[%dma_start3A_261] : memref<16384xf32, #tpu.memory_space<vmem>> -> memref<8192xf32, #tpu.memory_space<vmem>>
    %dma_start3A_263 = arith.constant 8192 : i32
    %dma_start3A_264 = tpu.memref_slice %arg2[%sub3A_250, %dma_start3A_263] : memref<3120x16384xf32, #tpu.memory_space<hbm>> -> memref<1x8192xf32, #tpu.memory_space<hbm>>
    %dma_start3A_265 = tpu.memref_squeeze %dma_start3A_264 : memref<1x8192xf32, #tpu.memory_space<hbm>> -> memref<8192xf32, #tpu.memory_space<hbm>>
    %dma_start3A_266 = arith.constant 8192 : i32
    %dma_start3A_267 = tpu.memref_slice %arg8[%dma_start3A_266] : memref<16384xf32, #tpu.memory_space<vmem>> -> memref<8192xf32, #tpu.memory_space<vmem>>
    %dma_start3A_268 = arith.constant 8192 : i32
    %dma_start3A_269 = tpu.memref_slice %arg2[%sub3A_250, %dma_start3A_268] : memref<3120x16384xf32, #tpu.memory_space<hbm>> -> memref<1x8192xf32, #tpu.memory_space<hbm>>
    %dma_start3A_270 = tpu.memref_squeeze %dma_start3A_269 : memref<1x8192xf32, #tpu.memory_space<hbm>> -> memref<8192xf32, #tpu.memory_space<hbm>>
    tpu.enqueue_dma source(%dma_start3A_270 : memref<8192xf32, #tpu.memory_space<hbm>>) target(%dma_start3A_267 : memref<8192xf32, #tpu.memory_space<vmem>>) target_semaphore(%arg14 : memref<!tpu.dma_semaphore, #tpu.memory_space<semaphore_mem>>)
    %dma_wait3A_271 = arith.constant 0 : i32
    %dma_wait3A_272 = tpu.memref_slice %arg11[%dma_wait3A_271] : memref<16384xf32, #tpu.memory_space<vmem>> -> memref<8192xf32, #tpu.memory_space<vmem>>
    %dma_wait3A_273 = arith.constant 0 : i32
    %dma_wait3A_274 = tpu.memref_slice %arg5[%add3A_127, %dma_wait3A_273] : memref<480x16384xf32, #tpu.memory_space<hbm>> -> memref<1x8192xf32, #tpu.memory_space<hbm>>
    %dma_wait3A_275 = tpu.memref_squeeze %dma_wait3A_274 : memref<1x8192xf32, #tpu.memory_space<hbm>> -> memref<8192xf32, #tpu.memory_space<hbm>>
    %dma_wait3A_276 = arith.constant 0 : i32
    %dma_wait3A_277 = tpu.memref_slice %arg5[%add3A_127, %dma_wait3A_276] : memref<480x16384xf32, #tpu.memory_space<hbm>> -> memref<1x8192xf32, #tpu.memory_space<hbm>>
    %dma_wait3A_278 = tpu.memref_squeeze %dma_wait3A_277 : memref<1x8192xf32, #tpu.memory_space<hbm>> -> memref<8192xf32, #tpu.memory_space<hbm>>
    %dma_wait3A_279 = arith.constant 0 : i32
    %dma_wait3A_280 = tpu.memref_slice %arg11[%dma_wait3A_279] : memref<16384xf32, #tpu.memory_space<vmem>> -> memref<8192xf32, #tpu.memory_space<vmem>>
    tpu.wait_dma2 semaphore(%arg15 : memref<!tpu.dma_semaphore, #tpu.memory_space<semaphore_mem>>) src(%dma_wait3A_280 : memref<8192xf32, #tpu.memory_space<vmem>>) dst(%dma_wait3A_278 : memref<8192xf32, #tpu.memory_space<hbm>>)
    %dma_wait3A_281 = arith.constant 8192 : i32
    %dma_wait3A_282 = tpu.memref_slice %arg11[%dma_wait3A_281] : memref<16384xf32, #tpu.memory_space<vmem>> -> memref<8192xf32, #tpu.memory_space<vmem>>
    %dma_wait3A_283 = arith.constant 8192 : i32
    %dma_wait3A_284 = tpu.memref_slice %arg5[%add3A_139, %dma_wait3A_283] : memref<480x16384xf32, #tpu.memory_space<hbm>> -> memref<1x8192xf32, #tpu.memory_space<hbm>>
    %dma_wait3A_285 = tpu.memref_squeeze %dma_wait3A_284 : memref<1x8192xf32, #tpu.memory_space<hbm>> -> memref<8192xf32, #tpu.memory_space<hbm>>
    %dma_wait3A_286 = arith.constant 8192 : i32
    %dma_wait3A_287 = tpu.memref_slice %arg5[%add3A_139, %dma_wait3A_286] : memref<480x16384xf32, #tpu.memory_space<hbm>> -> memref<1x8192xf32, #tpu.memory_space<hbm>>
    %dma_wait3A_288 = tpu.memref_squeeze %dma_wait3A_287 : memref<1x8192xf32, #tpu.memory_space<hbm>> -> memref<8192xf32, #tpu.memory_space<hbm>>
    %dma_wait3A_289 = arith.constant 8192 : i32
    %dma_wait3A_290 = tpu.memref_slice %arg11[%dma_wait3A_289] : memref<16384xf32, #tpu.memory_space<vmem>> -> memref<8192xf32, #tpu.memory_space<vmem>>
    tpu.wait_dma2 semaphore(%arg15 : memref<!tpu.dma_semaphore, #tpu.memory_space<semaphore_mem>>) src(%dma_wait3A_290 : memref<8192xf32, #tpu.memory_space<vmem>>) dst(%dma_wait3A_288 : memref<8192xf32, #tpu.memory_space<hbm>>)
    %parallel_loop3A_291 = arith.constant 0 : i32
    %parallel_loop3A_292 = arith.constant 1024 : i32
    %parallel_loop3A_293 = arith.constant 1 : i32
    scf.for %parallel_loop3A_1405 = %parallel_loop3A_291 to %parallel_loop3A_292 step %parallel_loop3A_293  : i32 {
      %parallel_loop3A_1406 = arith.constant 16 : i32
      %parallel_loop3A_1407 = arith.muli %parallel_loop3A_1405, %parallel_loop3A_1406 : i32
      %parallel_loop3A_1408 = arith.index_cast %parallel_loop3A_1407 : i32 to index
      %parallel_loop3A_1409 = tpu.vector_load %arg6[%parallel_loop3A_1408] {strides = array<i32>} : memref<16384xi32, #tpu.memory_space<vmem>>, vector<16xi32>,
      %parallel_loop3A_1410 = tpu.vector_load_idx %arg9[%parallel_loop3A_1409] : memref<16384xf32, #tpu.memory_space<vmem>>[vector<16xi32>], vector<16xf32>,
      %parallel_loop3A_1411 = arith.constant 16 : i32
      %parallel_loop3A_1412 = arith.muli %parallel_loop3A_1405, %parallel_loop3A_1411 : i32
      %parallel_loop3A_1413 = arith.index_cast %parallel_loop3A_1412 : i32 to index
      %parallel_loop3A_1414 = tpu.vector_load %arg11[%parallel_loop3A_1413] {strides = array<i32>} : memref<16384xf32, #tpu.memory_space<vmem>>, vector<16xf32>,
      tpu.vector_store %arg11[%parallel_loop3A_1413], %parallel_loop3A_1410 {strides = array<i32>} : memref<16384xf32, #tpu.memory_space<vmem>>, vector<16xf32>,
    } {sc.loop_unroll_factor = 8 : i64, sc.parallel_access}
    %add3A_294 = arith.constant 2 : i32
    %add3A_295 = arith.addi %mul3A_2, %add3A_294 : i32
    %dma_start3A_296 = arith.constant 0 : i32
    %dma_start3A_297 = tpu.memref_slice %arg11[%dma_start3A_296] : memref<16384xf32, #tpu.memory_space<vmem>> -> memref<8192xf32, #tpu.memory_space<vmem>>
    %dma_start3A_298 = arith.constant 0 : i32
    %dma_start3A_299 = tpu.memref_slice %arg5[%add3A_295, %dma_start3A_298] : memref<480x16384xf32, #tpu.memory_space<hbm>> -> memref<1x8192xf32, #tpu.memory_space<hbm>>
    %dma_start3A_300 = tpu.memref_squeeze %dma_start3A_299 : memref<1x8192xf32, #tpu.memory_space<hbm>> -> memref<8192xf32, #tpu.memory_space<hbm>>
    %dma_start3A_301 = arith.constant 0 : i32
    %dma_start3A_302 = tpu.memref_slice %arg5[%add3A_295, %dma_start3A_301] : memref<480x16384xf32, #tpu.memory_space<hbm>> -> memref<1x8192xf32, #tpu.memory_space<hbm>>
    %dma_start3A_303 = tpu.memref_squeeze %dma_start3A_302 : memref<1x8192xf32, #tpu.memory_space<hbm>> -> memref<8192xf32, #tpu.memory_space<hbm>>
    %dma_start3A_304 = arith.constant 0 : i32
    %dma_start3A_305 = tpu.memref_slice %arg11[%dma_start3A_304] : memref<16384xf32, #tpu.memory_space<vmem>> -> memref<8192xf32, #tpu.memory_space<vmem>>
    tpu.enqueue_dma source(%dma_start3A_305 : memref<8192xf32, #tpu.memory_space<vmem>>) target(%dma_start3A_303 : memref<8192xf32, #tpu.memory_space<hbm>>) target_semaphore(%arg15 : memref<!tpu.dma_semaphore, #tpu.memory_space<semaphore_mem>>)
    %add3A_306 = arith.constant 2 : i32
    %add3A_307 = arith.addi %mul3A_2, %add3A_306 : i32
    %dma_start3A_308 = arith.constant 8192 : i32
    %dma_start3A_309 = tpu.memref_slice %arg11[%dma_start3A_308] : memref<16384xf32, #tpu.memory_space<vmem>> -> memref<8192xf32, #tpu.memory_space<vmem>>
    %dma_start3A_310 = arith.constant 8192 : i32
    %dma_start3A_311 = tpu.memref_slice %arg5[%add3A_307, %dma_start3A_310] : memref<480x16384xf32, #tpu.memory_space<hbm>> -> memref<1x8192xf32, #tpu.memory_space<hbm>>
    %dma_start3A_312 = tpu.memref_squeeze %dma_start3A_311 : memref<1x8192xf32, #tpu.memory_space<hbm>> -> memref<8192xf32, #tpu.memory_space<hbm>>
    %dma_start3A_313 = arith.constant 8192 : i32
    %dma_start3A_314 = tpu.memref_slice %arg5[%add3A_307, %dma_start3A_313] : memref<480x16384xf32, #tpu.memory_space<hbm>> -> memref<1x8192xf32, #tpu.memory_space<hbm>>
    %dma_start3A_315 = tpu.memref_squeeze %dma_start3A_314 : memref<1x8192xf32, #tpu.memory_space<hbm>> -> memref<8192xf32, #tpu.memory_space<hbm>>
    %dma_start3A_316 = arith.constant 8192 : i32
    %dma_start3A_317 = tpu.memref_slice %arg11[%dma_start3A_316] : memref<16384xf32, #tpu.memory_space<vmem>> -> memref<8192xf32, #tpu.memory_space<vmem>>
    tpu.enqueue_dma source(%dma_start3A_317 : memref<8192xf32, #tpu.memory_space<vmem>>) target(%dma_start3A_315 : memref<8192xf32, #tpu.memory_space<hbm>>) target_semaphore(%arg15 : memref<!tpu.dma_semaphore, #tpu.memory_space<semaphore_mem>>)
    %dma_wait3A_318 = arith.constant 0 : i32
    %dma_wait3A_319 = tpu.memref_slice %arg10[%dma_wait3A_318] : memref<16384xf32, #tpu.memory_space<vmem>> -> memref<8192xf32, #tpu.memory_space<vmem>>
    %dma_wait3A_320 = arith.constant 0 : i32
    %dma_wait3A_321 = tpu.memref_slice %arg2[%sub3A_103, %dma_wait3A_320] : memref<3120x16384xf32, #tpu.memory_space<hbm>> -> memref<1x8192xf32, #tpu.memory_space<hbm>>
    %dma_wait3A_322 = tpu.memref_squeeze %dma_wait3A_321 : memref<1x8192xf32, #tpu.memory_space<hbm>> -> memref<8192xf32, #tpu.memory_space<hbm>>
    %dma_wait3A_323 = arith.constant 0 : i32
    %dma_wait3A_324 = tpu.memref_slice %arg10[%dma_wait3A_323] : memref<16384xf32, #tpu.memory_space<vmem>> -> memref<8192xf32, #tpu.memory_space<vmem>>
    %dma_wait3A_325 = arith.constant 0 : i32
    %dma_wait3A_326 = tpu.memref_slice %arg2[%sub3A_103, %dma_wait3A_325] : memref<3120x16384xf32, #tpu.memory_space<hbm>> -> memref<1x8192xf32, #tpu.memory_space<hbm>>
    %dma_wait3A_327 = tpu.memref_squeeze %dma_wait3A_326 : memref<1x8192xf32, #tpu.memory_space<hbm>> -> memref<8192xf32, #tpu.memory_space<hbm>>
    tpu.wait_dma2 semaphore(%arg14 : memref<!tpu.dma_semaphore, #tpu.memory_space<semaphore_mem>>) src(%dma_wait3A_327 : memref<8192xf32, #tpu.memory_space<hbm>>) dst(%dma_wait3A_324 : memref<8192xf32, #tpu.memory_space<vmem>>)
    %dma_wait3A_328 = arith.constant 8192 : i32
    %dma_wait3A_329 = tpu.memref_slice %arg10[%dma_wait3A_328] : memref<16384xf32, #tpu.memory_space<vmem>> -> memref<8192xf32, #tpu.memory_space<vmem>>
    %dma_wait3A_330 = arith.constant 8192 : i32
    %dma_wait3A_331 = tpu.memref_slice %arg2[%sub3A_103, %dma_wait3A_330] : memref<3120x16384xf32, #tpu.memory_space<hbm>> -> memref<1x8192xf32, #tpu.memory_space<hbm>>
    %dma_wait3A_332 = tpu.memref_squeeze %dma_wait3A_331 : memref<1x8192xf32, #tpu.memory_space<hbm>> -> memref<8192xf32, #tpu.memory_space<hbm>>
    %dma_wait3A_333 = arith.constant 8192 : i32
    %dma_wait3A_334 = tpu.memref_slice %arg10[%dma_wait3A_333] : memref<16384xf32, #tpu.memory_space<vmem>> -> memref<8192xf32, #tpu.memory_space<vmem>>
    %dma_wait3A_335 = arith.constant 8192 : i32
    %dma_wait3A_336 = tpu.memref_slice %arg2[%sub3A_103, %dma_wait3A_335] : memref<3120x16384xf32, #tpu.memory_space<hbm>> -> memref<1x8192xf32, #tpu.memory_space<hbm>>
    %dma_wait3A_337 = tpu.memref_squeeze %dma_wait3A_336 : memref<1x8192xf32, #tpu.memory_space<hbm>> -> memref<8192xf32, #tpu.memory_space<hbm>>
    tpu.wait_dma2 semaphore(%arg14 : memref<!tpu.dma_semaphore, #tpu.memory_space<semaphore_mem>>) src(%dma_wait3A_337 : memref<8192xf32, #tpu.memory_space<hbm>>) dst(%dma_wait3A_334 : memref<8192xf32, #tpu.memory_space<vmem>>)
    %add3A_338 = arith.addi %reduce_min3A_10, %mul3A_2 : i32
    %add3A_339 = arith.constant 3 : i32
    %add3A_340 = arith.addi %add3A_338, %add3A_339 : i32
    %add3A_341 = arith.constant 4 : i32
    %add3A_342 = arith.addi %add3A_340, %add3A_341 : i32
    %sub3A_343 = arith.constant 1 : i32
    %sub3A_344 = arith.subi %add3A_342, %sub3A_343 : i32
    %dma_start3A_345 = arith.constant 0 : i32
    %dma_start3A_346 = tpu.memref_slice %arg9[%dma_start3A_345] : memref<16384xf32, #tpu.memory_space<vmem>> -> memref<8192xf32, #tpu.memory_space<vmem>>
    %dma_start3A_347 = arith.constant 0 : i32
    %dma_start3A_348 = tpu.memref_slice %arg2[%sub3A_344, %dma_start3A_347] : memref<3120x16384xf32, #tpu.memory_space<hbm>> -> memref<1x8192xf32, #tpu.memory_space<hbm>>
    %dma_start3A_349 = tpu.memref_squeeze %dma_start3A_348 : memref<1x8192xf32, #tpu.memory_space<hbm>> -> memref<8192xf32, #tpu.memory_space<hbm>>
    %dma_start3A_350 = arith.constant 0 : i32
    %dma_start3A_351 = tpu.memref_slice %arg9[%dma_start3A_350] : memref<16384xf32, #tpu.memory_space<vmem>> -> memref<8192xf32, #tpu.memory_space<vmem>>
    %dma_start3A_352 = arith.constant 0 : i32
    %dma_start3A_353 = tpu.memref_slice %arg2[%sub3A_344, %dma_start3A_352] : memref<3120x16384xf32, #tpu.memory_space<hbm>> -> memref<1x8192xf32, #tpu.memory_space<hbm>>
    %dma_start3A_354 = tpu.memref_squeeze %dma_start3A_353 : memref<1x8192xf32, #tpu.memory_space<hbm>> -> memref<8192xf32, #tpu.memory_space<hbm>>
    tpu.enqueue_dma source(%dma_start3A_354 : memref<8192xf32, #tpu.memory_space<hbm>>) target(%dma_start3A_351 : memref<8192xf32, #tpu.memory_space<vmem>>) target_semaphore(%arg14 : memref<!tpu.dma_semaphore, #tpu.memory_space<semaphore_mem>>)
    %dma_start3A_355 = arith.constant 8192 : i32
    %dma_start3A_356 = tpu.memref_slice %arg9[%dma_start3A_355] : memref<16384xf32, #tpu.memory_space<vmem>> -> memref<8192xf32, #tpu.memory_space<vmem>>
    %dma_start3A_357 = arith.constant 8192 : i32
    %dma_start3A_358 = tpu.memref_slice %arg2[%sub3A_344, %dma_start3A_357] : memref<3120x16384xf32, #tpu.memory_space<hbm>> -> memref<1x8192xf32, #tpu.memory_space<hbm>>
    %dma_start3A_359 = tpu.memref_squeeze %dma_start3A_358 : memref<1x8192xf32, #tpu.memory_space<hbm>> -> memref<8192xf32, #tpu.memory_space<hbm>>
    %dma_start3A_360 = arith.constant 8192 : i32
    %dma_start3A_361 = tpu.memref_slice %arg9[%dma_start3A_360] : memref<16384xf32, #tpu.memory_space<vmem>> -> memref<8192xf32, #tpu.memory_space<vmem>>
    %dma_start3A_362 = arith.constant 8192 : i32
    %dma_start3A_363 = tpu.memref_slice %arg2[%sub3A_344, %dma_start3A_362] : memref<3120x16384xf32, #tpu.memory_space<hbm>> -> memref<1x8192xf32, #tpu.memory_space<hbm>>
    %dma_start3A_364 = tpu.memref_squeeze %dma_start3A_363 : memref<1x8192xf32, #tpu.memory_space<hbm>> -> memref<8192xf32, #tpu.memory_space<hbm>>
    tpu.enqueue_dma source(%dma_start3A_364 : memref<8192xf32, #tpu.memory_space<hbm>>) target(%dma_start3A_361 : memref<8192xf32, #tpu.memory_space<vmem>>) target_semaphore(%arg14 : memref<!tpu.dma_semaphore, #tpu.memory_space<semaphore_mem>>)
    %dma_wait3A_365 = arith.constant 0 : i32
    %dma_wait3A_366 = tpu.memref_slice %arg12[%dma_wait3A_365] : memref<16384xf32, #tpu.memory_space<vmem>> -> memref<8192xf32, #tpu.memory_space<vmem>>
    %dma_wait3A_367 = arith.constant 0 : i32
    %dma_wait3A_368 = tpu.memref_slice %arg5[%add3A_201, %dma_wait3A_367] : memref<480x16384xf32, #tpu.memory_space<hbm>> -> memref<1x8192xf32, #tpu.memory_space<hbm>>
    %dma_wait3A_369 = tpu.memref_squeeze %dma_wait3A_368 : memref<1x8192xf32, #tpu.memory_space<hbm>> -> memref<8192xf32, #tpu.memory_space<hbm>>
    %dma_wait3A_370 = arith.constant 0 : i32
    %dma_wait3A_371 = tpu.memref_slice %arg5[%add3A_201, %dma_wait3A_370] : memref<480x16384xf32, #tpu.memory_space<hbm>> -> memref<1x8192xf32, #tpu.memory_space<hbm>>
    %dma_wait3A_372 = tpu.memref_squeeze %dma_wait3A_371 : memref<1x8192xf32, #tpu.memory_space<hbm>> -> memref<8192xf32, #tpu.memory_space<hbm>>
    %dma_wait3A_373 = arith.constant 0 : i32
    %dma_wait3A_374 = tpu.memref_slice %arg12[%dma_wait3A_373] : memref<16384xf32, #tpu.memory_space<vmem>> -> memref<8192xf32, #tpu.memory_space<vmem>>
    tpu.wait_dma2 semaphore(%arg15 : memref<!tpu.dma_semaphore, #tpu.memory_space<semaphore_mem>>) src(%dma_wait3A_374 : memref<8192xf32, #tpu.memory_space<vmem>>) dst(%dma_wait3A_372 : memref<8192xf32, #tpu.memory_space<hbm>>)
    %dma_wait3A_375 = arith.constant 8192 : i32
    %dma_wait3A_376 = tpu.memref_slice %arg12[%dma_wait3A_375] : memref<16384xf32, #tpu.memory_space<vmem>> -> memref<8192xf32, #tpu.memory_space<vmem>>
    %dma_wait3A_377 = arith.constant 8192 : i32
    %dma_wait3A_378 = tpu.memref_slice %arg5[%add3A_213, %dma_wait3A_377] : memref<480x16384xf32, #tpu.memory_space<hbm>> -> memref<1x8192xf32, #tpu.memory_space<hbm>>
    %dma_wait3A_379 = tpu.memref_squeeze %dma_wait3A_378 : memref<1x8192xf32, #tpu.memory_space<hbm>> -> memref<8192xf32, #tpu.memory_space<hbm>>
    %dma_wait3A_380 = arith.constant 8192 : i32
    %dma_wait3A_381 = tpu.memref_slice %arg5[%add3A_213, %dma_wait3A_380] : memref<480x16384xf32, #tpu.memory_space<hbm>> -> memref<1x8192xf32, #tpu.memory_space<hbm>>
    %dma_wait3A_382 = tpu.memref_squeeze %dma_wait3A_381 : memref<1x8192xf32, #tpu.memory_space<hbm>> -> memref<8192xf32, #tpu.memory_space<hbm>>
    %dma_wait3A_383 = arith.constant 8192 : i32
    %dma_wait3A_384 = tpu.memref_slice %arg12[%dma_wait3A_383] : memref<16384xf32, #tpu.memory_space<vmem>> -> memref<8192xf32, #tpu.memory_space<vmem>>
    tpu.wait_dma2 semaphore(%arg15 : memref<!tpu.dma_semaphore, #tpu.memory_space<semaphore_mem>>) src(%dma_wait3A_384 : memref<8192xf32, #tpu.memory_space<vmem>>) dst(%dma_wait3A_382 : memref<8192xf32, #tpu.memory_space<hbm>>)
    %parallel_loop3A_385 = arith.constant 0 : i32
    %parallel_loop3A_386 = arith.constant 1024 : i32
    %parallel_loop3A_387 = arith.constant 1 : i32
    scf.for %parallel_loop3A_1405 = %parallel_loop3A_385 to %parallel_loop3A_386 step %parallel_loop3A_387  : i32 {
      %parallel_loop3A_1406 = arith.constant 16 : i32
      %parallel_loop3A_1407 = arith.muli %parallel_loop3A_1405, %parallel_loop3A_1406 : i32
      %parallel_loop3A_1408 = arith.index_cast %parallel_loop3A_1407 : i32 to index
      %parallel_loop3A_1409 = tpu.vector_load %arg6[%parallel_loop3A_1408] {strides = array<i32>} : memref<16384xi32, #tpu.memory_space<vmem>>, vector<16xi32>,
      %parallel_loop3A_1410 = tpu.vector_load_idx %arg10[%parallel_loop3A_1409] : memref<16384xf32, #tpu.memory_space<vmem>>[vector<16xi32>], vector<16xf32>,
      %parallel_loop3A_1411 = arith.constant 16 : i32
      %parallel_loop3A_1412 = arith.muli %parallel_loop3A_1405, %parallel_loop3A_1411 : i32
      %parallel_loop3A_1413 = arith.index_cast %parallel_loop3A_1412 : i32 to index
      %parallel_loop3A_1414 = tpu.vector_load %arg12[%parallel_loop3A_1413] {strides = array<i32>} : memref<16384xf32, #tpu.memory_space<vmem>>, vector<16xf32>,
      tpu.vector_store %arg12[%parallel_loop3A_1413], %parallel_loop3A_1410 {strides = array<i32>} : memref<16384xf32, #tpu.memory_space<vmem>>, vector<16xf32>,
    } {sc.loop_unroll_factor = 8 : i64, sc.parallel_access}
    %add3A_388 = arith.constant 3 : i32
    %add3A_389 = arith.addi %mul3A_2, %add3A_388 : i32
    %dma_start3A_390 = arith.constant 0 : i32
    %dma_start3A_391 = tpu.memref_slice %arg12[%dma_start3A_390] : memref<16384xf32, #tpu.memory_space<vmem>> -> memref<8192xf32, #tpu.memory_space<vmem>>
    %dma_start3A_392 = arith.constant 0 : i32
    %dma_start3A_393 = tpu.memref_slice %arg5[%add3A_389, %dma_start3A_392] : memref<480x16384xf32, #tpu.memory_space<hbm>> -> memref<1x8192xf32, #tpu.memory_space<hbm>>
    %dma_start3A_394 = tpu.memref_squeeze %dma_start3A_393 : memref<1x8192xf32, #tpu.memory_space<hbm>> -> memref<8192xf32, #tpu.memory_space<hbm>>
    %dma_start3A_395 = arith.constant 0 : i32
    %dma_start3A_396 = tpu.memref_slice %arg5[%add3A_389, %dma_start3A_395] : memref<480x16384xf32, #tpu.memory_space<hbm>> -> memref<1x8192xf32, #tpu.memory_space<hbm>>
    %dma_start3A_397 = tpu.memref_squeeze %dma_start3A_396 : memref<1x8192xf32, #tpu.memory_space<hbm>> -> memref<8192xf32, #tpu.memory_space<hbm>>
    %dma_start3A_398 = arith.constant 0 : i32
    %dma_start3A_399 = tpu.memref_slice %arg12[%dma_start3A_398] : memref<16384xf32, #tpu.memory_space<vmem>> -> memref<8192xf32, #tpu.memory_space<vmem>>
    tpu.enqueue_dma source(%dma_start3A_399 : memref<8192xf32, #tpu.memory_space<vmem>>) target(%dma_start3A_397 : memref<8192xf32, #tpu.memory_space<hbm>>) target_semaphore(%arg15 : memref<!tpu.dma_semaphore, #tpu.memory_space<semaphore_mem>>)
    %add3A_400 = arith.constant 3 : i32
    %add3A_401 = arith.addi %mul3A_2, %add3A_400 : i32
    %dma_start3A_402 = arith.constant 8192 : i32
    %dma_start3A_403 = tpu.memref_slice %arg12[%dma_start3A_402] : memref<16384xf32, #tpu.memory_space<vmem>> -> memref<8192xf32, #tpu.memory_space<vmem>>
    %dma_start3A_404 = arith.constant 8192 : i32
    %dma_start3A_405 = tpu.memref_slice %arg5[%add3A_401, %dma_start3A_404] : memref<480x16384xf32, #tpu.memory_space<hbm>> -> memref<1x8192xf32, #tpu.memory_space<hbm>>
    %dma_start3A_406 = tpu.memref_squeeze %dma_start3A_405 : memref<1x8192xf32, #tpu.memory_space<hbm>> -> memref<8192xf32, #tpu.memory_space<hbm>>
    %dma_start3A_407 = arith.constant 8192 : i32
    %dma_start3A_408 = tpu.memref_slice %arg5[%add3A_401, %dma_start3A_407] : memref<480x16384xf32, #tpu.memory_space<hbm>> -> memref<1x8192xf32, #tpu.memory_space<hbm>>
    %dma_start3A_409 = tpu.memref_squeeze %dma_start3A_408 : memref<1x8192xf32, #tpu.memory_space<hbm>> -> memref<8192xf32, #tpu.memory_space<hbm>>
    %dma_start3A_410 = arith.constant 8192 : i32
    %dma_start3A_411 = tpu.memref_slice %arg12[%dma_start3A_410] : memref<16384xf32, #tpu.memory_space<vmem>> -> memref<8192xf32, #tpu.memory_space<vmem>>
    tpu.enqueue_dma source(%dma_start3A_411 : memref<8192xf32, #tpu.memory_space<vmem>>) target(%dma_start3A_409 : memref<8192xf32, #tpu.memory_space<hbm>>) target_semaphore(%arg15 : memref<!tpu.dma_semaphore, #tpu.memory_space<semaphore_mem>>)
    %dma_wait3A_412 = arith.constant 0 : i32
    %dma_wait3A_413 = tpu.memref_slice %arg7[%dma_wait3A_412] : memref<16384xf32, #tpu.memory_space<vmem>> -> memref<8192xf32, #tpu.memory_space<vmem>>
    %dma_wait3A_414 = arith.constant 0 : i32
    %dma_wait3A_415 = tpu.memref_slice %arg2[%sub3A_176, %dma_wait3A_414] : memref<3120x16384xf32, #tpu.memory_space<hbm>> -> memref<1x8192xf32, #tpu.memory_space<hbm>>
    %dma_wait3A_416 = tpu.memref_squeeze %dma_wait3A_415 : memref<1x8192xf32, #tpu.memory_space<hbm>> -> memref<8192xf32, #tpu.memory_space<hbm>>
    %dma_wait3A_417 = arith.constant 0 : i32
    %dma_wait3A_418 = tpu.memref_slice %arg7[%dma_wait3A_417] : memref<16384xf32, #tpu.memory_space<vmem>> -> memref<8192xf32, #tpu.memory_space<vmem>>
    %dma_wait3A_419 = arith.constant 0 : i32
    %dma_wait3A_420 = tpu.memref_slice %arg2[%sub3A_176, %dma_wait3A_419] : memref<3120x16384xf32, #tpu.memory_space<hbm>> -> memref<1x8192xf32, #tpu.memory_space<hbm>>
    %dma_wait3A_421 = tpu.memref_squeeze %dma_wait3A_420 : memref<1x8192xf32, #tpu.memory_space<hbm>> -> memref<8192xf32, #tpu.memory_space<hbm>>
    tpu.wait_dma2 semaphore(%arg14 : memref<!tpu.dma_semaphore, #tpu.memory_space<semaphore_mem>>) src(%dma_wait3A_421 : memref<8192xf32, #tpu.memory_space<hbm>>) dst(%dma_wait3A_418 : memref<8192xf32, #tpu.memory_space<vmem>>)
    %dma_wait3A_422 = arith.constant 8192 : i32
    %dma_wait3A_423 = tpu.memref_slice %arg7[%dma_wait3A_422] : memref<16384xf32, #tpu.memory_space<vmem>> -> memref<8192xf32, #tpu.memory_space<vmem>>
    %dma_wait3A_424 = arith.constant 8192 : i32
    %dma_wait3A_425 = tpu.memref_slice %arg2[%sub3A_176, %dma_wait3A_424] : memref<3120x16384xf32, #tpu.memory_space<hbm>> -> memref<1x8192xf32, #tpu.memory_space<hbm>>
    %dma_wait3A_426 = tpu.memref_squeeze %dma_wait3A_425 : memref<1x8192xf32, #tpu.memory_space<hbm>> -> memref<8192xf32, #tpu.memory_space<hbm>>
    %dma_wait3A_427 = arith.constant 8192 : i32
    %dma_wait3A_428 = tpu.memref_slice %arg7[%dma_wait3A_427] : memref<16384xf32, #tpu.memory_space<vmem>> -> memref<8192xf32, #tpu.memory_space<vmem>>
    %dma_wait3A_429 = arith.constant 8192 : i32
    %dma_wait3A_430 = tpu.memref_slice %arg2[%sub3A_176, %dma_wait3A_429] : memref<3120x16384xf32, #tpu.memory_space<hbm>> -> memref<1x8192xf32, #tpu.memory_space<hbm>>
    %dma_wait3A_431 = tpu.memref_squeeze %dma_wait3A_430 : memref<1x8192xf32, #tpu.memory_space<hbm>> -> memref<8192xf32, #tpu.memory_space<hbm>>
    tpu.wait_dma2 semaphore(%arg14 : memref<!tpu.dma_semaphore, #tpu.memory_space<semaphore_mem>>) src(%dma_wait3A_431 : memref<8192xf32, #tpu.memory_space<hbm>>) dst(%dma_wait3A_428 : memref<8192xf32, #tpu.memory_space<vmem>>)
    %add3A_432 = arith.addi %reduce_min3A_10, %mul3A_2 : i32
    %add3A_433 = arith.constant 4 : i32
    %add3A_434 = arith.addi %add3A_432, %add3A_433 : i32
    %add3A_435 = arith.constant 4 : i32
    %add3A_436 = arith.addi %add3A_434, %add3A_435 : i32
    %sub3A_437 = arith.constant 1 : i32
    %sub3A_438 = arith.subi %add3A_436, %sub3A_437 : i32
    %dma_start3A_439 = arith.constant 0 : i32
    %dma_start3A_440 = tpu.memref_slice %arg10[%dma_start3A_439] : memref<16384xf32, #tpu.memory_space<vmem>> -> memref<8192xf32, #tpu.memory_space<vmem>>
    %dma_start3A_441 = arith.constant 0 : i32
    %dma_start3A_442 = tpu.memref_slice %arg2[%sub3A_438, %dma_start3A_441] : memref<3120x16384xf32, #tpu.memory_space<hbm>> -> memref<1x8192xf32, #tpu.memory_space<hbm>>
    %dma_start3A_443 = tpu.memref_squeeze %dma_start3A_442 : memref<1x8192xf32, #tpu.memory_space<hbm>> -> memref<8192xf32, #tpu.memory_space<hbm>>
    %dma_start3A_444 = arith.constant 0 : i32
    %dma_start3A_445 = tpu.memref_slice %arg10[%dma_start3A_444] : memref<16384xf32, #tpu.memory_space<vmem>> -> memref<8192xf32, #tpu.memory_space<vmem>>
    %dma_start3A_446 = arith.constant 0 : i32
    %dma_start3A_447 = tpu.memref_slice %arg2[%sub3A_438, %dma_start3A_446] : memref<3120x16384xf32, #tpu.memory_space<hbm>> -> memref<1x8192xf32, #tpu.memory_space<hbm>>
    %dma_start3A_448 = tpu.memref_squeeze %dma_start3A_447 : memref<1x8192xf32, #tpu.memory_space<hbm>> -> memref<8192xf32, #tpu.memory_space<hbm>>
    tpu.enqueue_dma source(%dma_start3A_448 : memref<8192xf32, #tpu.memory_space<hbm>>) target(%dma_start3A_445 : memref<8192xf32, #tpu.memory_space<vmem>>) target_semaphore(%arg14 : memref<!tpu.dma_semaphore, #tpu.memory_space<semaphore_mem>>)
    %dma_start3A_449 = arith.constant 8192 : i32
    %dma_start3A_450 = tpu.memref_slice %arg10[%dma_start3A_449] : memref<16384xf32, #tpu.memory_space<vmem>> -> memref<8192xf32, #tpu.memory_space<vmem>>
    %dma_start3A_451 = arith.constant 8192 : i32
    %dma_start3A_452 = tpu.memref_slice %arg2[%sub3A_438, %dma_start3A_451] : memref<3120x16384xf32, #tpu.memory_space<hbm>> -> memref<1x8192xf32, #tpu.memory_space<hbm>>
    %dma_start3A_453 = tpu.memref_squeeze %dma_start3A_452 : memref<1x8192xf32, #tpu.memory_space<hbm>> -> memref<8192xf32, #tpu.memory_space<hbm>>
    %dma_start3A_454 = arith.constant 8192 : i32
    %dma_start3A_455 = tpu.memref_slice %arg10[%dma_start3A_454] : memref<16384xf32, #tpu.memory_space<vmem>> -> memref<8192xf32, #tpu.memory_space<vmem>>
    %dma_start3A_456 = arith.constant 8192 : i32
    %dma_start3A_457 = tpu.memref_slice %arg2[%sub3A_438, %dma_start3A_456] : memref<3120x16384xf32, #tpu.memory_space<hbm>> -> memref<1x8192xf32, #tpu.memory_space<hbm>>
    %dma_start3A_458 = tpu.memref_squeeze %dma_start3A_457 : memref<1x8192xf32, #tpu.memory_space<hbm>> -> memref<8192xf32, #tpu.memory_space<hbm>>
    tpu.enqueue_dma source(%dma_start3A_458 : memref<8192xf32, #tpu.memory_space<hbm>>) target(%dma_start3A_455 : memref<8192xf32, #tpu.memory_space<vmem>>) target_semaphore(%arg14 : memref<!tpu.dma_semaphore, #tpu.memory_space<semaphore_mem>>)
    %dma_wait3A_459 = arith.constant 0 : i32
    %dma_wait3A_460 = tpu.memref_slice %arg11[%dma_wait3A_459] : memref<16384xf32, #tpu.memory_space<vmem>> -> memref<8192xf32, #tpu.memory_space<vmem>>
    %dma_wait3A_461 = arith.constant 0 : i32
    %dma_wait3A_462 = tpu.memref_slice %arg5[%add3A_295, %dma_wait3A_461] : memref<480x16384xf32, #tpu.memory_space<hbm>> -> memref<1x8192xf32, #tpu.memory_space<hbm>>
    %dma_wait3A_463 = tpu.memref_squeeze %dma_wait3A_462 : memref<1x8192xf32, #tpu.memory_space<hbm>> -> memref<8192xf32, #tpu.memory_space<hbm>>
    %dma_wait3A_464 = arith.constant 0 : i32
    %dma_wait3A_465 = tpu.memref_slice %arg5[%add3A_295, %dma_wait3A_464] : memref<480x16384xf32, #tpu.memory_space<hbm>> -> memref<1x8192xf32, #tpu.memory_space<hbm>>
    %dma_wait3A_466 = tpu.memref_squeeze %dma_wait3A_465 : memref<1x8192xf32, #tpu.memory_space<hbm>> -> memref<8192xf32, #tpu.memory_space<hbm>>
    %dma_wait3A_467 = arith.constant 0 : i32
    %dma_wait3A_468 = tpu.memref_slice %arg11[%dma_wait3A_467] : memref<16384xf32, #tpu.memory_space<vmem>> -> memref<8192xf32, #tpu.memory_space<vmem>>
    tpu.wait_dma2 semaphore(%arg15 : memref<!tpu.dma_semaphore, #tpu.memory_space<semaphore_mem>>) src(%dma_wait3A_468 : memref<8192xf32, #tpu.memory_space<vmem>>) dst(%dma_wait3A_466 : memref<8192xf32, #tpu.memory_space<hbm>>)
    %dma_wait3A_469 = arith.constant 8192 : i32
    %dma_wait3A_470 = tpu.memref_slice %arg11[%dma_wait3A_469] : memref<16384xf32, #tpu.memory_space<vmem>> -> memref<8192xf32, #tpu.memory_space<vmem>>
    %dma_wait3A_471 = arith.constant 8192 : i32
    %dma_wait3A_472 = tpu.memref_slice %arg5[%add3A_307, %dma_wait3A_471] : memref<480x16384xf32, #tpu.memory_space<hbm>> -> memref<1x8192xf32, #tpu.memory_space<hbm>>
    %dma_wait3A_473 = tpu.memref_squeeze %dma_wait3A_472 : memref<1x8192xf32, #tpu.memory_space<hbm>> -> memref<8192xf32, #tpu.memory_space<hbm>>
    %dma_wait3A_474 = arith.constant 8192 : i32
    %dma_wait3A_475 = tpu.memref_slice %arg5[%add3A_307, %dma_wait3A_474] : memref<480x16384xf32, #tpu.memory_space<hbm>> -> memref<1x8192xf32, #tpu.memory_space<hbm>>
    %dma_wait3A_476 = tpu.memref_squeeze %dma_wait3A_475 : memref<1x8192xf32, #tpu.memory_space<hbm>> -> memref<8192xf32, #tpu.memory_space<hbm>>
    %dma_wait3A_477 = arith.constant 8192 : i32
    %dma_wait3A_478 = tpu.memref_slice %arg11[%dma_wait3A_477] : memref<16384xf32, #tpu.memory_space<vmem>> -> memref<8192xf32, #tpu.memory_space<vmem>>
    tpu.wait_dma2 semaphore(%arg15 : memref<!tpu.dma_semaphore, #tpu.memory_space<semaphore_mem>>) src(%dma_wait3A_478 : memref<8192xf32, #tpu.memory_space<vmem>>) dst(%dma_wait3A_476 : memref<8192xf32, #tpu.memory_space<hbm>>)
    %parallel_loop3A_479 = arith.constant 0 : i32
    %parallel_loop3A_480 = arith.constant 1024 : i32
    %parallel_loop3A_481 = arith.constant 1 : i32
    scf.for %parallel_loop3A_1405 = %parallel_loop3A_479 to %parallel_loop3A_480 step %parallel_loop3A_481  : i32 {
      %parallel_loop3A_1406 = arith.constant 16 : i32
      %parallel_loop3A_1407 = arith.muli %parallel_loop3A_1405, %parallel_loop3A_1406 : i32
      %parallel_loop3A_1408 = arith.index_cast %parallel_loop3A_1407 : i32 to index
      %parallel_loop3A_1409 = tpu.vector_load %arg6[%parallel_loop3A_1408] {strides = array<i32>} : memref<16384xi32, #tpu.memory_space<vmem>>, vector<16xi32>,
      %parallel_loop3A_1410 = tpu.vector_load_idx %arg7[%parallel_loop3A_1409] : memref<16384xf32, #tpu.memory_space<vmem>>[vector<16xi32>], vector<16xf32>,
      %parallel_loop3A_1411 = arith.constant 16 : i32
      %parallel_loop3A_1412 = arith.muli %parallel_loop3A_1405, %parallel_loop3A_1411 : i32
      %parallel_loop3A_1413 = arith.index_cast %parallel_loop3A_1412 : i32 to index
      %parallel_loop3A_1414 = tpu.vector_load %arg11[%parallel_loop3A_1413] {strides = array<i32>} : memref<16384xf32, #tpu.memory_space<vmem>>, vector<16xf32>,
      tpu.vector_store %arg11[%parallel_loop3A_1413], %parallel_loop3A_1410 {strides = array<i32>} : memref<16384xf32, #tpu.memory_space<vmem>>, vector<16xf32>,
    } {sc.loop_unroll_factor = 8 : i64, sc.parallel_access}
    %add3A_482 = arith.constant 4 : i32
    %add3A_483 = arith.addi %mul3A_2, %add3A_482 : i32
    %dma_start3A_484 = arith.constant 0 : i32
    %dma_start3A_485 = tpu.memref_slice %arg11[%dma_start3A_484] : memref<16384xf32, #tpu.memory_space<vmem>> -> memref<8192xf32, #tpu.memory_space<vmem>>
    %dma_start3A_486 = arith.constant 0 : i32
    %dma_start3A_487 = tpu.memref_slice %arg5[%add3A_483, %dma_start3A_486] : memref<480x16384xf32, #tpu.memory_space<hbm>> -> memref<1x8192xf32, #tpu.memory_space<hbm>>
    %dma_start3A_488 = tpu.memref_squeeze %dma_start3A_487 : memref<1x8192xf32, #tpu.memory_space<hbm>> -> memref<8192xf32, #tpu.memory_space<hbm>>
    %dma_start3A_489 = arith.constant 0 : i32
    %dma_start3A_490 = tpu.memref_slice %arg5[%add3A_483, %dma_start3A_489] : memref<480x16384xf32, #tpu.memory_space<hbm>> -> memref<1x8192xf32, #tpu.memory_space<hbm>>
    %dma_start3A_491 = tpu.memref_squeeze %dma_start3A_490 : memref<1x8192xf32, #tpu.memory_space<hbm>> -> memref<8192xf32, #tpu.memory_space<hbm>>
    %dma_start3A_492 = arith.constant 0 : i32
    %dma_start3A_493 = tpu.memref_slice %arg11[%dma_start3A_492] : memref<16384xf32, #tpu.memory_space<vmem>> -> memref<8192xf32, #tpu.memory_space<vmem>>
    tpu.enqueue_dma source(%dma_start3A_493 : memref<8192xf32, #tpu.memory_space<vmem>>) target(%dma_start3A_491 : memref<8192xf32, #tpu.memory_space<hbm>>) target_semaphore(%arg15 : memref<!tpu.dma_semaphore, #tpu.memory_space<semaphore_mem>>)
    %add3A_494 = arith.constant 4 : i32
    %add3A_495 = arith.addi %mul3A_2, %add3A_494 : i32
    %dma_start3A_496 = arith.constant 8192 : i32
    %dma_start3A_497 = tpu.memref_slice %arg11[%dma_start3A_496] : memref<16384xf32, #tpu.memory_space<vmem>> -> memref<8192xf32, #tpu.memory_space<vmem>>
    %dma_start3A_498 = arith.constant 8192 : i32
    %dma_start3A_499 = tpu.memref_slice %arg5[%add3A_495, %dma_start3A_498] : memref<480x16384xf32, #tpu.memory_space<hbm>> -> memref<1x8192xf32, #tpu.memory_space<hbm>>
    %dma_start3A_500 = tpu.memref_squeeze %dma_start3A_499 : memref<1x8192xf32, #tpu.memory_space<hbm>> -> memref<8192xf32, #tpu.memory_space<hbm>>
    %dma_start3A_501 = arith.constant 8192 : i32
    %dma_start3A_502 = tpu.memref_slice %arg5[%add3A_495, %dma_start3A_501] : memref<480x16384xf32, #tpu.memory_space<hbm>> -> memref<1x8192xf32, #tpu.memory_space<hbm>>
    %dma_start3A_503 = tpu.memref_squeeze %dma_start3A_502 : memref<1x8192xf32, #tpu.memory_space<hbm>> -> memref<8192xf32, #tpu.memory_space<hbm>>
    %dma_start3A_504 = arith.constant 8192 : i32
    %dma_start3A_505 = tpu.memref_slice %arg11[%dma_start3A_504] : memref<16384xf32, #tpu.memory_space<vmem>> -> memref<8192xf32, #tpu.memory_space<vmem>>
    tpu.enqueue_dma source(%dma_start3A_505 : memref<8192xf32, #tpu.memory_space<vmem>>) target(%dma_start3A_503 : memref<8192xf32, #tpu.memory_space<hbm>>) target_semaphore(%arg15 : memref<!tpu.dma_semaphore, #tpu.memory_space<semaphore_mem>>)
    %dma_wait3A_506 = arith.constant 0 : i32
    %dma_wait3A_507 = tpu.memref_slice %arg8[%dma_wait3A_506] : memref<16384xf32, #tpu.memory_space<vmem>> -> memref<8192xf32, #tpu.memory_space<vmem>>
    %dma_wait3A_508 = arith.constant 0 : i32
    %dma_wait3A_509 = tpu.memref_slice %arg2[%sub3A_250, %dma_wait3A_508] : memref<3120x16384xf32, #tpu.memory_space<hbm>> -> memref<1x8192xf32, #tpu.memory_space<hbm>>
    %dma_wait3A_510 = tpu.memref_squeeze %dma_wait3A_509 : memref<1x8192xf32, #tpu.memory_space<hbm>> -> memref<8192xf32, #tpu.memory_space<hbm>>
    %dma_wait3A_511 = arith.constant 0 : i32
    %dma_wait3A_512 = tpu.memref_slice %arg8[%dma_wait3A_511] : memref<16384xf32, #tpu.memory_space<vmem>> -> memref<8192xf32, #tpu.memory_space<vmem>>
    %dma_wait3A_513 = arith.constant 0 : i32
    %dma_wait3A_514 = tpu.memref_slice %arg2[%sub3A_250, %dma_wait3A_513] : memref<3120x16384xf32, #tpu.memory_space<hbm>> -> memref<1x8192xf32, #tpu.memory_space<hbm>>
    %dma_wait3A_515 = tpu.memref_squeeze %dma_wait3A_514 : memref<1x8192xf32, #tpu.memory_space<hbm>> -> memref<8192xf32, #tpu.memory_space<hbm>>
    tpu.wait_dma2 semaphore(%arg14 : memref<!tpu.dma_semaphore, #tpu.memory_space<semaphore_mem>>) src(%dma_wait3A_515 : memref<8192xf32, #tpu.memory_space<hbm>>) dst(%dma_wait3A_512 : memref<8192xf32, #tpu.memory_space<vmem>>)
    %dma_wait3A_516 = arith.constant 8192 : i32
    %dma_wait3A_517 = tpu.memref_slice %arg8[%dma_wait3A_516] : memref<16384xf32, #tpu.memory_space<vmem>> -> memref<8192xf32, #tpu.memory_space<vmem>>
    %dma_wait3A_518 = arith.constant 8192 : i32
    %dma_wait3A_519 = tpu.memref_slice %arg2[%sub3A_250, %dma_wait3A_518] : memref<3120x16384xf32, #tpu.memory_space<hbm>> -> memref<1x8192xf32, #tpu.memory_space<hbm>>
    %dma_wait3A_520 = tpu.memref_squeeze %dma_wait3A_519 : memref<1x8192xf32, #tpu.memory_space<hbm>> -> memref<8192xf32, #tpu.memory_space<hbm>>
    %dma_wait3A_521 = arith.constant 8192 : i32
    %dma_wait3A_522 = tpu.memref_slice %arg8[%dma_wait3A_521] : memref<16384xf32, #tpu.memory_space<vmem>> -> memref<8192xf32, #tpu.memory_space<vmem>>
    %dma_wait3A_523 = arith.constant 8192 : i32
    %dma_wait3A_524 = tpu.memref_slice %arg2[%sub3A_250, %dma_wait3A_523] : memref<3120x16384xf32, #tpu.memory_space<hbm>> -> memref<1x8192xf32, #tpu.memory_space<hbm>>
    %dma_wait3A_525 = tpu.memref_squeeze %dma_wait3A_524 : memref<1x8192xf32, #tpu.memory_space<hbm>> -> memref<8192xf32, #tpu.memory_space<hbm>>
    tpu.wait_dma2 semaphore(%arg14 : memref<!tpu.dma_semaphore, #tpu.memory_space<semaphore_mem>>) src(%dma_wait3A_525 : memref<8192xf32, #tpu.memory_space<hbm>>) dst(%dma_wait3A_522 : memref<8192xf32, #tpu.memory_space<vmem>>)
    %add3A_526 = arith.addi %reduce_min3A_10, %mul3A_2 : i32
    %add3A_527 = arith.constant 5 : i32
    %add3A_528 = arith.addi %add3A_526, %add3A_527 : i32
    %add3A_529 = arith.constant 4 : i32
    %add3A_530 = arith.addi %add3A_528, %add3A_529 : i32
    %sub3A_531 = arith.constant 1 : i32
    %sub3A_532 = arith.subi %add3A_530, %sub3A_531 : i32
    %dma_start3A_533 = arith.constant 0 : i32
    %dma_start3A_534 = tpu.memref_slice %arg7[%dma_start3A_533] : memref<16384xf32, #tpu.memory_space<vmem>> -> memref<8192xf32, #tpu.memory_space<vmem>>
    %dma_start3A_535 = arith.constant 0 : i32
    %dma_start3A_536 = tpu.memref_slice %arg2[%sub3A_532, %dma_start3A_535] : memref<3120x16384xf32, #tpu.memory_space<hbm>> -> memref<1x8192xf32, #tpu.memory_space<hbm>>
    %dma_start3A_537 = tpu.memref_squeeze %dma_start3A_536 : memref<1x8192xf32, #tpu.memory_space<hbm>> -> memref<8192xf32, #tpu.memory_space<hbm>>
    %dma_start3A_538 = arith.constant 0 : i32
    %dma_start3A_539 = tpu.memref_slice %arg7[%dma_start3A_538] : memref<16384xf32, #tpu.memory_space<vmem>> -> memref<8192xf32, #tpu.memory_space<vmem>>
    %dma_start3A_540 = arith.constant 0 : i32
    %dma_start3A_541 = tpu.memref_slice %arg2[%sub3A_532, %dma_start3A_540] : memref<3120x16384xf32, #tpu.memory_space<hbm>> -> memref<1x8192xf32, #tpu.memory_space<hbm>>
    %dma_start3A_542 = tpu.memref_squeeze %dma_start3A_541 : memref<1x8192xf32, #tpu.memory_space<hbm>> -> memref<8192xf32, #tpu.memory_space<hbm>>
    tpu.enqueue_dma source(%dma_start3A_542 : memref<8192xf32, #tpu.memory_space<hbm>>) target(%dma_start3A_539 : memref<8192xf32, #tpu.memory_space<vmem>>) target_semaphore(%arg14 : memref<!tpu.dma_semaphore, #tpu.memory_space<semaphore_mem>>)
    %dma_start3A_543 = arith.constant 8192 : i32
    %dma_start3A_544 = tpu.memref_slice %arg7[%dma_start3A_543] : memref<16384xf32, #tpu.memory_space<vmem>> -> memref<8192xf32, #tpu.memory_space<vmem>>
    %dma_start3A_545 = arith.constant 8192 : i32
    %dma_start3A_546 = tpu.memref_slice %arg2[%sub3A_532, %dma_start3A_545] : memref<3120x16384xf32, #tpu.memory_space<hbm>> -> memref<1x8192xf32, #tpu.memory_space<hbm>>
    %dma_start3A_547 = tpu.memref_squeeze %dma_start3A_546 : memref<1x8192xf32, #tpu.memory_space<hbm>> -> memref<8192xf32, #tpu.memory_space<hbm>>
    %dma_start3A_548 = arith.constant 8192 : i32
    %dma_start3A_549 = tpu.memref_slice %arg7[%dma_start3A_548] : memref<16384xf32, #tpu.memory_space<vmem>> -> memref<8192xf32, #tpu.memory_space<vmem>>
    %dma_start3A_550 = arith.constant 8192 : i32
    %dma_start3A_551 = tpu.memref_slice %arg2[%sub3A_532, %dma_start3A_550] : memref<3120x16384xf32, #tpu.memory_space<hbm>> -> memref<1x8192xf32, #tpu.memory_space<hbm>>
    %dma_start3A_552 = tpu.memref_squeeze %dma_start3A_551 : memref<1x8192xf32, #tpu.memory_space<hbm>> -> memref<8192xf32, #tpu.memory_space<hbm>>
    tpu.enqueue_dma source(%dma_start3A_552 : memref<8192xf32, #tpu.memory_space<hbm>>) target(%dma_start3A_549 : memref<8192xf32, #tpu.memory_space<vmem>>) target_semaphore(%arg14 : memref<!tpu.dma_semaphore, #tpu.memory_space<semaphore_mem>>)
    %dma_wait3A_553 = arith.constant 0 : i32
    %dma_wait3A_554 = tpu.memref_slice %arg12[%dma_wait3A_553] : memref<16384xf32, #tpu.memory_space<vmem>> -> memref<8192xf32, #tpu.memory_space<vmem>>
    %dma_wait3A_555 = arith.constant 0 : i32
    %dma_wait3A_556 = tpu.memref_slice %arg5[%add3A_389, %dma_wait3A_555] : memref<480x16384xf32, #tpu.memory_space<hbm>> -> memref<1x8192xf32, #tpu.memory_space<hbm>>
    %dma_wait3A_557 = tpu.memref_squeeze %dma_wait3A_556 : memref<1x8192xf32, #tpu.memory_space<hbm>> -> memref<8192xf32, #tpu.memory_space<hbm>>
    %dma_wait3A_558 = arith.constant 0 : i32
    %dma_wait3A_559 = tpu.memref_slice %arg5[%add3A_389, %dma_wait3A_558] : memref<480x16384xf32, #tpu.memory_space<hbm>> -> memref<1x8192xf32, #tpu.memory_space<hbm>>
    %dma_wait3A_560 = tpu.memref_squeeze %dma_wait3A_559 : memref<1x8192xf32, #tpu.memory_space<hbm>> -> memref<8192xf32, #tpu.memory_space<hbm>>
    %dma_wait3A_561 = arith.constant 0 : i32
    %dma_wait3A_562 = tpu.memref_slice %arg12[%dma_wait3A_561] : memref<16384xf32, #tpu.memory_space<vmem>> -> memref<8192xf32, #tpu.memory_space<vmem>>
    tpu.wait_dma2 semaphore(%arg15 : memref<!tpu.dma_semaphore, #tpu.memory_space<semaphore_mem>>) src(%dma_wait3A_562 : memref<8192xf32, #tpu.memory_space<vmem>>) dst(%dma_wait3A_560 : memref<8192xf32, #tpu.memory_space<hbm>>)
    %dma_wait3A_563 = arith.constant 8192 : i32
    %dma_wait3A_564 = tpu.memref_slice %arg12[%dma_wait3A_563] : memref<16384xf32, #tpu.memory_space<vmem>> -> memref<8192xf32, #tpu.memory_space<vmem>>
    %dma_wait3A_565 = arith.constant 8192 : i32
    %dma_wait3A_566 = tpu.memref_slice %arg5[%add3A_401, %dma_wait3A_565] : memref<480x16384xf32, #tpu.memory_space<hbm>> -> memref<1x8192xf32, #tpu.memory_space<hbm>>
    %dma_wait3A_567 = tpu.memref_squeeze %dma_wait3A_566 : memref<1x8192xf32, #tpu.memory_space<hbm>> -> memref<8192xf32, #tpu.memory_space<hbm>>
    %dma_wait3A_568 = arith.constant 8192 : i32
    %dma_wait3A_569 = tpu.memref_slice %arg5[%add3A_401, %dma_wait3A_568] : memref<480x16384xf32, #tpu.memory_space<hbm>> -> memref<1x8192xf32, #tpu.memory_space<hbm>>
    %dma_wait3A_570 = tpu.memref_squeeze %dma_wait3A_569 : memref<1x8192xf32, #tpu.memory_space<hbm>> -> memref<8192xf32, #tpu.memory_space<hbm>>
    %dma_wait3A_571 = arith.constant 8192 : i32
    %dma_wait3A_572 = tpu.memref_slice %arg12[%dma_wait3A_571] : memref<16384xf32, #tpu.memory_space<vmem>> -> memref<8192xf32, #tpu.memory_space<vmem>>
    tpu.wait_dma2 semaphore(%arg15 : memref<!tpu.dma_semaphore, #tpu.memory_space<semaphore_mem>>) src(%dma_wait3A_572 : memref<8192xf32, #tpu.memory_space<vmem>>) dst(%dma_wait3A_570 : memref<8192xf32, #tpu.memory_space<hbm>>)
    %parallel_loop3A_573 = arith.constant 0 : i32
    %parallel_loop3A_574 = arith.constant 1024 : i32
    %parallel_loop3A_575 = arith.constant 1 : i32
    scf.for %parallel_loop3A_1405 = %parallel_loop3A_573 to %parallel_loop3A_574 step %parallel_loop3A_575  : i32 {
      %parallel_loop3A_1406 = arith.constant 16 : i32
      %parallel_loop3A_1407 = arith.muli %parallel_loop3A_1405, %parallel_loop3A_1406 : i32
      %parallel_loop3A_1408 = arith.index_cast %parallel_loop3A_1407 : i32 to index
      %parallel_loop3A_1409 = tpu.vector_load %arg6[%parallel_loop3A_1408] {strides = array<i32>} : memref<16384xi32, #tpu.memory_space<vmem>>, vector<16xi32>,
      %parallel_loop3A_1410 = tpu.vector_load_idx %arg8[%parallel_loop3A_1409] : memref<16384xf32, #tpu.memory_space<vmem>>[vector<16xi32>], vector<16xf32>,
      %parallel_loop3A_1411 = arith.constant 16 : i32
      %parallel_loop3A_1412 = arith.muli %parallel_loop3A_1405, %parallel_loop3A_1411 : i32
      %parallel_loop3A_1413 = arith.index_cast %parallel_loop3A_1412 : i32 to index
      %parallel_loop3A_1414 = tpu.vector_load %arg12[%parallel_loop3A_1413] {strides = array<i32>} : memref<16384xf32, #tpu.memory_space<vmem>>, vector<16xf32>,
      tpu.vector_store %arg12[%parallel_loop3A_1413], %parallel_loop3A_1410 {strides = array<i32>} : memref<16384xf32, #tpu.memory_space<vmem>>, vector<16xf32>,
    } {sc.loop_unroll_factor = 8 : i64, sc.parallel_access}
    %add3A_576 = arith.constant 5 : i32
    %add3A_577 = arith.addi %mul3A_2, %add3A_576 : i32
    %dma_start3A_578 = arith.constant 0 : i32
    %dma_start3A_579 = tpu.memref_slice %arg12[%dma_start3A_578] : memref<16384xf32, #tpu.memory_space<vmem>> -> memref<8192xf32, #tpu.memory_space<vmem>>
    %dma_start3A_580 = arith.constant 0 : i32
    %dma_start3A_581 = tpu.memref_slice %arg5[%add3A_577, %dma_start3A_580] : memref<480x16384xf32, #tpu.memory_space<hbm>> -> memref<1x8192xf32, #tpu.memory_space<hbm>>
    %dma_start3A_582 = tpu.memref_squeeze %dma_start3A_581 : memref<1x8192xf32, #tpu.memory_space<hbm>> -> memref<8192xf32, #tpu.memory_space<hbm>>
    %dma_start3A_583 = arith.constant 0 : i32
    %dma_start3A_584 = tpu.memref_slice %arg5[%add3A_577, %dma_start3A_583] : memref<480x16384xf32, #tpu.memory_space<hbm>> -> memref<1x8192xf32, #tpu.memory_space<hbm>>
    %dma_start3A_585 = tpu.memref_squeeze %dma_start3A_584 : memref<1x8192xf32, #tpu.memory_space<hbm>> -> memref<8192xf32, #tpu.memory_space<hbm>>
    %dma_start3A_586 = arith.constant 0 : i32
    %dma_start3A_587 = tpu.memref_slice %arg12[%dma_start3A_586] : memref<16384xf32, #tpu.memory_space<vmem>> -> memref<8192xf32, #tpu.memory_space<vmem>>
    tpu.enqueue_dma source(%dma_start3A_587 : memref<8192xf32, #tpu.memory_space<vmem>>) target(%dma_start3A_585 : memref<8192xf32, #tpu.memory_space<hbm>>) target_semaphore(%arg15 : memref<!tpu.dma_semaphore, #tpu.memory_space<semaphore_mem>>)
    %add3A_588 = arith.constant 5 : i32
    %add3A_589 = arith.addi %mul3A_2, %add3A_588 : i32
    %dma_start3A_590 = arith.constant 8192 : i32
    %dma_start3A_591 = tpu.memref_slice %arg12[%dma_start3A_590] : memref<16384xf32, #tpu.memory_space<vmem>> -> memref<8192xf32, #tpu.memory_space<vmem>>
    %dma_start3A_592 = arith.constant 8192 : i32
    %dma_start3A_593 = tpu.memref_slice %arg5[%add3A_589, %dma_start3A_592] : memref<480x16384xf32, #tpu.memory_space<hbm>> -> memref<1x8192xf32, #tpu.memory_space<hbm>>
    %dma_start3A_594 = tpu.memref_squeeze %dma_start3A_593 : memref<1x8192xf32, #tpu.memory_space<hbm>> -> memref<8192xf32, #tpu.memory_space<hbm>>
    %dma_start3A_595 = arith.constant 8192 : i32
    %dma_start3A_596 = tpu.memref_slice %arg5[%add3A_589, %dma_start3A_595] : memref<480x16384xf32, #tpu.memory_space<hbm>> -> memref<1x8192xf32, #tpu.memory_space<hbm>>
    %dma_start3A_597 = tpu.memref_squeeze %dma_start3A_596 : memref<1x8192xf32, #tpu.memory_space<hbm>> -> memref<8192xf32, #tpu.memory_space<hbm>>
    %dma_start3A_598 = arith.constant 8192 : i32
    %dma_start3A_599 = tpu.memref_slice %arg12[%dma_start3A_598] : memref<16384xf32, #tpu.memory_space<vmem>> -> memref<8192xf32, #tpu.memory_space<vmem>>
    tpu.enqueue_dma source(%dma_start3A_599 : memref<8192xf32, #tpu.memory_space<vmem>>) target(%dma_start3A_597 : memref<8192xf32, #tpu.memory_space<hbm>>) target_semaphore(%arg15 : memref<!tpu.dma_semaphore, #tpu.memory_space<semaphore_mem>>)
    %dma_wait3A_600 = arith.constant 0 : i32
    %dma_wait3A_601 = tpu.memref_slice %arg9[%dma_wait3A_600] : memref<16384xf32, #tpu.memory_space<vmem>> -> memref<8192xf32, #tpu.memory_space<vmem>>
    %dma_wait3A_602 = arith.constant 0 : i32
    %dma_wait3A_603 = tpu.memref_slice %arg2[%sub3A_344, %dma_wait3A_602] : memref<3120x16384xf32, #tpu.memory_space<hbm>> -> memref<1x8192xf32, #tpu.memory_space<hbm>>
    %dma_wait3A_604 = tpu.memref_squeeze %dma_wait3A_603 : memref<1x8192xf32, #tpu.memory_space<hbm>> -> memref<8192xf32, #tpu.memory_space<hbm>>
    %dma_wait3A_605 = arith.constant 0 : i32
    %dma_wait3A_606 = tpu.memref_slice %arg9[%dma_wait3A_605] : memref<16384xf32, #tpu.memory_space<vmem>> -> memref<8192xf32, #tpu.memory_space<vmem>>
    %dma_wait3A_607 = arith.constant 0 : i32
    %dma_wait3A_608 = tpu.memref_slice %arg2[%sub3A_344, %dma_wait3A_607] : memref<3120x16384xf32, #tpu.memory_space<hbm>> -> memref<1x8192xf32, #tpu.memory_space<hbm>>
    %dma_wait3A_609 = tpu.memref_squeeze %dma_wait3A_608 : memref<1x8192xf32, #tpu.memory_space<hbm>> -> memref<8192xf32, #tpu.memory_space<hbm>>
    tpu.wait_dma2 semaphore(%arg14 : memref<!tpu.dma_semaphore, #tpu.memory_space<semaphore_mem>>) src(%dma_wait3A_609 : memref<8192xf32, #tpu.memory_space<hbm>>) dst(%dma_wait3A_606 : memref<8192xf32, #tpu.memory_space<vmem>>)
    %dma_wait3A_610 = arith.constant 8192 : i32
    %dma_wait3A_611 = tpu.memref_slice %arg9[%dma_wait3A_610] : memref<16384xf32, #tpu.memory_space<vmem>> -> memref<8192xf32, #tpu.memory_space<vmem>>
    %dma_wait3A_612 = arith.constant 8192 : i32
    %dma_wait3A_613 = tpu.memref_slice %arg2[%sub3A_344, %dma_wait3A_612] : memref<3120x16384xf32, #tpu.memory_space<hbm>> -> memref<1x8192xf32, #tpu.memory_space<hbm>>
    %dma_wait3A_614 = tpu.memref_squeeze %dma_wait3A_613 : memref<1x8192xf32, #tpu.memory_space<hbm>> -> memref<8192xf32, #tpu.memory_space<hbm>>
    %dma_wait3A_615 = arith.constant 8192 : i32
    %dma_wait3A_616 = tpu.memref_slice %arg9[%dma_wait3A_615] : memref<16384xf32, #tpu.memory_space<vmem>> -> memref<8192xf32, #tpu.memory_space<vmem>>
    %dma_wait3A_617 = arith.constant 8192 : i32
    %dma_wait3A_618 = tpu.memref_slice %arg2[%sub3A_344, %dma_wait3A_617] : memref<3120x16384xf32, #tpu.memory_space<hbm>> -> memref<1x8192xf32, #tpu.memory_space<hbm>>
    %dma_wait3A_619 = tpu.memref_squeeze %dma_wait3A_618 : memref<1x8192xf32, #tpu.memory_space<hbm>> -> memref<8192xf32, #tpu.memory_space<hbm>>
    tpu.wait_dma2 semaphore(%arg14 : memref<!tpu.dma_semaphore, #tpu.memory_space<semaphore_mem>>) src(%dma_wait3A_619 : memref<8192xf32, #tpu.memory_space<hbm>>) dst(%dma_wait3A_616 : memref<8192xf32, #tpu.memory_space<vmem>>)
    %add3A_620 = arith.addi %reduce_min3A_10, %mul3A_2 : i32
    %add3A_621 = arith.constant 6 : i32
    %add3A_622 = arith.addi %add3A_620, %add3A_621 : i32
    %add3A_623 = arith.constant 4 : i32
    %add3A_624 = arith.addi %add3A_622, %add3A_623 : i32
    %sub3A_625 = arith.constant 1 : i32
    %sub3A_626 = arith.subi %add3A_624, %sub3A_625 : i32
    %dma_start3A_627 = arith.constant 0 : i32
    %dma_start3A_628 = tpu.memref_slice %arg8[%dma_start3A_627] : memref<16384xf32, #tpu.memory_space<vmem>> -> memref<8192xf32, #tpu.memory_space<vmem>>
    %dma_start3A_629 = arith.constant 0 : i32
    %dma_start3A_630 = tpu.memref_slice %arg2[%sub3A_626, %dma_start3A_629] : memref<3120x16384xf32, #tpu.memory_space<hbm>> -> memref<1x8192xf32, #tpu.memory_space<hbm>>
    %dma_start3A_631 = tpu.memref_squeeze %dma_start3A_630 : memref<1x8192xf32, #tpu.memory_space<hbm>> -> memref<8192xf32, #tpu.memory_space<hbm>>
    %dma_start3A_632 = arith.constant 0 : i32
    %dma_start3A_633 = tpu.memref_slice %arg8[%dma_start3A_632] : memref<16384xf32, #tpu.memory_space<vmem>> -> memref<8192xf32, #tpu.memory_space<vmem>>
    %dma_start3A_634 = arith.constant 0 : i32
    %dma_start3A_635 = tpu.memref_slice %arg2[%sub3A_626, %dma_start3A_634] : memref<3120x16384xf32, #tpu.memory_space<hbm>> -> memref<1x8192xf32, #tpu.memory_space<hbm>>
    %dma_start3A_636 = tpu.memref_squeeze %dma_start3A_635 : memref<1x8192xf32, #tpu.memory_space<hbm>> -> memref<8192xf32, #tpu.memory_space<hbm>>
    tpu.enqueue_dma source(%dma_start3A_636 : memref<8192xf32, #tpu.memory_space<hbm>>) target(%dma_start3A_633 : memref<8192xf32, #tpu.memory_space<vmem>>) target_semaphore(%arg14 : memref<!tpu.dma_semaphore, #tpu.memory_space<semaphore_mem>>)
    %dma_start3A_637 = arith.constant 8192 : i32
    %dma_start3A_638 = tpu.memref_slice %arg8[%dma_start3A_637] : memref<16384xf32, #tpu.memory_space<vmem>> -> memref<8192xf32, #tpu.memory_space<vmem>>
    %dma_start3A_639 = arith.constant 8192 : i32
    %dma_start3A_640 = tpu.memref_slice %arg2[%sub3A_626, %dma_start3A_639] : memref<3120x16384xf32, #tpu.memory_space<hbm>> -> memref<1x8192xf32, #tpu.memory_space<hbm>>
    %dma_start3A_641 = tpu.memref_squeeze %dma_start3A_640 : memref<1x8192xf32, #tpu.memory_space<hbm>> -> memref<8192xf32, #tpu.memory_space<hbm>>
    %dma_start3A_642 = arith.constant 8192 : i32
    %dma_start3A_643 = tpu.memref_slice %arg8[%dma_start3A_642] : memref<16384xf32, #tpu.memory_space<vmem>> -> memref<8192xf32, #tpu.memory_space<vmem>>
    %dma_start3A_644 = arith.constant 8192 : i32
    %dma_start3A_645 = tpu.memref_slice %arg2[%sub3A_626, %dma_start3A_644] : memref<3120x16384xf32, #tpu.memory_space<hbm>> -> memref<1x8192xf32, #tpu.memory_space<hbm>>
    %dma_start3A_646 = tpu.memref_squeeze %dma_start3A_645 : memref<1x8192xf32, #tpu.memory_space<hbm>> -> memref<8192xf32, #tpu.memory_space<hbm>>
    tpu.enqueue_dma source(%dma_start3A_646 : memref<8192xf32, #tpu.memory_space<hbm>>) target(%dma_start3A_643 : memref<8192xf32, #tpu.memory_space<vmem>>) target_semaphore(%arg14 : memref<!tpu.dma_semaphore, #tpu.memory_space<semaphore_mem>>)
    %dma_wait3A_647 = arith.constant 0 : i32
    %dma_wait3A_648 = tpu.memref_slice %arg11[%dma_wait3A_647] : memref<16384xf32, #tpu.memory_space<vmem>> -> memref<8192xf32, #tpu.memory_space<vmem>>
    %dma_wait3A_649 = arith.constant 0 : i32
    %dma_wait3A_650 = tpu.memref_slice %arg5[%add3A_483, %dma_wait3A_649] : memref<480x16384xf32, #tpu.memory_space<hbm>> -> memref<1x8192xf32, #tpu.memory_space<hbm>>
    %dma_wait3A_651 = tpu.memref_squeeze %dma_wait3A_650 : memref<1x8192xf32, #tpu.memory_space<hbm>> -> memref<8192xf32, #tpu.memory_space<hbm>>
    %dma_wait3A_652 = arith.constant 0 : i32
    %dma_wait3A_653 = tpu.memref_slice %arg5[%add3A_483, %dma_wait3A_652] : memref<480x16384xf32, #tpu.memory_space<hbm>> -> memref<1x8192xf32, #tpu.memory_space<hbm>>
    %dma_wait3A_654 = tpu.memref_squeeze %dma_wait3A_653 : memref<1x8192xf32, #tpu.memory_space<hbm>> -> memref<8192xf32, #tpu.memory_space<hbm>>
    %dma_wait3A_655 = arith.constant 0 : i32
    %dma_wait3A_656 = tpu.memref_slice %arg11[%dma_wait3A_655] : memref<16384xf32, #tpu.memory_space<vmem>> -> memref<8192xf32, #tpu.memory_space<vmem>>
    tpu.wait_dma2 semaphore(%arg15 : memref<!tpu.dma_semaphore, #tpu.memory_space<semaphore_mem>>) src(%dma_wait3A_656 : memref<8192xf32, #tpu.memory_space<vmem>>) dst(%dma_wait3A_654 : memref<8192xf32, #tpu.memory_space<hbm>>)
    %dma_wait3A_657 = arith.constant 8192 : i32
    %dma_wait3A_658 = tpu.memref_slice %arg11[%dma_wait3A_657] : memref<16384xf32, #tpu.memory_space<vmem>> -> memref<8192xf32, #tpu.memory_space<vmem>>
    %dma_wait3A_659 = arith.constant 8192 : i32
    %dma_wait3A_660 = tpu.memref_slice %arg5[%add3A_495, %dma_wait3A_659] : memref<480x16384xf32, #tpu.memory_space<hbm>> -> memref<1x8192xf32, #tpu.memory_space<hbm>>
    %dma_wait3A_661 = tpu.memref_squeeze %dma_wait3A_660 : memref<1x8192xf32, #tpu.memory_space<hbm>> -> memref<8192xf32, #tpu.memory_space<hbm>>
    %dma_wait3A_662 = arith.constant 8192 : i32
    %dma_wait3A_663 = tpu.memref_slice %arg5[%add3A_495, %dma_wait3A_662] : memref<480x16384xf32, #tpu.memory_space<hbm>> -> memref<1x8192xf32, #tpu.memory_space<hbm>>
    %dma_wait3A_664 = tpu.memref_squeeze %dma_wait3A_663 : memref<1x8192xf32, #tpu.memory_space<hbm>> -> memref<8192xf32, #tpu.memory_space<hbm>>
    %dma_wait3A_665 = arith.constant 8192 : i32
    %dma_wait3A_666 = tpu.memref_slice %arg11[%dma_wait3A_665] : memref<16384xf32, #tpu.memory_space<vmem>> -> memref<8192xf32, #tpu.memory_space<vmem>>
    tpu.wait_dma2 semaphore(%arg15 : memref<!tpu.dma_semaphore, #tpu.memory_space<semaphore_mem>>) src(%dma_wait3A_666 : memref<8192xf32, #tpu.memory_space<vmem>>) dst(%dma_wait3A_664 : memref<8192xf32, #tpu.memory_space<hbm>>)
    %parallel_loop3A_667 = arith.constant 0 : i32
    %parallel_loop3A_668 = arith.constant 1024 : i32
    %parallel_loop3A_669 = arith.constant 1 : i32
    scf.for %parallel_loop3A_1405 = %parallel_loop3A_667 to %parallel_loop3A_668 step %parallel_loop3A_669  : i32 {
      %parallel_loop3A_1406 = arith.constant 16 : i32
      %parallel_loop3A_1407 = arith.muli %parallel_loop3A_1405, %parallel_loop3A_1406 : i32
      %parallel_loop3A_1408 = arith.index_cast %parallel_loop3A_1407 : i32 to index
      %parallel_loop3A_1409 = tpu.vector_load %arg6[%parallel_loop3A_1408] {strides = array<i32>} : memref<16384xi32, #tpu.memory_space<vmem>>, vector<16xi32>,
      %parallel_loop3A_1410 = tpu.vector_load_idx %arg9[%parallel_loop3A_1409] : memref<16384xf32, #tpu.memory_space<vmem>>[vector<16xi32>], vector<16xf32>,
      %parallel_loop3A_1411 = arith.constant 16 : i32
      %parallel_loop3A_1412 = arith.muli %parallel_loop3A_1405, %parallel_loop3A_1411 : i32
      %parallel_loop3A_1413 = arith.index_cast %parallel_loop3A_1412 : i32 to index
      %parallel_loop3A_1414 = tpu.vector_load %arg11[%parallel_loop3A_1413] {strides = array<i32>} : memref<16384xf32, #tpu.memory_space<vmem>>, vector<16xf32>,
      tpu.vector_store %arg11[%parallel_loop3A_1413], %parallel_loop3A_1410 {strides = array<i32>} : memref<16384xf32, #tpu.memory_space<vmem>>, vector<16xf32>,
    } {sc.loop_unroll_factor = 8 : i64, sc.parallel_access}
    %add3A_670 = arith.constant 6 : i32
    %add3A_671 = arith.addi %mul3A_2, %add3A_670 : i32
    %dma_start3A_672 = arith.constant 0 : i32
    %dma_start3A_673 = tpu.memref_slice %arg11[%dma_start3A_672] : memref<16384xf32, #tpu.memory_space<vmem>> -> memref<8192xf32, #tpu.memory_space<vmem>>
    %dma_start3A_674 = arith.constant 0 : i32
    %dma_start3A_675 = tpu.memref_slice %arg5[%add3A_671, %dma_start3A_674] : memref<480x16384xf32, #tpu.memory_space<hbm>> -> memref<1x8192xf32, #tpu.memory_space<hbm>>
    %dma_start3A_676 = tpu.memref_squeeze %dma_start3A_675 : memref<1x8192xf32, #tpu.memory_space<hbm>> -> memref<8192xf32, #tpu.memory_space<hbm>>
    %dma_start3A_677 = arith.constant 0 : i32
    %dma_start3A_678 = tpu.memref_slice %arg5[%add3A_671, %dma_start3A_677] : memref<480x16384xf32, #tpu.memory_space<hbm>> -> memref<1x8192xf32, #tpu.memory_space<hbm>>
    %dma_start3A_679 = tpu.memref_squeeze %dma_start3A_678 : memref<1x8192xf32, #tpu.memory_space<hbm>> -> memref<8192xf32, #tpu.memory_space<hbm>>
    %dma_start3A_680 = arith.constant 0 : i32
    %dma_start3A_681 = tpu.memref_slice %arg11[%dma_start3A_680] : memref<16384xf32, #tpu.memory_space<vmem>> -> memref<8192xf32, #tpu.memory_space<vmem>>
    tpu.enqueue_dma source(%dma_start3A_681 : memref<8192xf32, #tpu.memory_space<vmem>>) target(%dma_start3A_679 : memref<8192xf32, #tpu.memory_space<hbm>>) target_semaphore(%arg15 : memref<!tpu.dma_semaphore, #tpu.memory_space<semaphore_mem>>)
    %add3A_682 = arith.constant 6 : i32
    %add3A_683 = arith.addi %mul3A_2, %add3A_682 : i32
    %dma_start3A_684 = arith.constant 8192 : i32
    %dma_start3A_685 = tpu.memref_slice %arg11[%dma_start3A_684] : memref<16384xf32, #tpu.memory_space<vmem>> -> memref<8192xf32, #tpu.memory_space<vmem>>
    %dma_start3A_686 = arith.constant 8192 : i32
    %dma_start3A_687 = tpu.memref_slice %arg5[%add3A_683, %dma_start3A_686] : memref<480x16384xf32, #tpu.memory_space<hbm>> -> memref<1x8192xf32, #tpu.memory_space<hbm>>
    %dma_start3A_688 = tpu.memref_squeeze %dma_start3A_687 : memref<1x8192xf32, #tpu.memory_space<hbm>> -> memref<8192xf32, #tpu.memory_space<hbm>>
    %dma_start3A_689 = arith.constant 8192 : i32
    %dma_start3A_690 = tpu.memref_slice %arg5[%add3A_683, %dma_start3A_689] : memref<480x16384xf32, #tpu.memory_space<hbm>> -> memref<1x8192xf32, #tpu.memory_space<hbm>>
    %dma_start3A_691 = tpu.memref_squeeze %dma_start3A_690 : memref<1x8192xf32, #tpu.memory_space<hbm>> -> memref<8192xf32, #tpu.memory_space<hbm>>
    %dma_start3A_692 = arith.constant 8192 : i32
    %dma_start3A_693 = tpu.memref_slice %arg11[%dma_start3A_692] : memref<16384xf32, #tpu.memory_space<vmem>> -> memref<8192xf32, #tpu.memory_space<vmem>>
    tpu.enqueue_dma source(%dma_start3A_693 : memref<8192xf32, #tpu.memory_space<vmem>>) target(%dma_start3A_691 : memref<8192xf32, #tpu.memory_space<hbm>>) target_semaphore(%arg15 : memref<!tpu.dma_semaphore, #tpu.memory_space<semaphore_mem>>)
    %dma_wait3A_694 = arith.constant 0 : i32
    %dma_wait3A_695 = tpu.memref_slice %arg10[%dma_wait3A_694] : memref<16384xf32, #tpu.memory_space<vmem>> -> memref<8192xf32, #tpu.memory_space<vmem>>
    %dma_wait3A_696 = arith.constant 0 : i32
    %dma_wait3A_697 = tpu.memref_slice %arg2[%sub3A_438, %dma_wait3A_696] : memref<3120x16384xf32, #tpu.memory_space<hbm>> -> memref<1x8192xf32, #tpu.memory_space<hbm>>
    %dma_wait3A_698 = tpu.memref_squeeze %dma_wait3A_697 : memref<1x8192xf32, #tpu.memory_space<hbm>> -> memref<8192xf32, #tpu.memory_space<hbm>>
    %dma_wait3A_699 = arith.constant 0 : i32
    %dma_wait3A_700 = tpu.memref_slice %arg10[%dma_wait3A_699] : memref<16384xf32, #tpu.memory_space<vmem>> -> memref<8192xf32, #tpu.memory_space<vmem>>
    %dma_wait3A_701 = arith.constant 0 : i32
    %dma_wait3A_702 = tpu.memref_slice %arg2[%sub3A_438, %dma_wait3A_701] : memref<3120x16384xf32, #tpu.memory_space<hbm>> -> memref<1x8192xf32, #tpu.memory_space<hbm>>
    %dma_wait3A_703 = tpu.memref_squeeze %dma_wait3A_702 : memref<1x8192xf32, #tpu.memory_space<hbm>> -> memref<8192xf32, #tpu.memory_space<hbm>>
    tpu.wait_dma2 semaphore(%arg14 : memref<!tpu.dma_semaphore, #tpu.memory_space<semaphore_mem>>) src(%dma_wait3A_703 : memref<8192xf32, #tpu.memory_space<hbm>>) dst(%dma_wait3A_700 : memref<8192xf32, #tpu.memory_space<vmem>>)
    %dma_wait3A_704 = arith.constant 8192 : i32
    %dma_wait3A_705 = tpu.memref_slice %arg10[%dma_wait3A_704] : memref<16384xf32, #tpu.memory_space<vmem>> -> memref<8192xf32, #tpu.memory_space<vmem>>
    %dma_wait3A_706 = arith.constant 8192 : i32
    %dma_wait3A_707 = tpu.memref_slice %arg2[%sub3A_438, %dma_wait3A_706] : memref<3120x16384xf32, #tpu.memory_space<hbm>> -> memref<1x8192xf32, #tpu.memory_space<hbm>>
    %dma_wait3A_708 = tpu.memref_squeeze %dma_wait3A_707 : memref<1x8192xf32, #tpu.memory_space<hbm>> -> memref<8192xf32, #tpu.memory_space<hbm>>
    %dma_wait3A_709 = arith.constant 8192 : i32
    %dma_wait3A_710 = tpu.memref_slice %arg10[%dma_wait3A_709] : memref<16384xf32, #tpu.memory_space<vmem>> -> memref<8192xf32, #tpu.memory_space<vmem>>
    %dma_wait3A_711 = arith.constant 8192 : i32
    %dma_wait3A_712 = tpu.memref_slice %arg2[%sub3A_438, %dma_wait3A_711] : memref<3120x16384xf32, #tpu.memory_space<hbm>> -> memref<1x8192xf32, #tpu.memory_space<hbm>>
    %dma_wait3A_713 = tpu.memref_squeeze %dma_wait3A_712 : memref<1x8192xf32, #tpu.memory_space<hbm>> -> memref<8192xf32, #tpu.memory_space<hbm>>
    tpu.wait_dma2 semaphore(%arg14 : memref<!tpu.dma_semaphore, #tpu.memory_space<semaphore_mem>>) src(%dma_wait3A_713 : memref<8192xf32, #tpu.memory_space<hbm>>) dst(%dma_wait3A_710 : memref<8192xf32, #tpu.memory_space<vmem>>)
    %add3A_714 = arith.addi %reduce_min3A_10, %mul3A_2 : i32
    %add3A_715 = arith.constant 7 : i32
    %add3A_716 = arith.addi %add3A_714, %add3A_715 : i32
    %add3A_717 = arith.constant 4 : i32
    %add3A_718 = arith.addi %add3A_716, %add3A_717 : i32
    %sub3A_719 = arith.constant 1 : i32
    %sub3A_720 = arith.subi %add3A_718, %sub3A_719 : i32
    %dma_start3A_721 = arith.constant 0 : i32
    %dma_start3A_722 = tpu.memref_slice %arg9[%dma_start3A_721] : memref<16384xf32, #tpu.memory_space<vmem>> -> memref<8192xf32, #tpu.memory_space<vmem>>
    %dma_start3A_723 = arith.constant 0 : i32
    %dma_start3A_724 = tpu.memref_slice %arg2[%sub3A_720, %dma_start3A_723] : memref<3120x16384xf32, #tpu.memory_space<hbm>> -> memref<1x8192xf32, #tpu.memory_space<hbm>>
    %dma_start3A_725 = tpu.memref_squeeze %dma_start3A_724 : memref<1x8192xf32, #tpu.memory_space<hbm>> -> memref<8192xf32, #tpu.memory_space<hbm>>
    %dma_start3A_726 = arith.constant 0 : i32
    %dma_start3A_727 = tpu.memref_slice %arg9[%dma_start3A_726] : memref<16384xf32, #tpu.memory_space<vmem>> -> memref<8192xf32, #tpu.memory_space<vmem>>
    %dma_start3A_728 = arith.constant 0 : i32
    %dma_start3A_729 = tpu.memref_slice %arg2[%sub3A_720, %dma_start3A_728] : memref<3120x16384xf32, #tpu.memory_space<hbm>> -> memref<1x8192xf32, #tpu.memory_space<hbm>>
    %dma_start3A_730 = tpu.memref_squeeze %dma_start3A_729 : memref<1x8192xf32, #tpu.memory_space<hbm>> -> memref<8192xf32, #tpu.memory_space<hbm>>
    tpu.enqueue_dma source(%dma_start3A_730 : memref<8192xf32, #tpu.memory_space<hbm>>) target(%dma_start3A_727 : memref<8192xf32, #tpu.memory_space<vmem>>) target_semaphore(%arg14 : memref<!tpu.dma_semaphore, #tpu.memory_space<semaphore_mem>>)
    %dma_start3A_731 = arith.constant 8192 : i32
    %dma_start3A_732 = tpu.memref_slice %arg9[%dma_start3A_731] : memref<16384xf32, #tpu.memory_space<vmem>> -> memref<8192xf32, #tpu.memory_space<vmem>>
    %dma_start3A_733 = arith.constant 8192 : i32
    %dma_start3A_734 = tpu.memref_slice %arg2[%sub3A_720, %dma_start3A_733] : memref<3120x16384xf32, #tpu.memory_space<hbm>> -> memref<1x8192xf32, #tpu.memory_space<hbm>>
    %dma_start3A_735 = tpu.memref_squeeze %dma_start3A_734 : memref<1x8192xf32, #tpu.memory_space<hbm>> -> memref<8192xf32, #tpu.memory_space<hbm>>
    %dma_start3A_736 = arith.constant 8192 : i32
    %dma_start3A_737 = tpu.memref_slice %arg9[%dma_start3A_736] : memref<16384xf32, #tpu.memory_space<vmem>> -> memref<8192xf32, #tpu.memory_space<vmem>>
    %dma_start3A_738 = arith.constant 8192 : i32
    %dma_start3A_739 = tpu.memref_slice %arg2[%sub3A_720, %dma_start3A_738] : memref<3120x16384xf32, #tpu.memory_space<hbm>> -> memref<1x8192xf32, #tpu.memory_space<hbm>>
    %dma_start3A_740 = tpu.memref_squeeze %dma_start3A_739 : memref<1x8192xf32, #tpu.memory_space<hbm>> -> memref<8192xf32, #tpu.memory_space<hbm>>
    tpu.enqueue_dma source(%dma_start3A_740 : memref<8192xf32, #tpu.memory_space<hbm>>) target(%dma_start3A_737 : memref<8192xf32, #tpu.memory_space<vmem>>) target_semaphore(%arg14 : memref<!tpu.dma_semaphore, #tpu.memory_space<semaphore_mem>>)
    %dma_wait3A_741 = arith.constant 0 : i32
    %dma_wait3A_742 = tpu.memref_slice %arg12[%dma_wait3A_741] : memref<16384xf32, #tpu.memory_space<vmem>> -> memref<8192xf32, #tpu.memory_space<vmem>>
    %dma_wait3A_743 = arith.constant 0 : i32
    %dma_wait3A_744 = tpu.memref_slice %arg5[%add3A_577, %dma_wait3A_743] : memref<480x16384xf32, #tpu.memory_space<hbm>> -> memref<1x8192xf32, #tpu.memory_space<hbm>>
    %dma_wait3A_745 = tpu.memref_squeeze %dma_wait3A_744 : memref<1x8192xf32, #tpu.memory_space<hbm>> -> memref<8192xf32, #tpu.memory_space<hbm>>
    %dma_wait3A_746 = arith.constant 0 : i32
    %dma_wait3A_747 = tpu.memref_slice %arg5[%add3A_577, %dma_wait3A_746] : memref<480x16384xf32, #tpu.memory_space<hbm>> -> memref<1x8192xf32, #tpu.memory_space<hbm>>
    %dma_wait3A_748 = tpu.memref_squeeze %dma_wait3A_747 : memref<1x8192xf32, #tpu.memory_space<hbm>> -> memref<8192xf32, #tpu.memory_space<hbm>>
    %dma_wait3A_749 = arith.constant 0 : i32
    %dma_wait3A_750 = tpu.memref_slice %arg12[%dma_wait3A_749] : memref<16384xf32, #tpu.memory_space<vmem>> -> memref<8192xf32, #tpu.memory_space<vmem>>
    tpu.wait_dma2 semaphore(%arg15 : memref<!tpu.dma_semaphore, #tpu.memory_space<semaphore_mem>>) src(%dma_wait3A_750 : memref<8192xf32, #tpu.memory_space<vmem>>) dst(%dma_wait3A_748 : memref<8192xf32, #tpu.memory_space<hbm>>)
    %dma_wait3A_751 = arith.constant 8192 : i32
    %dma_wait3A_752 = tpu.memref_slice %arg12[%dma_wait3A_751] : memref<16384xf32, #tpu.memory_space<vmem>> -> memref<8192xf32, #tpu.memory_space<vmem>>
    %dma_wait3A_753 = arith.constant 8192 : i32
    %dma_wait3A_754 = tpu.memref_slice %arg5[%add3A_589, %dma_wait3A_753] : memref<480x16384xf32, #tpu.memory_space<hbm>> -> memref<1x8192xf32, #tpu.memory_space<hbm>>
    %dma_wait3A_755 = tpu.memref_squeeze %dma_wait3A_754 : memref<1x8192xf32, #tpu.memory_space<hbm>> -> memref<8192xf32, #tpu.memory_space<hbm>>
    %dma_wait3A_756 = arith.constant 8192 : i32
    %dma_wait3A_757 = tpu.memref_slice %arg5[%add3A_589, %dma_wait3A_756] : memref<480x16384xf32, #tpu.memory_space<hbm>> -> memref<1x8192xf32, #tpu.memory_space<hbm>>
    %dma_wait3A_758 = tpu.memref_squeeze %dma_wait3A_757 : memref<1x8192xf32, #tpu.memory_space<hbm>> -> memref<8192xf32, #tpu.memory_space<hbm>>
    %dma_wait3A_759 = arith.constant 8192 : i32
    %dma_wait3A_760 = tpu.memref_slice %arg12[%dma_wait3A_759] : memref<16384xf32, #tpu.memory_space<vmem>> -> memref<8192xf32, #tpu.memory_space<vmem>>
    tpu.wait_dma2 semaphore(%arg15 : memref<!tpu.dma_semaphore, #tpu.memory_space<semaphore_mem>>) src(%dma_wait3A_760 : memref<8192xf32, #tpu.memory_space<vmem>>) dst(%dma_wait3A_758 : memref<8192xf32, #tpu.memory_space<hbm>>)
    %parallel_loop3A_761 = arith.constant 0 : i32
    %parallel_loop3A_762 = arith.constant 1024 : i32
    %parallel_loop3A_763 = arith.constant 1 : i32
    scf.for %parallel_loop3A_1405 = %parallel_loop3A_761 to %parallel_loop3A_762 step %parallel_loop3A_763  : i32 {
      %parallel_loop3A_1406 = arith.constant 16 : i32
      %parallel_loop3A_1407 = arith.muli %parallel_loop3A_1405, %parallel_loop3A_1406 : i32
      %parallel_loop3A_1408 = arith.index_cast %parallel_loop3A_1407 : i32 to index
      %parallel_loop3A_1409 = tpu.vector_load %arg6[%parallel_loop3A_1408] {strides = array<i32>} : memref<16384xi32, #tpu.memory_space<vmem>>, vector<16xi32>,
      %parallel_loop3A_1410 = tpu.vector_load_idx %arg10[%parallel_loop3A_1409] : memref<16384xf32, #tpu.memory_space<vmem>>[vector<16xi32>], vector<16xf32>,
      %parallel_loop3A_1411 = arith.constant 16 : i32
      %parallel_loop3A_1412 = arith.muli %parallel_loop3A_1405, %parallel_loop3A_1411 : i32
      %parallel_loop3A_1413 = arith.index_cast %parallel_loop3A_1412 : i32 to index
      %parallel_loop3A_1414 = tpu.vector_load %arg12[%parallel_loop3A_1413] {strides = array<i32>} : memref<16384xf32, #tpu.memory_space<vmem>>, vector<16xf32>,
      tpu.vector_store %arg12[%parallel_loop3A_1413], %parallel_loop3A_1410 {strides = array<i32>} : memref<16384xf32, #tpu.memory_space<vmem>>, vector<16xf32>,
    } {sc.loop_unroll_factor = 8 : i64, sc.parallel_access}
    %add3A_764 = arith.constant 7 : i32
    %add3A_765 = arith.addi %mul3A_2, %add3A_764 : i32
    %dma_start3A_766 = arith.constant 0 : i32
    %dma_start3A_767 = tpu.memref_slice %arg12[%dma_start3A_766] : memref<16384xf32, #tpu.memory_space<vmem>> -> memref<8192xf32, #tpu.memory_space<vmem>>
    %dma_start3A_768 = arith.constant 0 : i32
    %dma_start3A_769 = tpu.memref_slice %arg5[%add3A_765, %dma_start3A_768] : memref<480x16384xf32, #tpu.memory_space<hbm>> -> memref<1x8192xf32, #tpu.memory_space<hbm>>
    %dma_start3A_770 = tpu.memref_squeeze %dma_start3A_769 : memref<1x8192xf32, #tpu.memory_space<hbm>> -> memref<8192xf32, #tpu.memory_space<hbm>>
    %dma_start3A_771 = arith.constant 0 : i32
    %dma_start3A_772 = tpu.memref_slice %arg5[%add3A_765, %dma_start3A_771] : memref<480x16384xf32, #tpu.memory_space<hbm>> -> memref<1x8192xf32, #tpu.memory_space<hbm>>
    %dma_start3A_773 = tpu.memref_squeeze %dma_start3A_772 : memref<1x8192xf32, #tpu.memory_space<hbm>> -> memref<8192xf32, #tpu.memory_space<hbm>>
    %dma_start3A_774 = arith.constant 0 : i32
    %dma_start3A_775 = tpu.memref_slice %arg12[%dma_start3A_774] : memref<16384xf32, #tpu.memory_space<vmem>> -> memref<8192xf32, #tpu.memory_space<vmem>>
    tpu.enqueue_dma source(%dma_start3A_775 : memref<8192xf32, #tpu.memory_space<vmem>>) target(%dma_start3A_773 : memref<8192xf32, #tpu.memory_space<hbm>>) target_semaphore(%arg15 : memref<!tpu.dma_semaphore, #tpu.memory_space<semaphore_mem>>)
    %add3A_776 = arith.constant 7 : i32
    %add3A_777 = arith.addi %mul3A_2, %add3A_776 : i32
    %dma_start3A_778 = arith.constant 8192 : i32
    %dma_start3A_779 = tpu.memref_slice %arg12[%dma_start3A_778] : memref<16384xf32, #tpu.memory_space<vmem>> -> memref<8192xf32, #tpu.memory_space<vmem>>
    %dma_start3A_780 = arith.constant 8192 : i32
    %dma_start3A_781 = tpu.memref_slice %arg5[%add3A_777, %dma_start3A_780] : memref<480x16384xf32, #tpu.memory_space<hbm>> -> memref<1x8192xf32, #tpu.memory_space<hbm>>
    %dma_start3A_782 = tpu.memref_squeeze %dma_start3A_781 : memref<1x8192xf32, #tpu.memory_space<hbm>> -> memref<8192xf32, #tpu.memory_space<hbm>>
    %dma_start3A_783 = arith.constant 8192 : i32
    %dma_start3A_784 = tpu.memref_slice %arg5[%add3A_777, %dma_start3A_783] : memref<480x16384xf32, #tpu.memory_space<hbm>> -> memref<1x8192xf32, #tpu.memory_space<hbm>>
    %dma_start3A_785 = tpu.memref_squeeze %dma_start3A_784 : memref<1x8192xf32, #tpu.memory_space<hbm>> -> memref<8192xf32, #tpu.memory_space<hbm>>
    %dma_start3A_786 = arith.constant 8192 : i32
    %dma_start3A_787 = tpu.memref_slice %arg12[%dma_start3A_786] : memref<16384xf32, #tpu.memory_space<vmem>> -> memref<8192xf32, #tpu.memory_space<vmem>>
    tpu.enqueue_dma source(%dma_start3A_787 : memref<8192xf32, #tpu.memory_space<vmem>>) target(%dma_start3A_785 : memref<8192xf32, #tpu.memory_space<hbm>>) target_semaphore(%arg15 : memref<!tpu.dma_semaphore, #tpu.memory_space<semaphore_mem>>)
    %dma_wait3A_788 = arith.constant 0 : i32
    %dma_wait3A_789 = tpu.memref_slice %arg7[%dma_wait3A_788] : memref<16384xf32, #tpu.memory_space<vmem>> -> memref<8192xf32, #tpu.memory_space<vmem>>
    %dma_wait3A_790 = arith.constant 0 : i32
    %dma_wait3A_791 = tpu.memref_slice %arg2[%sub3A_532, %dma_wait3A_790] : memref<3120x16384xf32, #tpu.memory_space<hbm>> -> memref<1x8192xf32, #tpu.memory_space<hbm>>
    %dma_wait3A_792 = tpu.memref_squeeze %dma_wait3A_791 : memref<1x8192xf32, #tpu.memory_space<hbm>> -> memref<8192xf32, #tpu.memory_space<hbm>>
    %dma_wait3A_793 = arith.constant 0 : i32
    %dma_wait3A_794 = tpu.memref_slice %arg7[%dma_wait3A_793] : memref<16384xf32, #tpu.memory_space<vmem>> -> memref<8192xf32, #tpu.memory_space<vmem>>
    %dma_wait3A_795 = arith.constant 0 : i32
    %dma_wait3A_796 = tpu.memref_slice %arg2[%sub3A_532, %dma_wait3A_795] : memref<3120x16384xf32, #tpu.memory_space<hbm>> -> memref<1x8192xf32, #tpu.memory_space<hbm>>
    %dma_wait3A_797 = tpu.memref_squeeze %dma_wait3A_796 : memref<1x8192xf32, #tpu.memory_space<hbm>> -> memref<8192xf32, #tpu.memory_space<hbm>>
    tpu.wait_dma2 semaphore(%arg14 : memref<!tpu.dma_semaphore, #tpu.memory_space<semaphore_mem>>) src(%dma_wait3A_797 : memref<8192xf32, #tpu.memory_space<hbm>>) dst(%dma_wait3A_794 : memref<8192xf32, #tpu.memory_space<vmem>>)
    %dma_wait3A_798 = arith.constant 8192 : i32
    %dma_wait3A_799 = tpu.memref_slice %arg7[%dma_wait3A_798] : memref<16384xf32, #tpu.memory_space<vmem>> -> memref<8192xf32, #tpu.memory_space<vmem>>
    %dma_wait3A_800 = arith.constant 8192 : i32
    %dma_wait3A_801 = tpu.memref_slice %arg2[%sub3A_532, %dma_wait3A_800] : memref<3120x16384xf32, #tpu.memory_space<hbm>> -> memref<1x8192xf32, #tpu.memory_space<hbm>>
    %dma_wait3A_802 = tpu.memref_squeeze %dma_wait3A_801 : memref<1x8192xf32, #tpu.memory_space<hbm>> -> memref<8192xf32, #tpu.memory_space<hbm>>
    %dma_wait3A_803 = arith.constant 8192 : i32
    %dma_wait3A_804 = tpu.memref_slice %arg7[%dma_wait3A_803] : memref<16384xf32, #tpu.memory_space<vmem>> -> memref<8192xf32, #tpu.memory_space<vmem>>
    %dma_wait3A_805 = arith.constant 8192 : i32
    %dma_wait3A_806 = tpu.memref_slice %arg2[%sub3A_532, %dma_wait3A_805] : memref<3120x16384xf32, #tpu.memory_space<hbm>> -> memref<1x8192xf32, #tpu.memory_space<hbm>>
    %dma_wait3A_807 = tpu.memref_squeeze %dma_wait3A_806 : memref<1x8192xf32, #tpu.memory_space<hbm>> -> memref<8192xf32, #tpu.memory_space<hbm>>
    tpu.wait_dma2 semaphore(%arg14 : memref<!tpu.dma_semaphore, #tpu.memory_space<semaphore_mem>>) src(%dma_wait3A_807 : memref<8192xf32, #tpu.memory_space<hbm>>) dst(%dma_wait3A_804 : memref<8192xf32, #tpu.memory_space<vmem>>)
    %add3A_808 = arith.addi %reduce_min3A_10, %mul3A_2 : i32
    %add3A_809 = arith.constant 8 : i32
    %add3A_810 = arith.addi %add3A_808, %add3A_809 : i32
    %add3A_811 = arith.constant 4 : i32
    %add3A_812 = arith.addi %add3A_810, %add3A_811 : i32
    %sub3A_813 = arith.constant 1 : i32
    %sub3A_814 = arith.subi %add3A_812, %sub3A_813 : i32
    %dma_start3A_815 = arith.constant 0 : i32
    %dma_start3A_816 = tpu.memref_slice %arg10[%dma_start3A_815] : memref<16384xf32, #tpu.memory_space<vmem>> -> memref<8192xf32, #tpu.memory_space<vmem>>
    %dma_start3A_817 = arith.constant 0 : i32
    %dma_start3A_818 = tpu.memref_slice %arg2[%sub3A_814, %dma_start3A_817] : memref<3120x16384xf32, #tpu.memory_space<hbm>> -> memref<1x8192xf32, #tpu.memory_space<hbm>>
    %dma_start3A_819 = tpu.memref_squeeze %dma_start3A_818 : memref<1x8192xf32, #tpu.memory_space<hbm>> -> memref<8192xf32, #tpu.memory_space<hbm>>
    %dma_start3A_820 = arith.constant 0 : i32
    %dma_start3A_821 = tpu.memref_slice %arg10[%dma_start3A_820] : memref<16384xf32, #tpu.memory_space<vmem>> -> memref<8192xf32, #tpu.memory_space<vmem>>
    %dma_start3A_822 = arith.constant 0 : i32
    %dma_start3A_823 = tpu.memref_slice %arg2[%sub3A_814, %dma_start3A_822] : memref<3120x16384xf32, #tpu.memory_space<hbm>> -> memref<1x8192xf32, #tpu.memory_space<hbm>>
    %dma_start3A_824 = tpu.memref_squeeze %dma_start3A_823 : memref<1x8192xf32, #tpu.memory_space<hbm>> -> memref<8192xf32, #tpu.memory_space<hbm>>
    tpu.enqueue_dma source(%dma_start3A_824 : memref<8192xf32, #tpu.memory_space<hbm>>) target(%dma_start3A_821 : memref<8192xf32, #tpu.memory_space<vmem>>) target_semaphore(%arg14 : memref<!tpu.dma_semaphore, #tpu.memory_space<semaphore_mem>>)
    %dma_start3A_825 = arith.constant 8192 : i32
    %dma_start3A_826 = tpu.memref_slice %arg10[%dma_start3A_825] : memref<16384xf32, #tpu.memory_space<vmem>> -> memref<8192xf32, #tpu.memory_space<vmem>>
    %dma_start3A_827 = arith.constant 8192 : i32
    %dma_start3A_828 = tpu.memref_slice %arg2[%sub3A_814, %dma_start3A_827] : memref<3120x16384xf32, #tpu.memory_space<hbm>> -> memref<1x8192xf32, #tpu.memory_space<hbm>>
    %dma_start3A_829 = tpu.memref_squeeze %dma_start3A_828 : memref<1x8192xf32, #tpu.memory_space<hbm>> -> memref<8192xf32, #tpu.memory_space<hbm>>
    %dma_start3A_830 = arith.constant 8192 : i32
    %dma_start3A_831 = tpu.memref_slice %arg10[%dma_start3A_830] : memref<16384xf32, #tpu.memory_space<vmem>> -> memref<8192xf32, #tpu.memory_space<vmem>>
    %dma_start3A_832 = arith.constant 8192 : i32
    %dma_start3A_833 = tpu.memref_slice %arg2[%sub3A_814, %dma_start3A_832] : memref<3120x16384xf32, #tpu.memory_space<hbm>> -> memref<1x8192xf32, #tpu.memory_space<hbm>>
    %dma_start3A_834 = tpu.memref_squeeze %dma_start3A_833 : memref<1x8192xf32, #tpu.memory_space<hbm>> -> memref<8192xf32, #tpu.memory_space<hbm>>
    tpu.enqueue_dma source(%dma_start3A_834 : memref<8192xf32, #tpu.memory_space<hbm>>) target(%dma_start3A_831 : memref<8192xf32, #tpu.memory_space<vmem>>) target_semaphore(%arg14 : memref<!tpu.dma_semaphore, #tpu.memory_space<semaphore_mem>>)
    %dma_wait3A_835 = arith.constant 0 : i32
    %dma_wait3A_836 = tpu.memref_slice %arg11[%dma_wait3A_835] : memref<16384xf32, #tpu.memory_space<vmem>> -> memref<8192xf32, #tpu.memory_space<vmem>>
    %dma_wait3A_837 = arith.constant 0 : i32
    %dma_wait3A_838 = tpu.memref_slice %arg5[%add3A_671, %dma_wait3A_837] : memref<480x16384xf32, #tpu.memory_space<hbm>> -> memref<1x8192xf32, #tpu.memory_space<hbm>>
    %dma_wait3A_839 = tpu.memref_squeeze %dma_wait3A_838 : memref<1x8192xf32, #tpu.memory_space<hbm>> -> memref<8192xf32, #tpu.memory_space<hbm>>
    %dma_wait3A_840 = arith.constant 0 : i32
    %dma_wait3A_841 = tpu.memref_slice %arg5[%add3A_671, %dma_wait3A_840] : memref<480x16384xf32, #tpu.memory_space<hbm>> -> memref<1x8192xf32, #tpu.memory_space<hbm>>
    %dma_wait3A_842 = tpu.memref_squeeze %dma_wait3A_841 : memref<1x8192xf32, #tpu.memory_space<hbm>> -> memref<8192xf32, #tpu.memory_space<hbm>>
    %dma_wait3A_843 = arith.constant 0 : i32
    %dma_wait3A_844 = tpu.memref_slice %arg11[%dma_wait3A_843] : memref<16384xf32, #tpu.memory_space<vmem>> -> memref<8192xf32, #tpu.memory_space<vmem>>
    tpu.wait_dma2 semaphore(%arg15 : memref<!tpu.dma_semaphore, #tpu.memory_space<semaphore_mem>>) src(%dma_wait3A_844 : memref<8192xf32, #tpu.memory_space<vmem>>) dst(%dma_wait3A_842 : memref<8192xf32, #tpu.memory_space<hbm>>)
    %dma_wait3A_845 = arith.constant 8192 : i32
    %dma_wait3A_846 = tpu.memref_slice %arg11[%dma_wait3A_845] : memref<16384xf32, #tpu.memory_space<vmem>> -> memref<8192xf32, #tpu.memory_space<vmem>>
    %dma_wait3A_847 = arith.constant 8192 : i32
    %dma_wait3A_848 = tpu.memref_slice %arg5[%add3A_683, %dma_wait3A_847] : memref<480x16384xf32, #tpu.memory_space<hbm>> -> memref<1x8192xf32, #tpu.memory_space<hbm>>
    %dma_wait3A_849 = tpu.memref_squeeze %dma_wait3A_848 : memref<1x8192xf32, #tpu.memory_space<hbm>> -> memref<8192xf32, #tpu.memory_space<hbm>>
    %dma_wait3A_850 = arith.constant 8192 : i32
    %dma_wait3A_851 = tpu.memref_slice %arg5[%add3A_683, %dma_wait3A_850] : memref<480x16384xf32, #tpu.memory_space<hbm>> -> memref<1x8192xf32, #tpu.memory_space<hbm>>
    %dma_wait3A_852 = tpu.memref_squeeze %dma_wait3A_851 : memref<1x8192xf32, #tpu.memory_space<hbm>> -> memref<8192xf32, #tpu.memory_space<hbm>>
    %dma_wait3A_853 = arith.constant 8192 : i32
    %dma_wait3A_854 = tpu.memref_slice %arg11[%dma_wait3A_853] : memref<16384xf32, #tpu.memory_space<vmem>> -> memref<8192xf32, #tpu.memory_space<vmem>>
    tpu.wait_dma2 semaphore(%arg15 : memref<!tpu.dma_semaphore, #tpu.memory_space<semaphore_mem>>) src(%dma_wait3A_854 : memref<8192xf32, #tpu.memory_space<vmem>>) dst(%dma_wait3A_852 : memref<8192xf32, #tpu.memory_space<hbm>>)
    %parallel_loop3A_855 = arith.constant 0 : i32
    %parallel_loop3A_856 = arith.constant 1024 : i32
    %parallel_loop3A_857 = arith.constant 1 : i32
    scf.for %parallel_loop3A_1405 = %parallel_loop3A_855 to %parallel_loop3A_856 step %parallel_loop3A_857  : i32 {
      %parallel_loop3A_1406 = arith.constant 16 : i32
      %parallel_loop3A_1407 = arith.muli %parallel_loop3A_1405, %parallel_loop3A_1406 : i32
      %parallel_loop3A_1408 = arith.index_cast %parallel_loop3A_1407 : i32 to index
      %parallel_loop3A_1409 = tpu.vector_load %arg6[%parallel_loop3A_1408] {strides = array<i32>} : memref<16384xi32, #tpu.memory_space<vmem>>, vector<16xi32>,
      %parallel_loop3A_1410 = tpu.vector_load_idx %arg7[%parallel_loop3A_1409] : memref<16384xf32, #tpu.memory_space<vmem>>[vector<16xi32>], vector<16xf32>,
      %parallel_loop3A_1411 = arith.constant 16 : i32
      %parallel_loop3A_1412 = arith.muli %parallel_loop3A_1405, %parallel_loop3A_1411 : i32
      %parallel_loop3A_1413 = arith.index_cast %parallel_loop3A_1412 : i32 to index
      %parallel_loop3A_1414 = tpu.vector_load %arg11[%parallel_loop3A_1413] {strides = array<i32>} : memref<16384xf32, #tpu.memory_space<vmem>>, vector<16xf32>,
      tpu.vector_store %arg11[%parallel_loop3A_1413], %parallel_loop3A_1410 {strides = array<i32>} : memref<16384xf32, #tpu.memory_space<vmem>>, vector<16xf32>,
    } {sc.loop_unroll_factor = 8 : i64, sc.parallel_access}
    %add3A_858 = arith.constant 8 : i32
    %add3A_859 = arith.addi %mul3A_2, %add3A_858 : i32
    %dma_start3A_860 = arith.constant 0 : i32
    %dma_start3A_861 = tpu.memref_slice %arg11[%dma_start3A_860] : memref<16384xf32, #tpu.memory_space<vmem>> -> memref<8192xf32, #tpu.memory_space<vmem>>
    %dma_start3A_862 = arith.constant 0 : i32
    %dma_start3A_863 = tpu.memref_slice %arg5[%add3A_859, %dma_start3A_862] : memref<480x16384xf32, #tpu.memory_space<hbm>> -> memref<1x8192xf32, #tpu.memory_space<hbm>>
    %dma_start3A_864 = tpu.memref_squeeze %dma_start3A_863 : memref<1x8192xf32, #tpu.memory_space<hbm>> -> memref<8192xf32, #tpu.memory_space<hbm>>
    %dma_start3A_865 = arith.constant 0 : i32
    %dma_start3A_866 = tpu.memref_slice %arg5[%add3A_859, %dma_start3A_865] : memref<480x16384xf32, #tpu.memory_space<hbm>> -> memref<1x8192xf32, #tpu.memory_space<hbm>>
    %dma_start3A_867 = tpu.memref_squeeze %dma_start3A_866 : memref<1x8192xf32, #tpu.memory_space<hbm>> -> memref<8192xf32, #tpu.memory_space<hbm>>
    %dma_start3A_868 = arith.constant 0 : i32
    %dma_start3A_869 = tpu.memref_slice %arg11[%dma_start3A_868] : memref<16384xf32, #tpu.memory_space<vmem>> -> memref<8192xf32, #tpu.memory_space<vmem>>
    tpu.enqueue_dma source(%dma_start3A_869 : memref<8192xf32, #tpu.memory_space<vmem>>) target(%dma_start3A_867 : memref<8192xf32, #tpu.memory_space<hbm>>) target_semaphore(%arg15 : memref<!tpu.dma_semaphore, #tpu.memory_space<semaphore_mem>>)
    %add3A_870 = arith.constant 8 : i32
    %add3A_871 = arith.addi %mul3A_2, %add3A_870 : i32
    %dma_start3A_872 = arith.constant 8192 : i32
    %dma_start3A_873 = tpu.memref_slice %arg11[%dma_start3A_872] : memref<16384xf32, #tpu.memory_space<vmem>> -> memref<8192xf32, #tpu.memory_space<vmem>>
    %dma_start3A_874 = arith.constant 8192 : i32
    %dma_start3A_875 = tpu.memref_slice %arg5[%add3A_871, %dma_start3A_874] : memref<480x16384xf32, #tpu.memory_space<hbm>> -> memref<1x8192xf32, #tpu.memory_space<hbm>>
    %dma_start3A_876 = tpu.memref_squeeze %dma_start3A_875 : memref<1x8192xf32, #tpu.memory_space<hbm>> -> memref<8192xf32, #tpu.memory_space<hbm>>
    %dma_start3A_877 = arith.constant 8192 : i32
    %dma_start3A_878 = tpu.memref_slice %arg5[%add3A_871, %dma_start3A_877] : memref<480x16384xf32, #tpu.memory_space<hbm>> -> memref<1x8192xf32, #tpu.memory_space<hbm>>
    %dma_start3A_879 = tpu.memref_squeeze %dma_start3A_878 : memref<1x8192xf32, #tpu.memory_space<hbm>> -> memref<8192xf32, #tpu.memory_space<hbm>>
    %dma_start3A_880 = arith.constant 8192 : i32
    %dma_start3A_881 = tpu.memref_slice %arg11[%dma_start3A_880] : memref<16384xf32, #tpu.memory_space<vmem>> -> memref<8192xf32, #tpu.memory_space<vmem>>
    tpu.enqueue_dma source(%dma_start3A_881 : memref<8192xf32, #tpu.memory_space<vmem>>) target(%dma_start3A_879 : memref<8192xf32, #tpu.memory_space<hbm>>) target_semaphore(%arg15 : memref<!tpu.dma_semaphore, #tpu.memory_space<semaphore_mem>>)
    %dma_wait3A_882 = arith.constant 0 : i32
    %dma_wait3A_883 = tpu.memref_slice %arg8[%dma_wait3A_882] : memref<16384xf32, #tpu.memory_space<vmem>> -> memref<8192xf32, #tpu.memory_space<vmem>>
    %dma_wait3A_884 = arith.constant 0 : i32
    %dma_wait3A_885 = tpu.memref_slice %arg2[%sub3A_626, %dma_wait3A_884] : memref<3120x16384xf32, #tpu.memory_space<hbm>> -> memref<1x8192xf32, #tpu.memory_space<hbm>>
    %dma_wait3A_886 = tpu.memref_squeeze %dma_wait3A_885 : memref<1x8192xf32, #tpu.memory_space<hbm>> -> memref<8192xf32, #tpu.memory_space<hbm>>
    %dma_wait3A_887 = arith.constant 0 : i32
    %dma_wait3A_888 = tpu.memref_slice %arg8[%dma_wait3A_887] : memref<16384xf32, #tpu.memory_space<vmem>> -> memref<8192xf32, #tpu.memory_space<vmem>>
    %dma_wait3A_889 = arith.constant 0 : i32
    %dma_wait3A_890 = tpu.memref_slice %arg2[%sub3A_626, %dma_wait3A_889] : memref<3120x16384xf32, #tpu.memory_space<hbm>> -> memref<1x8192xf32, #tpu.memory_space<hbm>>
    %dma_wait3A_891 = tpu.memref_squeeze %dma_wait3A_890 : memref<1x8192xf32, #tpu.memory_space<hbm>> -> memref<8192xf32, #tpu.memory_space<hbm>>
    tpu.wait_dma2 semaphore(%arg14 : memref<!tpu.dma_semaphore, #tpu.memory_space<semaphore_mem>>) src(%dma_wait3A_891 : memref<8192xf32, #tpu.memory_space<hbm>>) dst(%dma_wait3A_888 : memref<8192xf32, #tpu.memory_space<vmem>>)
    %dma_wait3A_892 = arith.constant 8192 : i32
    %dma_wait3A_893 = tpu.memref_slice %arg8[%dma_wait3A_892] : memref<16384xf32, #tpu.memory_space<vmem>> -> memref<8192xf32, #tpu.memory_space<vmem>>
    %dma_wait3A_894 = arith.constant 8192 : i32
    %dma_wait3A_895 = tpu.memref_slice %arg2[%sub3A_626, %dma_wait3A_894] : memref<3120x16384xf32, #tpu.memory_space<hbm>> -> memref<1x8192xf32, #tpu.memory_space<hbm>>
    %dma_wait3A_896 = tpu.memref_squeeze %dma_wait3A_895 : memref<1x8192xf32, #tpu.memory_space<hbm>> -> memref<8192xf32, #tpu.memory_space<hbm>>
    %dma_wait3A_897 = arith.constant 8192 : i32
    %dma_wait3A_898 = tpu.memref_slice %arg8[%dma_wait3A_897] : memref<16384xf32, #tpu.memory_space<vmem>> -> memref<8192xf32, #tpu.memory_space<vmem>>
    %dma_wait3A_899 = arith.constant 8192 : i32
    %dma_wait3A_900 = tpu.memref_slice %arg2[%sub3A_626, %dma_wait3A_899] : memref<3120x16384xf32, #tpu.memory_space<hbm>> -> memref<1x8192xf32, #tpu.memory_space<hbm>>
    %dma_wait3A_901 = tpu.memref_squeeze %dma_wait3A_900 : memref<1x8192xf32, #tpu.memory_space<hbm>> -> memref<8192xf32, #tpu.memory_space<hbm>>
    tpu.wait_dma2 semaphore(%arg14 : memref<!tpu.dma_semaphore, #tpu.memory_space<semaphore_mem>>) src(%dma_wait3A_901 : memref<8192xf32, #tpu.memory_space<hbm>>) dst(%dma_wait3A_898 : memref<8192xf32, #tpu.memory_space<vmem>>)
    %add3A_902 = arith.addi %reduce_min3A_10, %mul3A_2 : i32
    %add3A_903 = arith.constant 9 : i32
    %add3A_904 = arith.addi %add3A_902, %add3A_903 : i32
    %add3A_905 = arith.constant 4 : i32
    %add3A_906 = arith.addi %add3A_904, %add3A_905 : i32
    %sub3A_907 = arith.constant 1 : i32
    %sub3A_908 = arith.subi %add3A_906, %sub3A_907 : i32
    %dma_start3A_909 = arith.constant 0 : i32
    %dma_start3A_910 = tpu.memref_slice %arg7[%dma_start3A_909] : memref<16384xf32, #tpu.memory_space<vmem>> -> memref<8192xf32, #tpu.memory_space<vmem>>
    %dma_start3A_911 = arith.constant 0 : i32
    %dma_start3A_912 = tpu.memref_slice %arg2[%sub3A_908, %dma_start3A_911] : memref<3120x16384xf32, #tpu.memory_space<hbm>> -> memref<1x8192xf32, #tpu.memory_space<hbm>>
    %dma_start3A_913 = tpu.memref_squeeze %dma_start3A_912 : memref<1x8192xf32, #tpu.memory_space<hbm>> -> memref<8192xf32, #tpu.memory_space<hbm>>
    %dma_start3A_914 = arith.constant 0 : i32
    %dma_start3A_915 = tpu.memref_slice %arg7[%dma_start3A_914] : memref<16384xf32, #tpu.memory_space<vmem>> -> memref<8192xf32, #tpu.memory_space<vmem>>
    %dma_start3A_916 = arith.constant 0 : i32
    %dma_start3A_917 = tpu.memref_slice %arg2[%sub3A_908, %dma_start3A_916] : memref<3120x16384xf32, #tpu.memory_space<hbm>> -> memref<1x8192xf32, #tpu.memory_space<hbm>>
    %dma_start3A_918 = tpu.memref_squeeze %dma_start3A_917 : memref<1x8192xf32, #tpu.memory_space<hbm>> -> memref<8192xf32, #tpu.memory_space<hbm>>
    tpu.enqueue_dma source(%dma_start3A_918 : memref<8192xf32, #tpu.memory_space<hbm>>) target(%dma_start3A_915 : memref<8192xf32, #tpu.memory_space<vmem>>) target_semaphore(%arg14 : memref<!tpu.dma_semaphore, #tpu.memory_space<semaphore_mem>>)
    %dma_start3A_919 = arith.constant 8192 : i32
    %dma_start3A_920 = tpu.memref_slice %arg7[%dma_start3A_919] : memref<16384xf32, #tpu.memory_space<vmem>> -> memref<8192xf32, #tpu.memory_space<vmem>>
    %dma_start3A_921 = arith.constant 8192 : i32
    %dma_start3A_922 = tpu.memref_slice %arg2[%sub3A_908, %dma_start3A_921] : memref<3120x16384xf32, #tpu.memory_space<hbm>> -> memref<1x8192xf32, #tpu.memory_space<hbm>>
    %dma_start3A_923 = tpu.memref_squeeze %dma_start3A_922 : memref<1x8192xf32, #tpu.memory_space<hbm>> -> memref<8192xf32, #tpu.memory_space<hbm>>
    %dma_start3A_924 = arith.constant 8192 : i32
    %dma_start3A_925 = tpu.memref_slice %arg7[%dma_start3A_924] : memref<16384xf32, #tpu.memory_space<vmem>> -> memref<8192xf32, #tpu.memory_space<vmem>>
    %dma_start3A_926 = arith.constant 8192 : i32
    %dma_start3A_927 = tpu.memref_slice %arg2[%sub3A_908, %dma_start3A_926] : memref<3120x16384xf32, #tpu.memory_space<hbm>> -> memref<1x8192xf32, #tpu.memory_space<hbm>>
    %dma_start3A_928 = tpu.memref_squeeze %dma_start3A_927 : memref<1x8192xf32, #tpu.memory_space<hbm>> -> memref<8192xf32, #tpu.memory_space<hbm>>
    tpu.enqueue_dma source(%dma_start3A_928 : memref<8192xf32, #tpu.memory_space<hbm>>) target(%dma_start3A_925 : memref<8192xf32, #tpu.memory_space<vmem>>) target_semaphore(%arg14 : memref<!tpu.dma_semaphore, #tpu.memory_space<semaphore_mem>>)
    %dma_wait3A_929 = arith.constant 0 : i32
    %dma_wait3A_930 = tpu.memref_slice %arg12[%dma_wait3A_929] : memref<16384xf32, #tpu.memory_space<vmem>> -> memref<8192xf32, #tpu.memory_space<vmem>>
    %dma_wait3A_931 = arith.constant 0 : i32
    %dma_wait3A_932 = tpu.memref_slice %arg5[%add3A_765, %dma_wait3A_931] : memref<480x16384xf32, #tpu.memory_space<hbm>> -> memref<1x8192xf32, #tpu.memory_space<hbm>>
    %dma_wait3A_933 = tpu.memref_squeeze %dma_wait3A_932 : memref<1x8192xf32, #tpu.memory_space<hbm>> -> memref<8192xf32, #tpu.memory_space<hbm>>
    %dma_wait3A_934 = arith.constant 0 : i32
    %dma_wait3A_935 = tpu.memref_slice %arg5[%add3A_765, %dma_wait3A_934] : memref<480x16384xf32, #tpu.memory_space<hbm>> -> memref<1x8192xf32, #tpu.memory_space<hbm>>
    %dma_wait3A_936 = tpu.memref_squeeze %dma_wait3A_935 : memref<1x8192xf32, #tpu.memory_space<hbm>> -> memref<8192xf32, #tpu.memory_space<hbm>>
    %dma_wait3A_937 = arith.constant 0 : i32
    %dma_wait3A_938 = tpu.memref_slice %arg12[%dma_wait3A_937] : memref<16384xf32, #tpu.memory_space<vmem>> -> memref<8192xf32, #tpu.memory_space<vmem>>
    tpu.wait_dma2 semaphore(%arg15 : memref<!tpu.dma_semaphore, #tpu.memory_space<semaphore_mem>>) src(%dma_wait3A_938 : memref<8192xf32, #tpu.memory_space<vmem>>) dst(%dma_wait3A_936 : memref<8192xf32, #tpu.memory_space<hbm>>)
    %dma_wait3A_939 = arith.constant 8192 : i32
    %dma_wait3A_940 = tpu.memref_slice %arg12[%dma_wait3A_939] : memref<16384xf32, #tpu.memory_space<vmem>> -> memref<8192xf32, #tpu.memory_space<vmem>>
    %dma_wait3A_941 = arith.constant 8192 : i32
    %dma_wait3A_942 = tpu.memref_slice %arg5[%add3A_777, %dma_wait3A_941] : memref<480x16384xf32, #tpu.memory_space<hbm>> -> memref<1x8192xf32, #tpu.memory_space<hbm>>
    %dma_wait3A_943 = tpu.memref_squeeze %dma_wait3A_942 : memref<1x8192xf32, #tpu.memory_space<hbm>> -> memref<8192xf32, #tpu.memory_space<hbm>>
    %dma_wait3A_944 = arith.constant 8192 : i32
    %dma_wait3A_945 = tpu.memref_slice %arg5[%add3A_777, %dma_wait3A_944] : memref<480x16384xf32, #tpu.memory_space<hbm>> -> memref<1x8192xf32, #tpu.memory_space<hbm>>
    %dma_wait3A_946 = tpu.memref_squeeze %dma_wait3A_945 : memref<1x8192xf32, #tpu.memory_space<hbm>> -> memref<8192xf32, #tpu.memory_space<hbm>>
    %dma_wait3A_947 = arith.constant 8192 : i32
    %dma_wait3A_948 = tpu.memref_slice %arg12[%dma_wait3A_947] : memref<16384xf32, #tpu.memory_space<vmem>> -> memref<8192xf32, #tpu.memory_space<vmem>>
    tpu.wait_dma2 semaphore(%arg15 : memref<!tpu.dma_semaphore, #tpu.memory_space<semaphore_mem>>) src(%dma_wait3A_948 : memref<8192xf32, #tpu.memory_space<vmem>>) dst(%dma_wait3A_946 : memref<8192xf32, #tpu.memory_space<hbm>>)
    %parallel_loop3A_949 = arith.constant 0 : i32
    %parallel_loop3A_950 = arith.constant 1024 : i32
    %parallel_loop3A_951 = arith.constant 1 : i32
    scf.for %parallel_loop3A_1405 = %parallel_loop3A_949 to %parallel_loop3A_950 step %parallel_loop3A_951  : i32 {
      %parallel_loop3A_1406 = arith.constant 16 : i32
      %parallel_loop3A_1407 = arith.muli %parallel_loop3A_1405, %parallel_loop3A_1406 : i32
      %parallel_loop3A_1408 = arith.index_cast %parallel_loop3A_1407 : i32 to index
      %parallel_loop3A_1409 = tpu.vector_load %arg6[%parallel_loop3A_1408] {strides = array<i32>} : memref<16384xi32, #tpu.memory_space<vmem>>, vector<16xi32>,
      %parallel_loop3A_1410 = tpu.vector_load_idx %arg8[%parallel_loop3A_1409] : memref<16384xf32, #tpu.memory_space<vmem>>[vector<16xi32>], vector<16xf32>,
      %parallel_loop3A_1411 = arith.constant 16 : i32
      %parallel_loop3A_1412 = arith.muli %parallel_loop3A_1405, %parallel_loop3A_1411 : i32
      %parallel_loop3A_1413 = arith.index_cast %parallel_loop3A_1412 : i32 to index
      %parallel_loop3A_1414 = tpu.vector_load %arg12[%parallel_loop3A_1413] {strides = array<i32>} : memref<16384xf32, #tpu.memory_space<vmem>>, vector<16xf32>,
      tpu.vector_store %arg12[%parallel_loop3A_1413], %parallel_loop3A_1410 {strides = array<i32>} : memref<16384xf32, #tpu.memory_space<vmem>>, vector<16xf32>,
    } {sc.loop_unroll_factor = 8 : i64, sc.parallel_access}
    %add3A_952 = arith.constant 9 : i32
    %add3A_953 = arith.addi %mul3A_2, %add3A_952 : i32
    %dma_start3A_954 = arith.constant 0 : i32
    %dma_start3A_955 = tpu.memref_slice %arg12[%dma_start3A_954] : memref<16384xf32, #tpu.memory_space<vmem>> -> memref<8192xf32, #tpu.memory_space<vmem>>
    %dma_start3A_956 = arith.constant 0 : i32
    %dma_start3A_957 = tpu.memref_slice %arg5[%add3A_953, %dma_start3A_956] : memref<480x16384xf32, #tpu.memory_space<hbm>> -> memref<1x8192xf32, #tpu.memory_space<hbm>>
    %dma_start3A_958 = tpu.memref_squeeze %dma_start3A_957 : memref<1x8192xf32, #tpu.memory_space<hbm>> -> memref<8192xf32, #tpu.memory_space<hbm>>
    %dma_start3A_959 = arith.constant 0 : i32
    %dma_start3A_960 = tpu.memref_slice %arg5[%add3A_953, %dma_start3A_959] : memref<480x16384xf32, #tpu.memory_space<hbm>> -> memref<1x8192xf32, #tpu.memory_space<hbm>>
    %dma_start3A_961 = tpu.memref_squeeze %dma_start3A_960 : memref<1x8192xf32, #tpu.memory_space<hbm>> -> memref<8192xf32, #tpu.memory_space<hbm>>
    %dma_start3A_962 = arith.constant 0 : i32
    %dma_start3A_963 = tpu.memref_slice %arg12[%dma_start3A_962] : memref<16384xf32, #tpu.memory_space<vmem>> -> memref<8192xf32, #tpu.memory_space<vmem>>
    tpu.enqueue_dma source(%dma_start3A_963 : memref<8192xf32, #tpu.memory_space<vmem>>) target(%dma_start3A_961 : memref<8192xf32, #tpu.memory_space<hbm>>) target_semaphore(%arg15 : memref<!tpu.dma_semaphore, #tpu.memory_space<semaphore_mem>>)
    %add3A_964 = arith.constant 9 : i32
    %add3A_965 = arith.addi %mul3A_2, %add3A_964 : i32
    %dma_start3A_966 = arith.constant 8192 : i32
    %dma_start3A_967 = tpu.memref_slice %arg12[%dma_start3A_966] : memref<16384xf32, #tpu.memory_space<vmem>> -> memref<8192xf32, #tpu.memory_space<vmem>>
    %dma_start3A_968 = arith.constant 8192 : i32
    %dma_start3A_969 = tpu.memref_slice %arg5[%add3A_965, %dma_start3A_968] : memref<480x16384xf32, #tpu.memory_space<hbm>> -> memref<1x8192xf32, #tpu.memory_space<hbm>>
    %dma_start3A_970 = tpu.memref_squeeze %dma_start3A_969 : memref<1x8192xf32, #tpu.memory_space<hbm>> -> memref<8192xf32, #tpu.memory_space<hbm>>
    %dma_start3A_971 = arith.constant 8192 : i32
    %dma_start3A_972 = tpu.memref_slice %arg5[%add3A_965, %dma_start3A_971] : memref<480x16384xf32, #tpu.memory_space<hbm>> -> memref<1x8192xf32, #tpu.memory_space<hbm>>
    %dma_start3A_973 = tpu.memref_squeeze %dma_start3A_972 : memref<1x8192xf32, #tpu.memory_space<hbm>> -> memref<8192xf32, #tpu.memory_space<hbm>>
    %dma_start3A_974 = arith.constant 8192 : i32
    %dma_start3A_975 = tpu.memref_slice %arg12[%dma_start3A_974] : memref<16384xf32, #tpu.memory_space<vmem>> -> memref<8192xf32, #tpu.memory_space<vmem>>
    tpu.enqueue_dma source(%dma_start3A_975 : memref<8192xf32, #tpu.memory_space<vmem>>) target(%dma_start3A_973 : memref<8192xf32, #tpu.memory_space<hbm>>) target_semaphore(%arg15 : memref<!tpu.dma_semaphore, #tpu.memory_space<semaphore_mem>>)
    %dma_wait3A_976 = arith.constant 0 : i32
    %dma_wait3A_977 = tpu.memref_slice %arg9[%dma_wait3A_976] : memref<16384xf32, #tpu.memory_space<vmem>> -> memref<8192xf32, #tpu.memory_space<vmem>>
    %dma_wait3A_978 = arith.constant 0 : i32
    %dma_wait3A_979 = tpu.memref_slice %arg2[%sub3A_720, %dma_wait3A_978] : memref<3120x16384xf32, #tpu.memory_space<hbm>> -> memref<1x8192xf32, #tpu.memory_space<hbm>>
    %dma_wait3A_980 = tpu.memref_squeeze %dma_wait3A_979 : memref<1x8192xf32, #tpu.memory_space<hbm>> -> memref<8192xf32, #tpu.memory_space<hbm>>
    %dma_wait3A_981 = arith.constant 0 : i32
    %dma_wait3A_982 = tpu.memref_slice %arg9[%dma_wait3A_981] : memref<16384xf32, #tpu.memory_space<vmem>> -> memref<8192xf32, #tpu.memory_space<vmem>>
    %dma_wait3A_983 = arith.constant 0 : i32
    %dma_wait3A_984 = tpu.memref_slice %arg2[%sub3A_720, %dma_wait3A_983] : memref<3120x16384xf32, #tpu.memory_space<hbm>> -> memref<1x8192xf32, #tpu.memory_space<hbm>>
    %dma_wait3A_985 = tpu.memref_squeeze %dma_wait3A_984 : memref<1x8192xf32, #tpu.memory_space<hbm>> -> memref<8192xf32, #tpu.memory_space<hbm>>
    tpu.wait_dma2 semaphore(%arg14 : memref<!tpu.dma_semaphore, #tpu.memory_space<semaphore_mem>>) src(%dma_wait3A_985 : memref<8192xf32, #tpu.memory_space<hbm>>) dst(%dma_wait3A_982 : memref<8192xf32, #tpu.memory_space<vmem>>)
    %dma_wait3A_986 = arith.constant 8192 : i32
    %dma_wait3A_987 = tpu.memref_slice %arg9[%dma_wait3A_986] : memref<16384xf32, #tpu.memory_space<vmem>> -> memref<8192xf32, #tpu.memory_space<vmem>>
    %dma_wait3A_988 = arith.constant 8192 : i32
    %dma_wait3A_989 = tpu.memref_slice %arg2[%sub3A_720, %dma_wait3A_988] : memref<3120x16384xf32, #tpu.memory_space<hbm>> -> memref<1x8192xf32, #tpu.memory_space<hbm>>
    %dma_wait3A_990 = tpu.memref_squeeze %dma_wait3A_989 : memref<1x8192xf32, #tpu.memory_space<hbm>> -> memref<8192xf32, #tpu.memory_space<hbm>>
    %dma_wait3A_991 = arith.constant 8192 : i32
    %dma_wait3A_992 = tpu.memref_slice %arg9[%dma_wait3A_991] : memref<16384xf32, #tpu.memory_space<vmem>> -> memref<8192xf32, #tpu.memory_space<vmem>>
    %dma_wait3A_993 = arith.constant 8192 : i32
    %dma_wait3A_994 = tpu.memref_slice %arg2[%sub3A_720, %dma_wait3A_993] : memref<3120x16384xf32, #tpu.memory_space<hbm>> -> memref<1x8192xf32, #tpu.memory_space<hbm>>
    %dma_wait3A_995 = tpu.memref_squeeze %dma_wait3A_994 : memref<1x8192xf32, #tpu.memory_space<hbm>> -> memref<8192xf32, #tpu.memory_space<hbm>>
    tpu.wait_dma2 semaphore(%arg14 : memref<!tpu.dma_semaphore, #tpu.memory_space<semaphore_mem>>) src(%dma_wait3A_995 : memref<8192xf32, #tpu.memory_space<hbm>>) dst(%dma_wait3A_992 : memref<8192xf32, #tpu.memory_space<vmem>>)
    %add3A_996 = arith.addi %reduce_min3A_10, %mul3A_2 : i32
    %add3A_997 = arith.constant 10 : i32
    %add3A_998 = arith.addi %add3A_996, %add3A_997 : i32
    %add3A_999 = arith.constant 4 : i32
    %add3A_1000 = arith.addi %add3A_998, %add3A_999 : i32
    %sub3A_1001 = arith.constant 1 : i32
    %sub3A_1002 = arith.subi %add3A_1000, %sub3A_1001 : i32
    %dma_start3A_1003 = arith.constant 0 : i32
    %dma_start3A_1004 = tpu.memref_slice %arg8[%dma_start3A_1003] : memref<16384xf32, #tpu.memory_space<vmem>> -> memref<8192xf32, #tpu.memory_space<vmem>>
    %dma_start3A_1005 = arith.constant 0 : i32
    %dma_start3A_1006 = tpu.memref_slice %arg2[%sub3A_1002, %dma_start3A_1005] : memref<3120x16384xf32, #tpu.memory_space<hbm>> -> memref<1x8192xf32, #tpu.memory_space<hbm>>
    %dma_start3A_1007 = tpu.memref_squeeze %dma_start3A_1006 : memref<1x8192xf32, #tpu.memory_space<hbm>> -> memref<8192xf32, #tpu.memory_space<hbm>>
    %dma_start3A_1008 = arith.constant 0 : i32
    %dma_start3A_1009 = tpu.memref_slice %arg8[%dma_start3A_1008] : memref<16384xf32, #tpu.memory_space<vmem>> -> memref<8192xf32, #tpu.memory_space<vmem>>
    %dma_start3A_1010 = arith.constant 0 : i32
    %dma_start3A_1011 = tpu.memref_slice %arg2[%sub3A_1002, %dma_start3A_1010] : memref<3120x16384xf32, #tpu.memory_space<hbm>> -> memref<1x8192xf32, #tpu.memory_space<hbm>>
    %dma_start3A_1012 = tpu.memref_squeeze %dma_start3A_1011 : memref<1x8192xf32, #tpu.memory_space<hbm>> -> memref<8192xf32, #tpu.memory_space<hbm>>
    tpu.enqueue_dma source(%dma_start3A_1012 : memref<8192xf32, #tpu.memory_space<hbm>>) target(%dma_start3A_1009 : memref<8192xf32, #tpu.memory_space<vmem>>) target_semaphore(%arg14 : memref<!tpu.dma_semaphore, #tpu.memory_space<semaphore_mem>>)
    %dma_start3A_1013 = arith.constant 8192 : i32
    %dma_start3A_1014 = tpu.memref_slice %arg8[%dma_start3A_1013] : memref<16384xf32, #tpu.memory_space<vmem>> -> memref<8192xf32, #tpu.memory_space<vmem>>
    %dma_start3A_1015 = arith.constant 8192 : i32
    %dma_start3A_1016 = tpu.memref_slice %arg2[%sub3A_1002, %dma_start3A_1015] : memref<3120x16384xf32, #tpu.memory_space<hbm>> -> memref<1x8192xf32, #tpu.memory_space<hbm>>
    %dma_start3A_1017 = tpu.memref_squeeze %dma_start3A_1016 : memref<1x8192xf32, #tpu.memory_space<hbm>> -> memref<8192xf32, #tpu.memory_space<hbm>>
    %dma_start3A_1018 = arith.constant 8192 : i32
    %dma_start3A_1019 = tpu.memref_slice %arg8[%dma_start3A_1018] : memref<16384xf32, #tpu.memory_space<vmem>> -> memref<8192xf32, #tpu.memory_space<vmem>>
    %dma_start3A_1020 = arith.constant 8192 : i32
    %dma_start3A_1021 = tpu.memref_slice %arg2[%sub3A_1002, %dma_start3A_1020] : memref<3120x16384xf32, #tpu.memory_space<hbm>> -> memref<1x8192xf32, #tpu.memory_space<hbm>>
    %dma_start3A_1022 = tpu.memref_squeeze %dma_start3A_1021 : memref<1x8192xf32, #tpu.memory_space<hbm>> -> memref<8192xf32, #tpu.memory_space<hbm>>
    tpu.enqueue_dma source(%dma_start3A_1022 : memref<8192xf32, #tpu.memory_space<hbm>>) target(%dma_start3A_1019 : memref<8192xf32, #tpu.memory_space<vmem>>) target_semaphore(%arg14 : memref<!tpu.dma_semaphore, #tpu.memory_space<semaphore_mem>>)
    %dma_wait3A_1023 = arith.constant 0 : i32
    %dma_wait3A_1024 = tpu.memref_slice %arg11[%dma_wait3A_1023] : memref<16384xf32, #tpu.memory_space<vmem>> -> memref<8192xf32, #tpu.memory_space<vmem>>
    %dma_wait3A_1025 = arith.constant 0 : i32
    %dma_wait3A_1026 = tpu.memref_slice %arg5[%add3A_859, %dma_wait3A_1025] : memref<480x16384xf32, #tpu.memory_space<hbm>> -> memref<1x8192xf32, #tpu.memory_space<hbm>>
    %dma_wait3A_1027 = tpu.memref_squeeze %dma_wait3A_1026 : memref<1x8192xf32, #tpu.memory_space<hbm>> -> memref<8192xf32, #tpu.memory_space<hbm>>
    %dma_wait3A_1028 = arith.constant 0 : i32
    %dma_wait3A_1029 = tpu.memref_slice %arg5[%add3A_859, %dma_wait3A_1028] : memref<480x16384xf32, #tpu.memory_space<hbm>> -> memref<1x8192xf32, #tpu.memory_space<hbm>>
    %dma_wait3A_1030 = tpu.memref_squeeze %dma_wait3A_1029 : memref<1x8192xf32, #tpu.memory_space<hbm>> -> memref<8192xf32, #tpu.memory_space<hbm>>
    %dma_wait3A_1031 = arith.constant 0 : i32
    %dma_wait3A_1032 = tpu.memref_slice %arg11[%dma_wait3A_1031] : memref<16384xf32, #tpu.memory_space<vmem>> -> memref<8192xf32, #tpu.memory_space<vmem>>
    tpu.wait_dma2 semaphore(%arg15 : memref<!tpu.dma_semaphore, #tpu.memory_space<semaphore_mem>>) src(%dma_wait3A_1032 : memref<8192xf32, #tpu.memory_space<vmem>>) dst(%dma_wait3A_1030 : memref<8192xf32, #tpu.memory_space<hbm>>)
    %dma_wait3A_1033 = arith.constant 8192 : i32
    %dma_wait3A_1034 = tpu.memref_slice %arg11[%dma_wait3A_1033] : memref<16384xf32, #tpu.memory_space<vmem>> -> memref<8192xf32, #tpu.memory_space<vmem>>
    %dma_wait3A_1035 = arith.constant 8192 : i32
    %dma_wait3A_1036 = tpu.memref_slice %arg5[%add3A_871, %dma_wait3A_1035] : memref<480x16384xf32, #tpu.memory_space<hbm>> -> memref<1x8192xf32, #tpu.memory_space<hbm>>
    %dma_wait3A_1037 = tpu.memref_squeeze %dma_wait3A_1036 : memref<1x8192xf32, #tpu.memory_space<hbm>> -> memref<8192xf32, #tpu.memory_space<hbm>>
    %dma_wait3A_1038 = arith.constant 8192 : i32
    %dma_wait3A_1039 = tpu.memref_slice %arg5[%add3A_871, %dma_wait3A_1038] : memref<480x16384xf32, #tpu.memory_space<hbm>> -> memref<1x8192xf32, #tpu.memory_space<hbm>>
    %dma_wait3A_1040 = tpu.memref_squeeze %dma_wait3A_1039 : memref<1x8192xf32, #tpu.memory_space<hbm>> -> memref<8192xf32, #tpu.memory_space<hbm>>
    %dma_wait3A_1041 = arith.constant 8192 : i32
    %dma_wait3A_1042 = tpu.memref_slice %arg11[%dma_wait3A_1041] : memref<16384xf32, #tpu.memory_space<vmem>> -> memref<8192xf32, #tpu.memory_space<vmem>>
    tpu.wait_dma2 semaphore(%arg15 : memref<!tpu.dma_semaphore, #tpu.memory_space<semaphore_mem>>) src(%dma_wait3A_1042 : memref<8192xf32, #tpu.memory_space<vmem>>) dst(%dma_wait3A_1040 : memref<8192xf32, #tpu.memory_space<hbm>>)
    %parallel_loop3A_1043 = arith.constant 0 : i32
    %parallel_loop3A_1044 = arith.constant 1024 : i32
    %parallel_loop3A_1045 = arith.constant 1 : i32
    scf.for %parallel_loop3A_1405 = %parallel_loop3A_1043 to %parallel_loop3A_1044 step %parallel_loop3A_1045  : i32 {
      %parallel_loop3A_1406 = arith.constant 16 : i32
      %parallel_loop3A_1407 = arith.muli %parallel_loop3A_1405, %parallel_loop3A_1406 : i32
      %parallel_loop3A_1408 = arith.index_cast %parallel_loop3A_1407 : i32 to index
      %parallel_loop3A_1409 = tpu.vector_load %arg6[%parallel_loop3A_1408] {strides = array<i32>} : memref<16384xi32, #tpu.memory_space<vmem>>, vector<16xi32>,
      %parallel_loop3A_1410 = tpu.vector_load_idx %arg9[%parallel_loop3A_1409] : memref<16384xf32, #tpu.memory_space<vmem>>[vector<16xi32>], vector<16xf32>,
      %parallel_loop3A_1411 = arith.constant 16 : i32
      %parallel_loop3A_1412 = arith.muli %parallel_loop3A_1405, %parallel_loop3A_1411 : i32
      %parallel_loop3A_1413 = arith.index_cast %parallel_loop3A_1412 : i32 to index
      %parallel_loop3A_1414 = tpu.vector_load %arg11[%parallel_loop3A_1413] {strides = array<i32>} : memref<16384xf32, #tpu.memory_space<vmem>>, vector<16xf32>,
      tpu.vector_store %arg11[%parallel_loop3A_1413], %parallel_loop3A_1410 {strides = array<i32>} : memref<16384xf32, #tpu.memory_space<vmem>>, vector<16xf32>,
    } {sc.loop_unroll_factor = 8 : i64, sc.parallel_access}
    %add3A_1046 = arith.constant 10 : i32
    %add3A_1047 = arith.addi %mul3A_2, %add3A_1046 : i32
    %dma_start3A_1048 = arith.constant 0 : i32
    %dma_start3A_1049 = tpu.memref_slice %arg11[%dma_start3A_1048] : memref<16384xf32, #tpu.memory_space<vmem>> -> memref<8192xf32, #tpu.memory_space<vmem>>
    %dma_start3A_1050 = arith.constant 0 : i32
    %dma_start3A_1051 = tpu.memref_slice %arg5[%add3A_1047, %dma_start3A_1050] : memref<480x16384xf32, #tpu.memory_space<hbm>> -> memref<1x8192xf32, #tpu.memory_space<hbm>>
    %dma_start3A_1052 = tpu.memref_squeeze %dma_start3A_1051 : memref<1x8192xf32, #tpu.memory_space<hbm>> -> memref<8192xf32, #tpu.memory_space<hbm>>
    %dma_start3A_1053 = arith.constant 0 : i32
    %dma_start3A_1054 = tpu.memref_slice %arg5[%add3A_1047, %dma_start3A_1053] : memref<480x16384xf32, #tpu.memory_space<hbm>> -> memref<1x8192xf32, #tpu.memory_space<hbm>>
    %dma_start3A_1055 = tpu.memref_squeeze %dma_start3A_1054 : memref<1x8192xf32, #tpu.memory_space<hbm>> -> memref<8192xf32, #tpu.memory_space<hbm>>
    %dma_start3A_1056 = arith.constant 0 : i32
    %dma_start3A_1057 = tpu.memref_slice %arg11[%dma_start3A_1056] : memref<16384xf32, #tpu.memory_space<vmem>> -> memref<8192xf32, #tpu.memory_space<vmem>>
    tpu.enqueue_dma source(%dma_start3A_1057 : memref<8192xf32, #tpu.memory_space<vmem>>) target(%dma_start3A_1055 : memref<8192xf32, #tpu.memory_space<hbm>>) target_semaphore(%arg15 : memref<!tpu.dma_semaphore, #tpu.memory_space<semaphore_mem>>)
    %add3A_1058 = arith.constant 10 : i32
    %add3A_1059 = arith.addi %mul3A_2, %add3A_1058 : i32
    %dma_start3A_1060 = arith.constant 8192 : i32
    %dma_start3A_1061 = tpu.memref_slice %arg11[%dma_start3A_1060] : memref<16384xf32, #tpu.memory_space<vmem>> -> memref<8192xf32, #tpu.memory_space<vmem>>
    %dma_start3A_1062 = arith.constant 8192 : i32
    %dma_start3A_1063 = tpu.memref_slice %arg5[%add3A_1059, %dma_start3A_1062] : memref<480x16384xf32, #tpu.memory_space<hbm>> -> memref<1x8192xf32, #tpu.memory_space<hbm>>
    %dma_start3A_1064 = tpu.memref_squeeze %dma_start3A_1063 : memref<1x8192xf32, #tpu.memory_space<hbm>> -> memref<8192xf32, #tpu.memory_space<hbm>>
    %dma_start3A_1065 = arith.constant 8192 : i32
    %dma_start3A_1066 = tpu.memref_slice %arg5[%add3A_1059, %dma_start3A_1065] : memref<480x16384xf32, #tpu.memory_space<hbm>> -> memref<1x8192xf32, #tpu.memory_space<hbm>>
    %dma_start3A_1067 = tpu.memref_squeeze %dma_start3A_1066 : memref<1x8192xf32, #tpu.memory_space<hbm>> -> memref<8192xf32, #tpu.memory_space<hbm>>
    %dma_start3A_1068 = arith.constant 8192 : i32
    %dma_start3A_1069 = tpu.memref_slice %arg11[%dma_start3A_1068] : memref<16384xf32, #tpu.memory_space<vmem>> -> memref<8192xf32, #tpu.memory_space<vmem>>
    tpu.enqueue_dma source(%dma_start3A_1069 : memref<8192xf32, #tpu.memory_space<vmem>>) target(%dma_start3A_1067 : memref<8192xf32, #tpu.memory_space<hbm>>) target_semaphore(%arg15 : memref<!tpu.dma_semaphore, #tpu.memory_space<semaphore_mem>>)
    %dma_wait3A_1070 = arith.constant 0 : i32
    %dma_wait3A_1071 = tpu.memref_slice %arg10[%dma_wait3A_1070] : memref<16384xf32, #tpu.memory_space<vmem>> -> memref<8192xf32, #tpu.memory_space<vmem>>
    %dma_wait3A_1072 = arith.constant 0 : i32
    %dma_wait3A_1073 = tpu.memref_slice %arg2[%sub3A_814, %dma_wait3A_1072] : memref<3120x16384xf32, #tpu.memory_space<hbm>> -> memref<1x8192xf32, #tpu.memory_space<hbm>>
    %dma_wait3A_1074 = tpu.memref_squeeze %dma_wait3A_1073 : memref<1x8192xf32, #tpu.memory_space<hbm>> -> memref<8192xf32, #tpu.memory_space<hbm>>
    %dma_wait3A_1075 = arith.constant 0 : i32
    %dma_wait3A_1076 = tpu.memref_slice %arg10[%dma_wait3A_1075] : memref<16384xf32, #tpu.memory_space<vmem>> -> memref<8192xf32, #tpu.memory_space<vmem>>
    %dma_wait3A_1077 = arith.constant 0 : i32
    %dma_wait3A_1078 = tpu.memref_slice %arg2[%sub3A_814, %dma_wait3A_1077] : memref<3120x16384xf32, #tpu.memory_space<hbm>> -> memref<1x8192xf32, #tpu.memory_space<hbm>>
    %dma_wait3A_1079 = tpu.memref_squeeze %dma_wait3A_1078 : memref<1x8192xf32, #tpu.memory_space<hbm>> -> memref<8192xf32, #tpu.memory_space<hbm>>
    tpu.wait_dma2 semaphore(%arg14 : memref<!tpu.dma_semaphore, #tpu.memory_space<semaphore_mem>>) src(%dma_wait3A_1079 : memref<8192xf32, #tpu.memory_space<hbm>>) dst(%dma_wait3A_1076 : memref<8192xf32, #tpu.memory_space<vmem>>)
    %dma_wait3A_1080 = arith.constant 8192 : i32
    %dma_wait3A_1081 = tpu.memref_slice %arg10[%dma_wait3A_1080] : memref<16384xf32, #tpu.memory_space<vmem>> -> memref<8192xf32, #tpu.memory_space<vmem>>
    %dma_wait3A_1082 = arith.constant 8192 : i32
    %dma_wait3A_1083 = tpu.memref_slice %arg2[%sub3A_814, %dma_wait3A_1082] : memref<3120x16384xf32, #tpu.memory_space<hbm>> -> memref<1x8192xf32, #tpu.memory_space<hbm>>
    %dma_wait3A_1084 = tpu.memref_squeeze %dma_wait3A_1083 : memref<1x8192xf32, #tpu.memory_space<hbm>> -> memref<8192xf32, #tpu.memory_space<hbm>>
    %dma_wait3A_1085 = arith.constant 8192 : i32
    %dma_wait3A_1086 = tpu.memref_slice %arg10[%dma_wait3A_1085] : memref<16384xf32, #tpu.memory_space<vmem>> -> memref<8192xf32, #tpu.memory_space<vmem>>
    %dma_wait3A_1087 = arith.constant 8192 : i32
    %dma_wait3A_1088 = tpu.memref_slice %arg2[%sub3A_814, %dma_wait3A_1087] : memref<3120x16384xf32, #tpu.memory_space<hbm>> -> memref<1x8192xf32, #tpu.memory_space<hbm>>
    %dma_wait3A_1089 = tpu.memref_squeeze %dma_wait3A_1088 : memref<1x8192xf32, #tpu.memory_space<hbm>> -> memref<8192xf32, #tpu.memory_space<hbm>>
    tpu.wait_dma2 semaphore(%arg14 : memref<!tpu.dma_semaphore, #tpu.memory_space<semaphore_mem>>) src(%dma_wait3A_1089 : memref<8192xf32, #tpu.memory_space<hbm>>) dst(%dma_wait3A_1086 : memref<8192xf32, #tpu.memory_space<vmem>>)
    %add3A_1090 = arith.addi %reduce_min3A_10, %mul3A_2 : i32
    %add3A_1091 = arith.constant 11 : i32
    %add3A_1092 = arith.addi %add3A_1090, %add3A_1091 : i32
    %add3A_1093 = arith.constant 4 : i32
    %add3A_1094 = arith.addi %add3A_1092, %add3A_1093 : i32
    %sub3A_1095 = arith.constant 1 : i32
    %sub3A_1096 = arith.subi %add3A_1094, %sub3A_1095 : i32
    %dma_start3A_1097 = arith.constant 0 : i32
    %dma_start3A_1098 = tpu.memref_slice %arg9[%dma_start3A_1097] : memref<16384xf32, #tpu.memory_space<vmem>> -> memref<8192xf32, #tpu.memory_space<vmem>>
    %dma_start3A_1099 = arith.constant 0 : i32
    %dma_start3A_1100 = tpu.memref_slice %arg2[%sub3A_1096, %dma_start3A_1099] : memref<3120x16384xf32, #tpu.memory_space<hbm>> -> memref<1x8192xf32, #tpu.memory_space<hbm>>
    %dma_start3A_1101 = tpu.memref_squeeze %dma_start3A_1100 : memref<1x8192xf32, #tpu.memory_space<hbm>> -> memref<8192xf32, #tpu.memory_space<hbm>>
    %dma_start3A_1102 = arith.constant 0 : i32
    %dma_start3A_1103 = tpu.memref_slice %arg9[%dma_start3A_1102] : memref<16384xf32, #tpu.memory_space<vmem>> -> memref<8192xf32, #tpu.memory_space<vmem>>
    %dma_start3A_1104 = arith.constant 0 : i32
    %dma_start3A_1105 = tpu.memref_slice %arg2[%sub3A_1096, %dma_start3A_1104] : memref<3120x16384xf32, #tpu.memory_space<hbm>> -> memref<1x8192xf32, #tpu.memory_space<hbm>>
    %dma_start3A_1106 = tpu.memref_squeeze %dma_start3A_1105 : memref<1x8192xf32, #tpu.memory_space<hbm>> -> memref<8192xf32, #tpu.memory_space<hbm>>
    tpu.enqueue_dma source(%dma_start3A_1106 : memref<8192xf32, #tpu.memory_space<hbm>>) target(%dma_start3A_1103 : memref<8192xf32, #tpu.memory_space<vmem>>) target_semaphore(%arg14 : memref<!tpu.dma_semaphore, #tpu.memory_space<semaphore_mem>>)
    %dma_start3A_1107 = arith.constant 8192 : i32
    %dma_start3A_1108 = tpu.memref_slice %arg9[%dma_start3A_1107] : memref<16384xf32, #tpu.memory_space<vmem>> -> memref<8192xf32, #tpu.memory_space<vmem>>
    %dma_start3A_1109 = arith.constant 8192 : i32
    %dma_start3A_1110 = tpu.memref_slice %arg2[%sub3A_1096, %dma_start3A_1109] : memref<3120x16384xf32, #tpu.memory_space<hbm>> -> memref<1x8192xf32, #tpu.memory_space<hbm>>
    %dma_start3A_1111 = tpu.memref_squeeze %dma_start3A_1110 : memref<1x8192xf32, #tpu.memory_space<hbm>> -> memref<8192xf32, #tpu.memory_space<hbm>>
    %dma_start3A_1112 = arith.constant 8192 : i32
    %dma_start3A_1113 = tpu.memref_slice %arg9[%dma_start3A_1112] : memref<16384xf32, #tpu.memory_space<vmem>> -> memref<8192xf32, #tpu.memory_space<vmem>>
    %dma_start3A_1114 = arith.constant 8192 : i32
    %dma_start3A_1115 = tpu.memref_slice %arg2[%sub3A_1096, %dma_start3A_1114] : memref<3120x16384xf32, #tpu.memory_space<hbm>> -> memref<1x8192xf32, #tpu.memory_space<hbm>>
    %dma_start3A_1116 = tpu.memref_squeeze %dma_start3A_1115 : memref<1x8192xf32, #tpu.memory_space<hbm>> -> memref<8192xf32, #tpu.memory_space<hbm>>
    tpu.enqueue_dma source(%dma_start3A_1116 : memref<8192xf32, #tpu.memory_space<hbm>>) target(%dma_start3A_1113 : memref<8192xf32, #tpu.memory_space<vmem>>) target_semaphore(%arg14 : memref<!tpu.dma_semaphore, #tpu.memory_space<semaphore_mem>>)
    %dma_wait3A_1117 = arith.constant 0 : i32
    %dma_wait3A_1118 = tpu.memref_slice %arg12[%dma_wait3A_1117] : memref<16384xf32, #tpu.memory_space<vmem>> -> memref<8192xf32, #tpu.memory_space<vmem>>
    %dma_wait3A_1119 = arith.constant 0 : i32
    %dma_wait3A_1120 = tpu.memref_slice %arg5[%add3A_953, %dma_wait3A_1119] : memref<480x16384xf32, #tpu.memory_space<hbm>> -> memref<1x8192xf32, #tpu.memory_space<hbm>>
    %dma_wait3A_1121 = tpu.memref_squeeze %dma_wait3A_1120 : memref<1x8192xf32, #tpu.memory_space<hbm>> -> memref<8192xf32, #tpu.memory_space<hbm>>
    %dma_wait3A_1122 = arith.constant 0 : i32
    %dma_wait3A_1123 = tpu.memref_slice %arg5[%add3A_953, %dma_wait3A_1122] : memref<480x16384xf32, #tpu.memory_space<hbm>> -> memref<1x8192xf32, #tpu.memory_space<hbm>>
    %dma_wait3A_1124 = tpu.memref_squeeze %dma_wait3A_1123 : memref<1x8192xf32, #tpu.memory_space<hbm>> -> memref<8192xf32, #tpu.memory_space<hbm>>
    %dma_wait3A_1125 = arith.constant 0 : i32
    %dma_wait3A_1126 = tpu.memref_slice %arg12[%dma_wait3A_1125] : memref<16384xf32, #tpu.memory_space<vmem>> -> memref<8192xf32, #tpu.memory_space<vmem>>
    tpu.wait_dma2 semaphore(%arg15 : memref<!tpu.dma_semaphore, #tpu.memory_space<semaphore_mem>>) src(%dma_wait3A_1126 : memref<8192xf32, #tpu.memory_space<vmem>>) dst(%dma_wait3A_1124 : memref<8192xf32, #tpu.memory_space<hbm>>)
    %dma_wait3A_1127 = arith.constant 8192 : i32
    %dma_wait3A_1128 = tpu.memref_slice %arg12[%dma_wait3A_1127] : memref<16384xf32, #tpu.memory_space<vmem>> -> memref<8192xf32, #tpu.memory_space<vmem>>
    %dma_wait3A_1129 = arith.constant 8192 : i32
    %dma_wait3A_1130 = tpu.memref_slice %arg5[%add3A_965, %dma_wait3A_1129] : memref<480x16384xf32, #tpu.memory_space<hbm>> -> memref<1x8192xf32, #tpu.memory_space<hbm>>
    %dma_wait3A_1131 = tpu.memref_squeeze %dma_wait3A_1130 : memref<1x8192xf32, #tpu.memory_space<hbm>> -> memref<8192xf32, #tpu.memory_space<hbm>>
    %dma_wait3A_1132 = arith.constant 8192 : i32
    %dma_wait3A_1133 = tpu.memref_slice %arg5[%add3A_965, %dma_wait3A_1132] : memref<480x16384xf32, #tpu.memory_space<hbm>> -> memref<1x8192xf32, #tpu.memory_space<hbm>>
    %dma_wait3A_1134 = tpu.memref_squeeze %dma_wait3A_1133 : memref<1x8192xf32, #tpu.memory_space<hbm>> -> memref<8192xf32, #tpu.memory_space<hbm>>
    %dma_wait3A_1135 = arith.constant 8192 : i32
    %dma_wait3A_1136 = tpu.memref_slice %arg12[%dma_wait3A_1135] : memref<16384xf32, #tpu.memory_space<vmem>> -> memref<8192xf32, #tpu.memory_space<vmem>>
    tpu.wait_dma2 semaphore(%arg15 : memref<!tpu.dma_semaphore, #tpu.memory_space<semaphore_mem>>) src(%dma_wait3A_1136 : memref<8192xf32, #tpu.memory_space<vmem>>) dst(%dma_wait3A_1134 : memref<8192xf32, #tpu.memory_space<hbm>>)
    %parallel_loop3A_1137 = arith.constant 0 : i32
    %parallel_loop3A_1138 = arith.constant 1024 : i32
    %parallel_loop3A_1139 = arith.constant 1 : i32
    scf.for %parallel_loop3A_1405 = %parallel_loop3A_1137 to %parallel_loop3A_1138 step %parallel_loop3A_1139  : i32 {
      %parallel_loop3A_1406 = arith.constant 16 : i32
      %parallel_loop3A_1407 = arith.muli %parallel_loop3A_1405, %parallel_loop3A_1406 : i32
      %parallel_loop3A_1408 = arith.index_cast %parallel_loop3A_1407 : i32 to index
      %parallel_loop3A_1409 = tpu.vector_load %arg6[%parallel_loop3A_1408] {strides = array<i32>} : memref<16384xi32, #tpu.memory_space<vmem>>, vector<16xi32>,
      %parallel_loop3A_1410 = tpu.vector_load_idx %arg10[%parallel_loop3A_1409] : memref<16384xf32, #tpu.memory_space<vmem>>[vector<16xi32>], vector<16xf32>,
      %parallel_loop3A_1411 = arith.constant 16 : i32
      %parallel_loop3A_1412 = arith.muli %parallel_loop3A_1405, %parallel_loop3A_1411 : i32
      %parallel_loop3A_1413 = arith.index_cast %parallel_loop3A_1412 : i32 to index
      %parallel_loop3A_1414 = tpu.vector_load %arg12[%parallel_loop3A_1413] {strides = array<i32>} : memref<16384xf32, #tpu.memory_space<vmem>>, vector<16xf32>,
      tpu.vector_store %arg12[%parallel_loop3A_1413], %parallel_loop3A_1410 {strides = array<i32>} : memref<16384xf32, #tpu.memory_space<vmem>>, vector<16xf32>,
    } {sc.loop_unroll_factor = 8 : i64, sc.parallel_access}
    %add3A_1140 = arith.constant 11 : i32
    %add3A_1141 = arith.addi %mul3A_2, %add3A_1140 : i32
    %dma_start3A_1142 = arith.constant 0 : i32
    %dma_start3A_1143 = tpu.memref_slice %arg12[%dma_start3A_1142] : memref<16384xf32, #tpu.memory_space<vmem>> -> memref<8192xf32, #tpu.memory_space<vmem>>
    %dma_start3A_1144 = arith.constant 0 : i32
    %dma_start3A_1145 = tpu.memref_slice %arg5[%add3A_1141, %dma_start3A_1144] : memref<480x16384xf32, #tpu.memory_space<hbm>> -> memref<1x8192xf32, #tpu.memory_space<hbm>>
    %dma_start3A_1146 = tpu.memref_squeeze %dma_start3A_1145 : memref<1x8192xf32, #tpu.memory_space<hbm>> -> memref<8192xf32, #tpu.memory_space<hbm>>
    %dma_start3A_1147 = arith.constant 0 : i32
    %dma_start3A_1148 = tpu.memref_slice %arg5[%add3A_1141, %dma_start3A_1147] : memref<480x16384xf32, #tpu.memory_space<hbm>> -> memref<1x8192xf32, #tpu.memory_space<hbm>>
    %dma_start3A_1149 = tpu.memref_squeeze %dma_start3A_1148 : memref<1x8192xf32, #tpu.memory_space<hbm>> -> memref<8192xf32, #tpu.memory_space<hbm>>
    %dma_start3A_1150 = arith.constant 0 : i32
    %dma_start3A_1151 = tpu.memref_slice %arg12[%dma_start3A_1150] : memref<16384xf32, #tpu.memory_space<vmem>> -> memref<8192xf32, #tpu.memory_space<vmem>>
    tpu.enqueue_dma source(%dma_start3A_1151 : memref<8192xf32, #tpu.memory_space<vmem>>) target(%dma_start3A_1149 : memref<8192xf32, #tpu.memory_space<hbm>>) target_semaphore(%arg15 : memref<!tpu.dma_semaphore, #tpu.memory_space<semaphore_mem>>)
    %add3A_1152 = arith.constant 11 : i32
    %add3A_1153 = arith.addi %mul3A_2, %add3A_1152 : i32
    %dma_start3A_1154 = arith.constant 8192 : i32
    %dma_start3A_1155 = tpu.memref_slice %arg12[%dma_start3A_1154] : memref<16384xf32, #tpu.memory_space<vmem>> -> memref<8192xf32, #tpu.memory_space<vmem>>
    %dma_start3A_1156 = arith.constant 8192 : i32
    %dma_start3A_1157 = tpu.memref_slice %arg5[%add3A_1153, %dma_start3A_1156] : memref<480x16384xf32, #tpu.memory_space<hbm>> -> memref<1x8192xf32, #tpu.memory_space<hbm>>
    %dma_start3A_1158 = tpu.memref_squeeze %dma_start3A_1157 : memref<1x8192xf32, #tpu.memory_space<hbm>> -> memref<8192xf32, #tpu.memory_space<hbm>>
    %dma_start3A_1159 = arith.constant 8192 : i32
    %dma_start3A_1160 = tpu.memref_slice %arg5[%add3A_1153, %dma_start3A_1159] : memref<480x16384xf32, #tpu.memory_space<hbm>> -> memref<1x8192xf32, #tpu.memory_space<hbm>>
    %dma_start3A_1161 = tpu.memref_squeeze %dma_start3A_1160 : memref<1x8192xf32, #tpu.memory_space<hbm>> -> memref<8192xf32, #tpu.memory_space<hbm>>
    %dma_start3A_1162 = arith.constant 8192 : i32
    %dma_start3A_1163 = tpu.memref_slice %arg12[%dma_start3A_1162] : memref<16384xf32, #tpu.memory_space<vmem>> -> memref<8192xf32, #tpu.memory_space<vmem>>
    tpu.enqueue_dma source(%dma_start3A_1163 : memref<8192xf32, #tpu.memory_space<vmem>>) target(%dma_start3A_1161 : memref<8192xf32, #tpu.memory_space<hbm>>) target_semaphore(%arg15 : memref<!tpu.dma_semaphore, #tpu.memory_space<semaphore_mem>>)
    %dma_wait3A_1164 = arith.constant 0 : i32
    %dma_wait3A_1165 = tpu.memref_slice %arg7[%dma_wait3A_1164] : memref<16384xf32, #tpu.memory_space<vmem>> -> memref<8192xf32, #tpu.memory_space<vmem>>
    %dma_wait3A_1166 = arith.constant 0 : i32
    %dma_wait3A_1167 = tpu.memref_slice %arg2[%sub3A_908, %dma_wait3A_1166] : memref<3120x16384xf32, #tpu.memory_space<hbm>> -> memref<1x8192xf32, #tpu.memory_space<hbm>>
    %dma_wait3A_1168 = tpu.memref_squeeze %dma_wait3A_1167 : memref<1x8192xf32, #tpu.memory_space<hbm>> -> memref<8192xf32, #tpu.memory_space<hbm>>
    %dma_wait3A_1169 = arith.constant 0 : i32
    %dma_wait3A_1170 = tpu.memref_slice %arg7[%dma_wait3A_1169] : memref<16384xf32, #tpu.memory_space<vmem>> -> memref<8192xf32, #tpu.memory_space<vmem>>
    %dma_wait3A_1171 = arith.constant 0 : i32
    %dma_wait3A_1172 = tpu.memref_slice %arg2[%sub3A_908, %dma_wait3A_1171] : memref<3120x16384xf32, #tpu.memory_space<hbm>> -> memref<1x8192xf32, #tpu.memory_space<hbm>>
    %dma_wait3A_1173 = tpu.memref_squeeze %dma_wait3A_1172 : memref<1x8192xf32, #tpu.memory_space<hbm>> -> memref<8192xf32, #tpu.memory_space<hbm>>
    tpu.wait_dma2 semaphore(%arg14 : memref<!tpu.dma_semaphore, #tpu.memory_space<semaphore_mem>>) src(%dma_wait3A_1173 : memref<8192xf32, #tpu.memory_space<hbm>>) dst(%dma_wait3A_1170 : memref<8192xf32, #tpu.memory_space<vmem>>)
    %dma_wait3A_1174 = arith.constant 8192 : i32
    %dma_wait3A_1175 = tpu.memref_slice %arg7[%dma_wait3A_1174] : memref<16384xf32, #tpu.memory_space<vmem>> -> memref<8192xf32, #tpu.memory_space<vmem>>
    %dma_wait3A_1176 = arith.constant 8192 : i32
    %dma_wait3A_1177 = tpu.memref_slice %arg2[%sub3A_908, %dma_wait3A_1176] : memref<3120x16384xf32, #tpu.memory_space<hbm>> -> memref<1x8192xf32, #tpu.memory_space<hbm>>
    %dma_wait3A_1178 = tpu.memref_squeeze %dma_wait3A_1177 : memref<1x8192xf32, #tpu.memory_space<hbm>> -> memref<8192xf32, #tpu.memory_space<hbm>>
    %dma_wait3A_1179 = arith.constant 8192 : i32
    %dma_wait3A_1180 = tpu.memref_slice %arg7[%dma_wait3A_1179] : memref<16384xf32, #tpu.memory_space<vmem>> -> memref<8192xf32, #tpu.memory_space<vmem>>
    %dma_wait3A_1181 = arith.constant 8192 : i32
    %dma_wait3A_1182 = tpu.memref_slice %arg2[%sub3A_908, %dma_wait3A_1181] : memref<3120x16384xf32, #tpu.memory_space<hbm>> -> memref<1x8192xf32, #tpu.memory_space<hbm>>
    %dma_wait3A_1183 = tpu.memref_squeeze %dma_wait3A_1182 : memref<1x8192xf32, #tpu.memory_space<hbm>> -> memref<8192xf32, #tpu.memory_space<hbm>>
    tpu.wait_dma2 semaphore(%arg14 : memref<!tpu.dma_semaphore, #tpu.memory_space<semaphore_mem>>) src(%dma_wait3A_1183 : memref<8192xf32, #tpu.memory_space<hbm>>) dst(%dma_wait3A_1180 : memref<8192xf32, #tpu.memory_space<vmem>>)
    %dma_wait3A_1184 = arith.constant 0 : i32
    %dma_wait3A_1185 = tpu.memref_slice %arg11[%dma_wait3A_1184] : memref<16384xf32, #tpu.memory_space<vmem>> -> memref<8192xf32, #tpu.memory_space<vmem>>
    %dma_wait3A_1186 = arith.constant 0 : i32
    %dma_wait3A_1187 = tpu.memref_slice %arg5[%add3A_1047, %dma_wait3A_1186] : memref<480x16384xf32, #tpu.memory_space<hbm>> -> memref<1x8192xf32, #tpu.memory_space<hbm>>
    %dma_wait3A_1188 = tpu.memref_squeeze %dma_wait3A_1187 : memref<1x8192xf32, #tpu.memory_space<hbm>> -> memref<8192xf32, #tpu.memory_space<hbm>>
    %dma_wait3A_1189 = arith.constant 0 : i32
    %dma_wait3A_1190 = tpu.memref_slice %arg5[%add3A_1047, %dma_wait3A_1189] : memref<480x16384xf32, #tpu.memory_space<hbm>> -> memref<1x8192xf32, #tpu.memory_space<hbm>>
    %dma_wait3A_1191 = tpu.memref_squeeze %dma_wait3A_1190 : memref<1x8192xf32, #tpu.memory_space<hbm>> -> memref<8192xf32, #tpu.memory_space<hbm>>
    %dma_wait3A_1192 = arith.constant 0 : i32
    %dma_wait3A_1193 = tpu.memref_slice %arg11[%dma_wait3A_1192] : memref<16384xf32, #tpu.memory_space<vmem>> -> memref<8192xf32, #tpu.memory_space<vmem>>
    tpu.wait_dma2 semaphore(%arg15 : memref<!tpu.dma_semaphore, #tpu.memory_space<semaphore_mem>>) src(%dma_wait3A_1193 : memref<8192xf32, #tpu.memory_space<vmem>>) dst(%dma_wait3A_1191 : memref<8192xf32, #tpu.memory_space<hbm>>)
    %dma_wait3A_1194 = arith.constant 8192 : i32
    %dma_wait3A_1195 = tpu.memref_slice %arg11[%dma_wait3A_1194] : memref<16384xf32, #tpu.memory_space<vmem>> -> memref<8192xf32, #tpu.memory_space<vmem>>
    %dma_wait3A_1196 = arith.constant 8192 : i32
    %dma_wait3A_1197 = tpu.memref_slice %arg5[%add3A_1059, %dma_wait3A_1196] : memref<480x16384xf32, #tpu.memory_space<hbm>> -> memref<1x8192xf32, #tpu.memory_space<hbm>>
    %dma_wait3A_1198 = tpu.memref_squeeze %dma_wait3A_1197 : memref<1x8192xf32, #tpu.memory_space<hbm>> -> memref<8192xf32, #tpu.memory_space<hbm>>
    %dma_wait3A_1199 = arith.constant 8192 : i32
    %dma_wait3A_1200 = tpu.memref_slice %arg5[%add3A_1059, %dma_wait3A_1199] : memref<480x16384xf32, #tpu.memory_space<hbm>> -> memref<1x8192xf32, #tpu.memory_space<hbm>>
    %dma_wait3A_1201 = tpu.memref_squeeze %dma_wait3A_1200 : memref<1x8192xf32, #tpu.memory_space<hbm>> -> memref<8192xf32, #tpu.memory_space<hbm>>
    %dma_wait3A_1202 = arith.constant 8192 : i32
    %dma_wait3A_1203 = tpu.memref_slice %arg11[%dma_wait3A_1202] : memref<16384xf32, #tpu.memory_space<vmem>> -> memref<8192xf32, #tpu.memory_space<vmem>>
    tpu.wait_dma2 semaphore(%arg15 : memref<!tpu.dma_semaphore, #tpu.memory_space<semaphore_mem>>) src(%dma_wait3A_1203 : memref<8192xf32, #tpu.memory_space<vmem>>) dst(%dma_wait3A_1201 : memref<8192xf32, #tpu.memory_space<hbm>>)
    %parallel_loop3A_1204 = arith.constant 0 : i32
    %parallel_loop3A_1205 = arith.constant 1024 : i32
    %parallel_loop3A_1206 = arith.constant 1 : i32
    scf.for %parallel_loop3A_1405 = %parallel_loop3A_1204 to %parallel_loop3A_1205 step %parallel_loop3A_1206  : i32 {
      %parallel_loop3A_1406 = arith.constant 16 : i32
      %parallel_loop3A_1407 = arith.muli %parallel_loop3A_1405, %parallel_loop3A_1406 : i32
      %parallel_loop3A_1408 = arith.index_cast %parallel_loop3A_1407 : i32 to index
      %parallel_loop3A_1409 = tpu.vector_load %arg6[%parallel_loop3A_1408] {strides = array<i32>} : memref<16384xi32, #tpu.memory_space<vmem>>, vector<16xi32>,
      %parallel_loop3A_1410 = tpu.vector_load_idx %arg7[%parallel_loop3A_1409] : memref<16384xf32, #tpu.memory_space<vmem>>[vector<16xi32>], vector<16xf32>,
      %parallel_loop3A_1411 = arith.constant 16 : i32
      %parallel_loop3A_1412 = arith.muli %parallel_loop3A_1405, %parallel_loop3A_1411 : i32
      %parallel_loop3A_1413 = arith.index_cast %parallel_loop3A_1412 : i32 to index
      %parallel_loop3A_1414 = tpu.vector_load %arg11[%parallel_loop3A_1413] {strides = array<i32>} : memref<16384xf32, #tpu.memory_space<vmem>>, vector<16xf32>,
      tpu.vector_store %arg11[%parallel_loop3A_1413], %parallel_loop3A_1410 {strides = array<i32>} : memref<16384xf32, #tpu.memory_space<vmem>>, vector<16xf32>,
    } {sc.loop_unroll_factor = 8 : i64, sc.parallel_access}
    %add3A_1207 = arith.constant 12 : i32
    %add3A_1208 = arith.addi %mul3A_2, %add3A_1207 : i32
    %dma_start3A_1209 = arith.constant 0 : i32
    %dma_start3A_1210 = tpu.memref_slice %arg11[%dma_start3A_1209] : memref<16384xf32, #tpu.memory_space<vmem>> -> memref<8192xf32, #tpu.memory_space<vmem>>
    %dma_start3A_1211 = arith.constant 0 : i32
    %dma_start3A_1212 = tpu.memref_slice %arg5[%add3A_1208, %dma_start3A_1211] : memref<480x16384xf32, #tpu.memory_space<hbm>> -> memref<1x8192xf32, #tpu.memory_space<hbm>>
    %dma_start3A_1213 = tpu.memref_squeeze %dma_start3A_1212 : memref<1x8192xf32, #tpu.memory_space<hbm>> -> memref<8192xf32, #tpu.memory_space<hbm>>
    %dma_start3A_1214 = arith.constant 0 : i32
    %dma_start3A_1215 = tpu.memref_slice %arg5[%add3A_1208, %dma_start3A_1214] : memref<480x16384xf32, #tpu.memory_space<hbm>> -> memref<1x8192xf32, #tpu.memory_space<hbm>>
    %dma_start3A_1216 = tpu.memref_squeeze %dma_start3A_1215 : memref<1x8192xf32, #tpu.memory_space<hbm>> -> memref<8192xf32, #tpu.memory_space<hbm>>
    %dma_start3A_1217 = arith.constant 0 : i32
    %dma_start3A_1218 = tpu.memref_slice %arg11[%dma_start3A_1217] : memref<16384xf32, #tpu.memory_space<vmem>> -> memref<8192xf32, #tpu.memory_space<vmem>>
    tpu.enqueue_dma source(%dma_start3A_1218 : memref<8192xf32, #tpu.memory_space<vmem>>) target(%dma_start3A_1216 : memref<8192xf32, #tpu.memory_space<hbm>>) target_semaphore(%arg15 : memref<!tpu.dma_semaphore, #tpu.memory_space<semaphore_mem>>)
    %add3A_1219 = arith.constant 12 : i32
    %add3A_1220 = arith.addi %mul3A_2, %add3A_1219 : i32
    %dma_start3A_1221 = arith.constant 8192 : i32
    %dma_start3A_1222 = tpu.memref_slice %arg11[%dma_start3A_1221] : memref<16384xf32, #tpu.memory_space<vmem>> -> memref<8192xf32, #tpu.memory_space<vmem>>
    %dma_start3A_1223 = arith.constant 8192 : i32
    %dma_start3A_1224 = tpu.memref_slice %arg5[%add3A_1220, %dma_start3A_1223] : memref<480x16384xf32, #tpu.memory_space<hbm>> -> memref<1x8192xf32, #tpu.memory_space<hbm>>
    %dma_start3A_1225 = tpu.memref_squeeze %dma_start3A_1224 : memref<1x8192xf32, #tpu.memory_space<hbm>> -> memref<8192xf32, #tpu.memory_space<hbm>>
    %dma_start3A_1226 = arith.constant 8192 : i32
    %dma_start3A_1227 = tpu.memref_slice %arg5[%add3A_1220, %dma_start3A_1226] : memref<480x16384xf32, #tpu.memory_space<hbm>> -> memref<1x8192xf32, #tpu.memory_space<hbm>>
    %dma_start3A_1228 = tpu.memref_squeeze %dma_start3A_1227 : memref<1x8192xf32, #tpu.memory_space<hbm>> -> memref<8192xf32, #tpu.memory_space<hbm>>
    %dma_start3A_1229 = arith.constant 8192 : i32
    %dma_start3A_1230 = tpu.memref_slice %arg11[%dma_start3A_1229] : memref<16384xf32, #tpu.memory_space<vmem>> -> memref<8192xf32, #tpu.memory_space<vmem>>
    tpu.enqueue_dma source(%dma_start3A_1230 : memref<8192xf32, #tpu.memory_space<vmem>>) target(%dma_start3A_1228 : memref<8192xf32, #tpu.memory_space<hbm>>) target_semaphore(%arg15 : memref<!tpu.dma_semaphore, #tpu.memory_space<semaphore_mem>>)
    %dma_wait3A_1231 = arith.constant 0 : i32
    %dma_wait3A_1232 = tpu.memref_slice %arg8[%dma_wait3A_1231] : memref<16384xf32, #tpu.memory_space<vmem>> -> memref<8192xf32, #tpu.memory_space<vmem>>
    %dma_wait3A_1233 = arith.constant 0 : i32
    %dma_wait3A_1234 = tpu.memref_slice %arg2[%sub3A_1002, %dma_wait3A_1233] : memref<3120x16384xf32, #tpu.memory_space<hbm>> -> memref<1x8192xf32, #tpu.memory_space<hbm>>
    %dma_wait3A_1235 = tpu.memref_squeeze %dma_wait3A_1234 : memref<1x8192xf32, #tpu.memory_space<hbm>> -> memref<8192xf32, #tpu.memory_space<hbm>>
    %dma_wait3A_1236 = arith.constant 0 : i32
    %dma_wait3A_1237 = tpu.memref_slice %arg8[%dma_wait3A_1236] : memref<16384xf32, #tpu.memory_space<vmem>> -> memref<8192xf32, #tpu.memory_space<vmem>>
    %dma_wait3A_1238 = arith.constant 0 : i32
    %dma_wait3A_1239 = tpu.memref_slice %arg2[%sub3A_1002, %dma_wait3A_1238] : memref<3120x16384xf32, #tpu.memory_space<hbm>> -> memref<1x8192xf32, #tpu.memory_space<hbm>>
    %dma_wait3A_1240 = tpu.memref_squeeze %dma_wait3A_1239 : memref<1x8192xf32, #tpu.memory_space<hbm>> -> memref<8192xf32, #tpu.memory_space<hbm>>
    tpu.wait_dma2 semaphore(%arg14 : memref<!tpu.dma_semaphore, #tpu.memory_space<semaphore_mem>>) src(%dma_wait3A_1240 : memref<8192xf32, #tpu.memory_space<hbm>>) dst(%dma_wait3A_1237 : memref<8192xf32, #tpu.memory_space<vmem>>)
    %dma_wait3A_1241 = arith.constant 8192 : i32
    %dma_wait3A_1242 = tpu.memref_slice %arg8[%dma_wait3A_1241] : memref<16384xf32, #tpu.memory_space<vmem>> -> memref<8192xf32, #tpu.memory_space<vmem>>
    %dma_wait3A_1243 = arith.constant 8192 : i32
    %dma_wait3A_1244 = tpu.memref_slice %arg2[%sub3A_1002, %dma_wait3A_1243] : memref<3120x16384xf32, #tpu.memory_space<hbm>> -> memref<1x8192xf32, #tpu.memory_space<hbm>>
    %dma_wait3A_1245 = tpu.memref_squeeze %dma_wait3A_1244 : memref<1x8192xf32, #tpu.memory_space<hbm>> -> memref<8192xf32, #tpu.memory_space<hbm>>
    %dma_wait3A_1246 = arith.constant 8192 : i32
    %dma_wait3A_1247 = tpu.memref_slice %arg8[%dma_wait3A_1246] : memref<16384xf32, #tpu.memory_space<vmem>> -> memref<8192xf32, #tpu.memory_space<vmem>>
    %dma_wait3A_1248 = arith.constant 8192 : i32
    %dma_wait3A_1249 = tpu.memref_slice %arg2[%sub3A_1002, %dma_wait3A_1248] : memref<3120x16384xf32, #tpu.memory_space<hbm>> -> memref<1x8192xf32, #tpu.memory_space<hbm>>
    %dma_wait3A_1250 = tpu.memref_squeeze %dma_wait3A_1249 : memref<1x8192xf32, #tpu.memory_space<hbm>> -> memref<8192xf32, #tpu.memory_space<hbm>>
    tpu.wait_dma2 semaphore(%arg14 : memref<!tpu.dma_semaphore, #tpu.memory_space<semaphore_mem>>) src(%dma_wait3A_1250 : memref<8192xf32, #tpu.memory_space<hbm>>) dst(%dma_wait3A_1247 : memref<8192xf32, #tpu.memory_space<vmem>>)
    %dma_wait3A_1251 = arith.constant 0 : i32
    %dma_wait3A_1252 = tpu.memref_slice %arg12[%dma_wait3A_1251] : memref<16384xf32, #tpu.memory_space<vmem>> -> memref<8192xf32, #tpu.memory_space<vmem>>
    %dma_wait3A_1253 = arith.constant 0 : i32
    %dma_wait3A_1254 = tpu.memref_slice %arg5[%add3A_1141, %dma_wait3A_1253] : memref<480x16384xf32, #tpu.memory_space<hbm>> -> memref<1x8192xf32, #tpu.memory_space<hbm>>
    %dma_wait3A_1255 = tpu.memref_squeeze %dma_wait3A_1254 : memref<1x8192xf32, #tpu.memory_space<hbm>> -> memref<8192xf32, #tpu.memory_space<hbm>>
    %dma_wait3A_1256 = arith.constant 0 : i32
    %dma_wait3A_1257 = tpu.memref_slice %arg5[%add3A_1141, %dma_wait3A_1256] : memref<480x16384xf32, #tpu.memory_space<hbm>> -> memref<1x8192xf32, #tpu.memory_space<hbm>>
    %dma_wait3A_1258 = tpu.memref_squeeze %dma_wait3A_1257 : memref<1x8192xf32, #tpu.memory_space<hbm>> -> memref<8192xf32, #tpu.memory_space<hbm>>
    %dma_wait3A_1259 = arith.constant 0 : i32
    %dma_wait3A_1260 = tpu.memref_slice %arg12[%dma_wait3A_1259] : memref<16384xf32, #tpu.memory_space<vmem>> -> memref<8192xf32, #tpu.memory_space<vmem>>
    tpu.wait_dma2 semaphore(%arg15 : memref<!tpu.dma_semaphore, #tpu.memory_space<semaphore_mem>>) src(%dma_wait3A_1260 : memref<8192xf32, #tpu.memory_space<vmem>>) dst(%dma_wait3A_1258 : memref<8192xf32, #tpu.memory_space<hbm>>)
    %dma_wait3A_1261 = arith.constant 8192 : i32
    %dma_wait3A_1262 = tpu.memref_slice %arg12[%dma_wait3A_1261] : memref<16384xf32, #tpu.memory_space<vmem>> -> memref<8192xf32, #tpu.memory_space<vmem>>
    %dma_wait3A_1263 = arith.constant 8192 : i32
    %dma_wait3A_1264 = tpu.memref_slice %arg5[%add3A_1153, %dma_wait3A_1263] : memref<480x16384xf32, #tpu.memory_space<hbm>> -> memref<1x8192xf32, #tpu.memory_space<hbm>>
    %dma_wait3A_1265 = tpu.memref_squeeze %dma_wait3A_1264 : memref<1x8192xf32, #tpu.memory_space<hbm>> -> memref<8192xf32, #tpu.memory_space<hbm>>
    %dma_wait3A_1266 = arith.constant 8192 : i32
    %dma_wait3A_1267 = tpu.memref_slice %arg5[%add3A_1153, %dma_wait3A_1266] : memref<480x16384xf32, #tpu.memory_space<hbm>> -> memref<1x8192xf32, #tpu.memory_space<hbm>>
    %dma_wait3A_1268 = tpu.memref_squeeze %dma_wait3A_1267 : memref<1x8192xf32, #tpu.memory_space<hbm>> -> memref<8192xf32, #tpu.memory_space<hbm>>
    %dma_wait3A_1269 = arith.constant 8192 : i32
    %dma_wait3A_1270 = tpu.memref_slice %arg12[%dma_wait3A_1269] : memref<16384xf32, #tpu.memory_space<vmem>> -> memref<8192xf32, #tpu.memory_space<vmem>>
    tpu.wait_dma2 semaphore(%arg15 : memref<!tpu.dma_semaphore, #tpu.memory_space<semaphore_mem>>) src(%dma_wait3A_1270 : memref<8192xf32, #tpu.memory_space<vmem>>) dst(%dma_wait3A_1268 : memref<8192xf32, #tpu.memory_space<hbm>>)
    %parallel_loop3A_1271 = arith.constant 0 : i32
    %parallel_loop3A_1272 = arith.constant 1024 : i32
    %parallel_loop3A_1273 = arith.constant 1 : i32
    scf.for %parallel_loop3A_1405 = %parallel_loop3A_1271 to %parallel_loop3A_1272 step %parallel_loop3A_1273  : i32 {
      %parallel_loop3A_1406 = arith.constant 16 : i32
      %parallel_loop3A_1407 = arith.muli %parallel_loop3A_1405, %parallel_loop3A_1406 : i32
      %parallel_loop3A_1408 = arith.index_cast %parallel_loop3A_1407 : i32 to index
      %parallel_loop3A_1409 = tpu.vector_load %arg6[%parallel_loop3A_1408] {strides = array<i32>} : memref<16384xi32, #tpu.memory_space<vmem>>, vector<16xi32>,
      %parallel_loop3A_1410 = tpu.vector_load_idx %arg8[%parallel_loop3A_1409] : memref<16384xf32, #tpu.memory_space<vmem>>[vector<16xi32>], vector<16xf32>,
      %parallel_loop3A_1411 = arith.constant 16 : i32
      %parallel_loop3A_1412 = arith.muli %parallel_loop3A_1405, %parallel_loop3A_1411 : i32
      %parallel_loop3A_1413 = arith.index_cast %parallel_loop3A_1412 : i32 to index
      %parallel_loop3A_1414 = tpu.vector_load %arg12[%parallel_loop3A_1413] {strides = array<i32>} : memref<16384xf32, #tpu.memory_space<vmem>>, vector<16xf32>,
      tpu.vector_store %arg12[%parallel_loop3A_1413], %parallel_loop3A_1410 {strides = array<i32>} : memref<16384xf32, #tpu.memory_space<vmem>>, vector<16xf32>,
    } {sc.loop_unroll_factor = 8 : i64, sc.parallel_access}
    %add3A_1274 = arith.constant 13 : i32
    %add3A_1275 = arith.addi %mul3A_2, %add3A_1274 : i32
    %dma_start3A_1276 = arith.constant 0 : i32
    %dma_start3A_1277 = tpu.memref_slice %arg12[%dma_start3A_1276] : memref<16384xf32, #tpu.memory_space<vmem>> -> memref<8192xf32, #tpu.memory_space<vmem>>
    %dma_start3A_1278 = arith.constant 0 : i32
    %dma_start3A_1279 = tpu.memref_slice %arg5[%add3A_1275, %dma_start3A_1278] : memref<480x16384xf32, #tpu.memory_space<hbm>> -> memref<1x8192xf32, #tpu.memory_space<hbm>>
    %dma_start3A_1280 = tpu.memref_squeeze %dma_start3A_1279 : memref<1x8192xf32, #tpu.memory_space<hbm>> -> memref<8192xf32, #tpu.memory_space<hbm>>
    %dma_start3A_1281 = arith.constant 0 : i32
    %dma_start3A_1282 = tpu.memref_slice %arg5[%add3A_1275, %dma_start3A_1281] : memref<480x16384xf32, #tpu.memory_space<hbm>> -> memref<1x8192xf32, #tpu.memory_space<hbm>>
    %dma_start3A_1283 = tpu.memref_squeeze %dma_start3A_1282 : memref<1x8192xf32, #tpu.memory_space<hbm>> -> memref<8192xf32, #tpu.memory_space<hbm>>
    %dma_start3A_1284 = arith.constant 0 : i32
    %dma_start3A_1285 = tpu.memref_slice %arg12[%dma_start3A_1284] : memref<16384xf32, #tpu.memory_space<vmem>> -> memref<8192xf32, #tpu.memory_space<vmem>>
    tpu.enqueue_dma source(%dma_start3A_1285 : memref<8192xf32, #tpu.memory_space<vmem>>) target(%dma_start3A_1283 : memref<8192xf32, #tpu.memory_space<hbm>>) target_semaphore(%arg15 : memref<!tpu.dma_semaphore, #tpu.memory_space<semaphore_mem>>)
    %add3A_1286 = arith.constant 13 : i32
    %add3A_1287 = arith.addi %mul3A_2, %add3A_1286 : i32
    %dma_start3A_1288 = arith.constant 8192 : i32
    %dma_start3A_1289 = tpu.memref_slice %arg12[%dma_start3A_1288] : memref<16384xf32, #tpu.memory_space<vmem>> -> memref<8192xf32, #tpu.memory_space<vmem>>
    %dma_start3A_1290 = arith.constant 8192 : i32
    %dma_start3A_1291 = tpu.memref_slice %arg5[%add3A_1287, %dma_start3A_1290] : memref<480x16384xf32, #tpu.memory_space<hbm>> -> memref<1x8192xf32, #tpu.memory_space<hbm>>
    %dma_start3A_1292 = tpu.memref_squeeze %dma_start3A_1291 : memref<1x8192xf32, #tpu.memory_space<hbm>> -> memref<8192xf32, #tpu.memory_space<hbm>>
    %dma_start3A_1293 = arith.constant 8192 : i32
    %dma_start3A_1294 = tpu.memref_slice %arg5[%add3A_1287, %dma_start3A_1293] : memref<480x16384xf32, #tpu.memory_space<hbm>> -> memref<1x8192xf32, #tpu.memory_space<hbm>>
    %dma_start3A_1295 = tpu.memref_squeeze %dma_start3A_1294 : memref<1x8192xf32, #tpu.memory_space<hbm>> -> memref<8192xf32, #tpu.memory_space<hbm>>
    %dma_start3A_1296 = arith.constant 8192 : i32
    %dma_start3A_1297 = tpu.memref_slice %arg12[%dma_start3A_1296] : memref<16384xf32, #tpu.memory_space<vmem>> -> memref<8192xf32, #tpu.memory_space<vmem>>
    tpu.enqueue_dma source(%dma_start3A_1297 : memref<8192xf32, #tpu.memory_space<vmem>>) target(%dma_start3A_1295 : memref<8192xf32, #tpu.memory_space<hbm>>) target_semaphore(%arg15 : memref<!tpu.dma_semaphore, #tpu.memory_space<semaphore_mem>>)
    %dma_wait3A_1298 = arith.constant 0 : i32
    %dma_wait3A_1299 = tpu.memref_slice %arg9[%dma_wait3A_1298] : memref<16384xf32, #tpu.memory_space<vmem>> -> memref<8192xf32, #tpu.memory_space<vmem>>
    %dma_wait3A_1300 = arith.constant 0 : i32
    %dma_wait3A_1301 = tpu.memref_slice %arg2[%sub3A_1096, %dma_wait3A_1300] : memref<3120x16384xf32, #tpu.memory_space<hbm>> -> memref<1x8192xf32, #tpu.memory_space<hbm>>
    %dma_wait3A_1302 = tpu.memref_squeeze %dma_wait3A_1301 : memref<1x8192xf32, #tpu.memory_space<hbm>> -> memref<8192xf32, #tpu.memory_space<hbm>>
    %dma_wait3A_1303 = arith.constant 0 : i32
    %dma_wait3A_1304 = tpu.memref_slice %arg9[%dma_wait3A_1303] : memref<16384xf32, #tpu.memory_space<vmem>> -> memref<8192xf32, #tpu.memory_space<vmem>>
    %dma_wait3A_1305 = arith.constant 0 : i32
    %dma_wait3A_1306 = tpu.memref_slice %arg2[%sub3A_1096, %dma_wait3A_1305] : memref<3120x16384xf32, #tpu.memory_space<hbm>> -> memref<1x8192xf32, #tpu.memory_space<hbm>>
    %dma_wait3A_1307 = tpu.memref_squeeze %dma_wait3A_1306 : memref<1x8192xf32, #tpu.memory_space<hbm>> -> memref<8192xf32, #tpu.memory_space<hbm>>
    tpu.wait_dma2 semaphore(%arg14 : memref<!tpu.dma_semaphore, #tpu.memory_space<semaphore_mem>>) src(%dma_wait3A_1307 : memref<8192xf32, #tpu.memory_space<hbm>>) dst(%dma_wait3A_1304 : memref<8192xf32, #tpu.memory_space<vmem>>)
    %dma_wait3A_1308 = arith.constant 8192 : i32
    %dma_wait3A_1309 = tpu.memref_slice %arg9[%dma_wait3A_1308] : memref<16384xf32, #tpu.memory_space<vmem>> -> memref<8192xf32, #tpu.memory_space<vmem>>
    %dma_wait3A_1310 = arith.constant 8192 : i32
    %dma_wait3A_1311 = tpu.memref_slice %arg2[%sub3A_1096, %dma_wait3A_1310] : memref<3120x16384xf32, #tpu.memory_space<hbm>> -> memref<1x8192xf32, #tpu.memory_space<hbm>>
    %dma_wait3A_1312 = tpu.memref_squeeze %dma_wait3A_1311 : memref<1x8192xf32, #tpu.memory_space<hbm>> -> memref<8192xf32, #tpu.memory_space<hbm>>
    %dma_wait3A_1313 = arith.constant 8192 : i32
    %dma_wait3A_1314 = tpu.memref_slice %arg9[%dma_wait3A_1313] : memref<16384xf32, #tpu.memory_space<vmem>> -> memref<8192xf32, #tpu.memory_space<vmem>>
    %dma_wait3A_1315 = arith.constant 8192 : i32
    %dma_wait3A_1316 = tpu.memref_slice %arg2[%sub3A_1096, %dma_wait3A_1315] : memref<3120x16384xf32, #tpu.memory_space<hbm>> -> memref<1x8192xf32, #tpu.memory_space<hbm>>
    %dma_wait3A_1317 = tpu.memref_squeeze %dma_wait3A_1316 : memref<1x8192xf32, #tpu.memory_space<hbm>> -> memref<8192xf32, #tpu.memory_space<hbm>>
    tpu.wait_dma2 semaphore(%arg14 : memref<!tpu.dma_semaphore, #tpu.memory_space<semaphore_mem>>) src(%dma_wait3A_1317 : memref<8192xf32, #tpu.memory_space<hbm>>) dst(%dma_wait3A_1314 : memref<8192xf32, #tpu.memory_space<vmem>>)
    %dma_wait3A_1318 = arith.constant 0 : i32
    %dma_wait3A_1319 = tpu.memref_slice %arg11[%dma_wait3A_1318] : memref<16384xf32, #tpu.memory_space<vmem>> -> memref<8192xf32, #tpu.memory_space<vmem>>
    %dma_wait3A_1320 = arith.constant 0 : i32
    %dma_wait3A_1321 = tpu.memref_slice %arg5[%add3A_1208, %dma_wait3A_1320] : memref<480x16384xf32, #tpu.memory_space<hbm>> -> memref<1x8192xf32, #tpu.memory_space<hbm>>
    %dma_wait3A_1322 = tpu.memref_squeeze %dma_wait3A_1321 : memref<1x8192xf32, #tpu.memory_space<hbm>> -> memref<8192xf32, #tpu.memory_space<hbm>>
    %dma_wait3A_1323 = arith.constant 0 : i32
    %dma_wait3A_1324 = tpu.memref_slice %arg5[%add3A_1208, %dma_wait3A_1323] : memref<480x16384xf32, #tpu.memory_space<hbm>> -> memref<1x8192xf32, #tpu.memory_space<hbm>>
    %dma_wait3A_1325 = tpu.memref_squeeze %dma_wait3A_1324 : memref<1x8192xf32, #tpu.memory_space<hbm>> -> memref<8192xf32, #tpu.memory_space<hbm>>
    %dma_wait3A_1326 = arith.constant 0 : i32
    %dma_wait3A_1327 = tpu.memref_slice %arg11[%dma_wait3A_1326] : memref<16384xf32, #tpu.memory_space<vmem>> -> memref<8192xf32, #tpu.memory_space<vmem>>
    tpu.wait_dma2 semaphore(%arg15 : memref<!tpu.dma_semaphore, #tpu.memory_space<semaphore_mem>>) src(%dma_wait3A_1327 : memref<8192xf32, #tpu.memory_space<vmem>>) dst(%dma_wait3A_1325 : memref<8192xf32, #tpu.memory_space<hbm>>)
    %dma_wait3A_1328 = arith.constant 8192 : i32
    %dma_wait3A_1329 = tpu.memref_slice %arg11[%dma_wait3A_1328] : memref<16384xf32, #tpu.memory_space<vmem>> -> memref<8192xf32, #tpu.memory_space<vmem>>
    %dma_wait3A_1330 = arith.constant 8192 : i32
    %dma_wait3A_1331 = tpu.memref_slice %arg5[%add3A_1220, %dma_wait3A_1330] : memref<480x16384xf32, #tpu.memory_space<hbm>> -> memref<1x8192xf32, #tpu.memory_space<hbm>>
    %dma_wait3A_1332 = tpu.memref_squeeze %dma_wait3A_1331 : memref<1x8192xf32, #tpu.memory_space<hbm>> -> memref<8192xf32, #tpu.memory_space<hbm>>
    %dma_wait3A_1333 = arith.constant 8192 : i32
    %dma_wait3A_1334 = tpu.memref_slice %arg5[%add3A_1220, %dma_wait3A_1333] : memref<480x16384xf32, #tpu.memory_space<hbm>> -> memref<1x8192xf32, #tpu.memory_space<hbm>>
    %dma_wait3A_1335 = tpu.memref_squeeze %dma_wait3A_1334 : memref<1x8192xf32, #tpu.memory_space<hbm>> -> memref<8192xf32, #tpu.memory_space<hbm>>
    %dma_wait3A_1336 = arith.constant 8192 : i32
    %dma_wait3A_1337 = tpu.memref_slice %arg11[%dma_wait3A_1336] : memref<16384xf32, #tpu.memory_space<vmem>> -> memref<8192xf32, #tpu.memory_space<vmem>>
    tpu.wait_dma2 semaphore(%arg15 : memref<!tpu.dma_semaphore, #tpu.memory_space<semaphore_mem>>) src(%dma_wait3A_1337 : memref<8192xf32, #tpu.memory_space<vmem>>) dst(%dma_wait3A_1335 : memref<8192xf32, #tpu.memory_space<hbm>>)
    %parallel_loop3A_1338 = arith.constant 0 : i32
    %parallel_loop3A_1339 = arith.constant 1024 : i32
    %parallel_loop3A_1340 = arith.constant 1 : i32
    scf.for %parallel_loop3A_1405 = %parallel_loop3A_1338 to %parallel_loop3A_1339 step %parallel_loop3A_1340  : i32 {
      %parallel_loop3A_1406 = arith.constant 16 : i32
      %parallel_loop3A_1407 = arith.muli %parallel_loop3A_1405, %parallel_loop3A_1406 : i32
      %parallel_loop3A_1408 = arith.index_cast %parallel_loop3A_1407 : i32 to index
      %parallel_loop3A_1409 = tpu.vector_load %arg6[%parallel_loop3A_1408] {strides = array<i32>} : memref<16384xi32, #tpu.memory_space<vmem>>, vector<16xi32>,
      %parallel_loop3A_1410 = tpu.vector_load_idx %arg9[%parallel_loop3A_1409] : memref<16384xf32, #tpu.memory_space<vmem>>[vector<16xi32>], vector<16xf32>,
      %parallel_loop3A_1411 = arith.constant 16 : i32
      %parallel_loop3A_1412 = arith.muli %parallel_loop3A_1405, %parallel_loop3A_1411 : i32
      %parallel_loop3A_1413 = arith.index_cast %parallel_loop3A_1412 : i32 to index
      %parallel_loop3A_1414 = tpu.vector_load %arg11[%parallel_loop3A_1413] {strides = array<i32>} : memref<16384xf32, #tpu.memory_space<vmem>>, vector<16xf32>,
      tpu.vector_store %arg11[%parallel_loop3A_1413], %parallel_loop3A_1410 {strides = array<i32>} : memref<16384xf32, #tpu.memory_space<vmem>>, vector<16xf32>,
    } {sc.loop_unroll_factor = 8 : i64, sc.parallel_access}
    %add3A_1341 = arith.constant 14 : i32
    %add3A_1342 = arith.addi %mul3A_2, %add3A_1341 : i32
    %dma_start3A_1343 = arith.constant 0 : i32
    %dma_start3A_1344 = tpu.memref_slice %arg11[%dma_start3A_1343] : memref<16384xf32, #tpu.memory_space<vmem>> -> memref<8192xf32, #tpu.memory_space<vmem>>
    %dma_start3A_1345 = arith.constant 0 : i32
    %dma_start3A_1346 = tpu.memref_slice %arg5[%add3A_1342, %dma_start3A_1345] : memref<480x16384xf32, #tpu.memory_space<hbm>> -> memref<1x8192xf32, #tpu.memory_space<hbm>>
    %dma_start3A_1347 = tpu.memref_squeeze %dma_start3A_1346 : memref<1x8192xf32, #tpu.memory_space<hbm>> -> memref<8192xf32, #tpu.memory_space<hbm>>
    %dma_start3A_1348 = arith.constant 0 : i32
    %dma_start3A_1349 = tpu.memref_slice %arg5[%add3A_1342, %dma_start3A_1348] : memref<480x16384xf32, #tpu.memory_space<hbm>> -> memref<1x8192xf32, #tpu.memory_space<hbm>>
    %dma_start3A_1350 = tpu.memref_squeeze %dma_start3A_1349 : memref<1x8192xf32, #tpu.memory_space<hbm>> -> memref<8192xf32, #tpu.memory_space<hbm>>
    %dma_start3A_1351 = arith.constant 0 : i32
    %dma_start3A_1352 = tpu.memref_slice %arg11[%dma_start3A_1351] : memref<16384xf32, #tpu.memory_space<vmem>> -> memref<8192xf32, #tpu.memory_space<vmem>>
    tpu.enqueue_dma source(%dma_start3A_1352 : memref<8192xf32, #tpu.memory_space<vmem>>) target(%dma_start3A_1350 : memref<8192xf32, #tpu.memory_space<hbm>>) target_semaphore(%arg15 : memref<!tpu.dma_semaphore, #tpu.memory_space<semaphore_mem>>)
    %add3A_1353 = arith.constant 14 : i32
    %add3A_1354 = arith.addi %mul3A_2, %add3A_1353 : i32
    %dma_start3A_1355 = arith.constant 8192 : i32
    %dma_start3A_1356 = tpu.memref_slice %arg11[%dma_start3A_1355] : memref<16384xf32, #tpu.memory_space<vmem>> -> memref<8192xf32, #tpu.memory_space<vmem>>
    %dma_start3A_1357 = arith.constant 8192 : i32
    %dma_start3A_1358 = tpu.memref_slice %arg5[%add3A_1354, %dma_start3A_1357] : memref<480x16384xf32, #tpu.memory_space<hbm>> -> memref<1x8192xf32, #tpu.memory_space<hbm>>
    %dma_start3A_1359 = tpu.memref_squeeze %dma_start3A_1358 : memref<1x8192xf32, #tpu.memory_space<hbm>> -> memref<8192xf32, #tpu.memory_space<hbm>>
    %dma_start3A_1360 = arith.constant 8192 : i32
    %dma_start3A_1361 = tpu.memref_slice %arg5[%add3A_1354, %dma_start3A_1360] : memref<480x16384xf32, #tpu.memory_space<hbm>> -> memref<1x8192xf32, #tpu.memory_space<hbm>>
    %dma_start3A_1362 = tpu.memref_squeeze %dma_start3A_1361 : memref<1x8192xf32, #tpu.memory_space<hbm>> -> memref<8192xf32, #tpu.memory_space<hbm>>
    %dma_start3A_1363 = arith.constant 8192 : i32
    %dma_start3A_1364 = tpu.memref_slice %arg11[%dma_start3A_1363] : memref<16384xf32, #tpu.memory_space<vmem>> -> memref<8192xf32, #tpu.memory_space<vmem>>
    tpu.enqueue_dma source(%dma_start3A_1364 : memref<8192xf32, #tpu.memory_space<vmem>>) target(%dma_start3A_1362 : memref<8192xf32, #tpu.memory_space<hbm>>) target_semaphore(%arg15 : memref<!tpu.dma_semaphore, #tpu.memory_space<semaphore_mem>>)
    %dma_wait3A_1365 = arith.constant 0 : i32
    %dma_wait3A_1366 = tpu.memref_slice %arg11[%dma_wait3A_1365] : memref<16384xf32, #tpu.memory_space<vmem>> -> memref<8192xf32, #tpu.memory_space<vmem>>
    %dma_wait3A_1367 = arith.constant 0 : i32
    %dma_wait3A_1368 = tpu.memref_slice %arg5[%add3A_1342, %dma_wait3A_1367] : memref<480x16384xf32, #tpu.memory_space<hbm>> -> memref<1x8192xf32, #tpu.memory_space<hbm>>
    %dma_wait3A_1369 = tpu.memref_squeeze %dma_wait3A_1368 : memref<1x8192xf32, #tpu.memory_space<hbm>> -> memref<8192xf32, #tpu.memory_space<hbm>>
    %dma_wait3A_1370 = arith.constant 0 : i32
    %dma_wait3A_1371 = tpu.memref_slice %arg5[%add3A_1342, %dma_wait3A_1370] : memref<480x16384xf32, #tpu.memory_space<hbm>> -> memref<1x8192xf32, #tpu.memory_space<hbm>>
    %dma_wait3A_1372 = tpu.memref_squeeze %dma_wait3A_1371 : memref<1x8192xf32, #tpu.memory_space<hbm>> -> memref<8192xf32, #tpu.memory_space<hbm>>
    %dma_wait3A_1373 = arith.constant 0 : i32
    %dma_wait3A_1374 = tpu.memref_slice %arg11[%dma_wait3A_1373] : memref<16384xf32, #tpu.memory_space<vmem>> -> memref<8192xf32, #tpu.memory_space<vmem>>
    tpu.wait_dma2 semaphore(%arg15 : memref<!tpu.dma_semaphore, #tpu.memory_space<semaphore_mem>>) src(%dma_wait3A_1374 : memref<8192xf32, #tpu.memory_space<vmem>>) dst(%dma_wait3A_1372 : memref<8192xf32, #tpu.memory_space<hbm>>)
    %dma_wait3A_1375 = arith.constant 8192 : i32
    %dma_wait3A_1376 = tpu.memref_slice %arg11[%dma_wait3A_1375] : memref<16384xf32, #tpu.memory_space<vmem>> -> memref<8192xf32, #tpu.memory_space<vmem>>
    %dma_wait3A_1377 = arith.constant 8192 : i32
    %dma_wait3A_1378 = tpu.memref_slice %arg5[%add3A_1354, %dma_wait3A_1377] : memref<480x16384xf32, #tpu.memory_space<hbm>> -> memref<1x8192xf32, #tpu.memory_space<hbm>>
    %dma_wait3A_1379 = tpu.memref_squeeze %dma_wait3A_1378 : memref<1x8192xf32, #tpu.memory_space<hbm>> -> memref<8192xf32, #tpu.memory_space<hbm>>
    %dma_wait3A_1380 = arith.constant 8192 : i32
    %dma_wait3A_1381 = tpu.memref_slice %arg5[%add3A_1354, %dma_wait3A_1380] : memref<480x16384xf32, #tpu.memory_space<hbm>> -> memref<1x8192xf32, #tpu.memory_space<hbm>>
    %dma_wait3A_1382 = tpu.memref_squeeze %dma_wait3A_1381 : memref<1x8192xf32, #tpu.memory_space<hbm>> -> memref<8192xf32, #tpu.memory_space<hbm>>
    %dma_wait3A_1383 = arith.constant 8192 : i32
    %dma_wait3A_1384 = tpu.memref_slice %arg11[%dma_wait3A_1383] : memref<16384xf32, #tpu.memory_space<vmem>> -> memref<8192xf32, #tpu.memory_space<vmem>>
    tpu.wait_dma2 semaphore(%arg15 : memref<!tpu.dma_semaphore, #tpu.memory_space<semaphore_mem>>) src(%dma_wait3A_1384 : memref<8192xf32, #tpu.memory_space<vmem>>) dst(%dma_wait3A_1382 : memref<8192xf32, #tpu.memory_space<hbm>>)
    %dma_wait3A_1385 = arith.constant 0 : i32
    %dma_wait3A_1386 = tpu.memref_slice %arg12[%dma_wait3A_1385] : memref<16384xf32, #tpu.memory_space<vmem>> -> memref<8192xf32, #tpu.memory_space<vmem>>
    %dma_wait3A_1387 = arith.constant 0 : i32
    %dma_wait3A_1388 = tpu.memref_slice %arg5[%add3A_1275, %dma_wait3A_1387] : memref<480x16384xf32, #tpu.memory_space<hbm>> -> memref<1x8192xf32, #tpu.memory_space<hbm>>
    %dma_wait3A_1389 = tpu.memref_squeeze %dma_wait3A_1388 : memref<1x8192xf32, #tpu.memory_space<hbm>> -> memref<8192xf32, #tpu.memory_space<hbm>>
    %dma_wait3A_1390 = arith.constant 0 : i32
    %dma_wait3A_1391 = tpu.memref_slice %arg5[%add3A_1275, %dma_wait3A_1390] : memref<480x16384xf32, #tpu.memory_space<hbm>> -> memref<1x8192xf32, #tpu.memory_space<hbm>>
    %dma_wait3A_1392 = tpu.memref_squeeze %dma_wait3A_1391 : memref<1x8192xf32, #tpu.memory_space<hbm>> -> memref<8192xf32, #tpu.memory_space<hbm>>
    %dma_wait3A_1393 = arith.constant 0 : i32
    %dma_wait3A_1394 = tpu.memref_slice %arg12[%dma_wait3A_1393] : memref<16384xf32, #tpu.memory_space<vmem>> -> memref<8192xf32, #tpu.memory_space<vmem>>
    tpu.wait_dma2 semaphore(%arg15 : memref<!tpu.dma_semaphore, #tpu.memory_space<semaphore_mem>>) src(%dma_wait3A_1394 : memref<8192xf32, #tpu.memory_space<vmem>>) dst(%dma_wait3A_1392 : memref<8192xf32, #tpu.memory_space<hbm>>)
    %dma_wait3A_1395 = arith.constant 8192 : i32
    %dma_wait3A_1396 = tpu.memref_slice %arg12[%dma_wait3A_1395] : memref<16384xf32, #tpu.memory_space<vmem>> -> memref<8192xf32, #tpu.memory_space<vmem>>
    %dma_wait3A_1397 = arith.constant 8192 : i32
    %dma_wait3A_1398 = tpu.memref_slice %arg5[%add3A_1287, %dma_wait3A_1397] : memref<480x16384xf32, #tpu.memory_space<hbm>> -> memref<1x8192xf32, #tpu.memory_space<hbm>>
    %dma_wait3A_1399 = tpu.memref_squeeze %dma_wait3A_1398 : memref<1x8192xf32, #tpu.memory_space<hbm>> -> memref<8192xf32, #tpu.memory_space<hbm>>
    %dma_wait3A_1400 = arith.constant 8192 : i32
    %dma_wait3A_1401 = tpu.memref_slice %arg5[%add3A_1287, %dma_wait3A_1400] : memref<480x16384xf32, #tpu.memory_space<hbm>> -> memref<1x8192xf32, #tpu.memory_space<hbm>>
    %dma_wait3A_1402 = tpu.memref_squeeze %dma_wait3A_1401 : memref<1x8192xf32, #tpu.memory_space<hbm>> -> memref<8192xf32, #tpu.memory_space<hbm>>
    %dma_wait3A_1403 = arith.constant 8192 : i32
    %dma_wait3A_1404 = tpu.memref_slice %arg12[%dma_wait3A_1403] : memref<16384xf32, #tpu.memory_space<vmem>> -> memref<8192xf32, #tpu.memory_space<vmem>>
    tpu.wait_dma2 semaphore(%arg15 : memref<!tpu.dma_semaphore, #tpu.memory_space<semaphore_mem>>) src(%dma_wait3A_1404 : memref<8192xf32, #tpu.memory_space<vmem>>) dst(%dma_wait3A_1402 : memref<8192xf32, #tpu.memory_space<hbm>>)
    return
  }
}

</mosaic_0001>

<sc_bundles>
// kernel: kernel.3.cloned.1.call-start
scs
__scs_entry_jumppad:
0x0: {  	(pc) =	sbr.rel $0x88, $3  }
0x1: {  	(tag) =	ssettag $0x0;
	lr =	simm.s32 $0x1  }
0x2: {  	[smem:$0x3F9E] =	sst lr;
	_ =	strace $0xD0000000  }
0x3: {  	_ = 	snop  }
0x4: {  	_ = 	snop  }
0x5: {  	_ = 	snop  }
0x6: {  	_ = 	snop  }
0x7: {  	_ = 	snop  }
__scs_overlays_trampoline_lowered:
0x8: {  	[smem:$0x3FAD] =	sst s0  }
0x9: {  	[smem:$0x3FAE] =	sst s1  }
0xa: {  	[smem:$0x3FAF] =	sst s2  }
0xb: {  	[smem:$0x3FB0] =	sst s3  }
0xc: {  	[smem:$0x3FB1] =	sst s4  }
0xd: {  	[smem:$0x3FB2] =	sst s5  }
0xe: {  	[smem:$0x3FB3] =	sst s6  }
0xf: {  	[smem:$0x3FB4] =	sst s7  }
0x10: {  	[smem:$0x3FB5] =	sst s8  }
0x11: {  	[smem:$0x3FB6] =	sst s9;
	s0 =	simm.s32 @!p0 $0x0  }
0x12: {  	s1 =	sld [smem:$0x3F9C];
	s0 =	simm.s32 @p0 $0x1  }
0x13: {  	[smem:$0x3FB7] =	sst s0;
	s0 =	simm.s32 @!p1 $0x0  }
0x14: {  	s2 =	sld [smem:$0x3F9B];
	s0 =	simm.s32 @p1 $0x1  }
0x15: {  	[smem:$0x3FB8] =	sst s0;
	s0 =	simm.s32 @!p2 $0x0  }
0x16: {  	s3 =	sld [smem:$0x3FDB];
	s0 =	simm.s32 @p2 $0x1  }
0x17: {  	s4 =	simm.s32 $0x1BF5;
	[smem:$0x3FBA] =	sst s0  }
0x18: {  	s0 =	sld [smem:$0x3F9D];
	_ =	swait.ge [sflag:s4], $0x0  }
0x19: {  	s7 =	sld [smem:$0x3F9E]  }
0x1a: {  	s8 =	sadd.s32 $0xFFFFE003, lr  }
0x1b: {  	s9 =	sadd.s32 $0xFFFFFEF7, lr;
	s5 =	simm.s32 $0xFFFFFFFF;
	p2 =	slt.u32 s8, $0xFFFFF086  }
0x1c: {  	p1 =	slt.u32 s9, $0xF7A;
	s5 =	simm.s32 @!p2 $0x0  }
0x1d: {  	s5 =	simm.s32 @p1 $0x1;
	p0 =	seq.s32 s7, s2  }
0x1e: {  	s7 =	smul.u32 @!p0 $0xF7A, s2;
	p2 =	seq.s32 @!p0 s5, $0x0  }
0x1f: {  	s9 =	smul.u32 $0xF7A, s1;
	s8 =	simm.s32 @!p0 $0x1BF5;
	p2 =	por !p2, p0  }
0x20: {  	[sflag:s8] =	ssyncset.s32 @!p0 $0xFFFFF086;
	s6 =	sadd.s32 @!p0 s3, s7;
	s7 =	simm.s32 @!p0 $0x108  }
0x21: {  	s3 =	sadd.s32 s3, s9;
	s6 =	sadd.s32 @!p0 $0x88, s6;
	s7 =	simm.s32 @p2 $0x1082  }
0x22: {  	[simem:s7], [sflag:s8] =	dma.local @!p0 [hbm:s6], $0xF7A  }
0x23: {  	s9 =	sor.u32 $0xD0000000, s2;
	s6 =	simm.s32 $0x108;
	_ =	swait.ge @!p0 [sflag:s8], $0x0  }
0x24: {  	s3 =	sadd.s32 $0x88, s3;
	s6 =	simm.s32 @!p1 $0x1082;
	[sflag:s4] =	ssyncset.s32 $0xFFFFF086  }
0x25: {  	[simem:s6], [sflag:s4] =	dma.local [hbm:s3], $0xF7A  }
0x26: {  	[smem:$0x3F9E] =	sst s1;
	(tag) =	ssettag s2;
	_ =	strace s9  }
0x27: {  	s1 =	sld [smem:$0x3FAE]  }
0x28: {  	s2 =	sld [smem:$0x3FAF]  }
0x29: {  	s4 =	sld [smem:$0x3FB1]  }
0x2a: {  	p0 =	seq.s32 s5, $0x0;
	s5 =	sld [smem:$0x3FB2]  }
0x2b: {  	s6 =	sld [smem:$0x3FB3]  }
0x2c: {  	s7 =	sld [smem:$0x3FB4]  }
0x2d: {  	s3 =	simm.s32 $0x108;
	s8 =	sld [smem:$0x3FB5]  }
0x2e: {  	s3 =	simm.s32 @!p0 $0x1082;
	s9 =	sld [smem:$0x3FB6]  }
0x2f: {  	lr =	sadd.s32 s0, s3;
	s0 =	sld [smem:$0x3FAD]  }
0x30: {  	s3 =	sld [smem:$0x3FB0]  }
0x31: {  	[smem:$0x3FB9] =	sst s10  }
0x32: {  	s10 =	sld [smem:$0x3FB7];
	_ =	sdelay $0x3  }
0x33: {  	p0 =	seq.s32 s10, $0x1;
	s10 =	sld [smem:$0x3FB9];
	_ =	sdelay $0x3  }
0x34: {  	[smem:$0x3FB9] =	sst s10  }
0x35: {  	s10 =	sld [smem:$0x3FB8];
	_ =	sdelay $0x3  }
0x36: {  	p1 =	seq.s32 s10, $0x1;
	s10 =	sld [smem:$0x3FB9];
	_ =	sdelay $0x3  }
0x37: {  	[smem:$0x3FB9] =	sst s10  }
0x38: {  	s10 =	sld [smem:$0x3FBA]  }
0x39: {  	_ = 	snop;
	(pc) =	sbr.ind lr, $3  }
0x3a: {  	_ = 	snop  }
0x3b: {  	_ = 	snop  }
0x3c: {  	p2 =	seq.s32 s10, $0x1;
	s10 =	sld [smem:$0x3FB9]  }
0x3d: {  	_ =	shalt  }
0x3e: {  	_ =	shalt  }
0x3f: {  	_ =	shalt  }
0x40: {  	_ =	shalt  }
0x41: {  	_ =	shalt  }
0x42: {  	_ =	shalt  }
0x43: {  	_ =	shalt  }
0x44: {  	_ =	shalt  }
0x45: {  	_ =	shalt  }
0x46: {  	_ =	shalt  }
0x47: {  	_ =	shalt  }
0x48: {  	_ =	shalt  }
0x49: {  	_ =	shalt  }
0x4a: {  	_ =	shalt  }
0x4b: {  	_ =	shalt  }
0x4c: {  	_ =	shalt  }
0x4d: {  	_ =	shalt  }
0x4e: {  	_ =	shalt  }
0x4f: {  	_ =	shalt  }
0x50: {  	_ =	shalt  }
0x51: {  	_ =	shalt  }
0x52: {  	_ =	shalt  }
0x53: {  	_ =	shalt  }
0x54: {  	_ =	shalt  }
0x55: {  	_ =	shalt  }
0x56: {  	_ =	shalt  }
0x57: {  	_ =	shalt  }
0x58: {  	_ =	shalt  }
0x59: {  	_ =	shalt  }
0x5a: {  	_ =	shalt  }
0x5b: {  	_ =	shalt  }
0x5c: {  	_ =	shalt  }
0x5d: {  	_ =	shalt  }
0x5e: {  	_ =	shalt  }
0x5f: {  	_ =	shalt  }
0x60: {  	_ =	shalt  }
0x61: {  	_ =	shalt  }
0x62: {  	_ =	shalt  }
0x63: {  	_ =	shalt  }
0x64: {  	_ =	shalt  }
0x65: {  	_ =	shalt  }
0x66: {  	_ =	shalt  }
0x67: {  	_ =	shalt  }
0x68: {  	_ =	shalt  }
0x69: {  	_ =	shalt  }
0x6a: {  	_ =	shalt  }
0x6b: {  	_ =	shalt  }
0x6c: {  	_ =	shalt  }
0x6d: {  	_ =	shalt  }
0x6e: {  	_ =	shalt  }
0x6f: {  	_ =	shalt  }
0x70: {  	_ =	shalt  }
0x71: {  	_ =	shalt  }
0x72: {  	_ =	shalt  }
0x73: {  	_ =	shalt  }
0x74: {  	_ =	shalt  }
0x75: {  	_ =	shalt  }
0x76: {  	_ =	shalt  }
0x77: {  	_ =	shalt  }
0x78: {  	_ =	shalt  }
0x79: {  	_ =	shalt  }
0x7a: {  	_ =	shalt  }
0x7b: {  	_ =	shalt  }
0x7c: {  	_ =	shalt  }
0x7d: {  	_ =	shalt  }
0x7e: {  	_ =	shalt  }
0x7f: {  	_ =	shalt  }
0x80: {  	_ =	shalt  }
0x81: {  	_ =	shalt  }
0x82: {  	_ =	shalt  }
0x83: {  	_ =	shalt  }
0x84: {  	_ =	shalt  }
0x85: {  	_ =	shalt  }
0x86: {  	_ =	shalt  }
0x87: {  	_ =	shalt  }
.Lfunc_end0:
.L_simem_size_0:
called_computation_lowered:
.L_overlay_start_0:
0x88: {  	s2 =	sld [smem:$0x3FD9]  }
0x89: {  	s3 =	sld [smem:$0x3FFE];
	_ =	sdelay $0x1  }
0x8a: {  	s1 =	srdreg.scid  }
0x8b: {  	s0 =	sand.u32 $0x1, s1  }
0x8c: {  	s17 =	sshll.u32 s0, $0xA;
	s2 =	sadd.s32 s3, s2  }
0x8d: {  	s2 =	sadd.s32 s2, s17  }
0x8e: {  	[smem:$0x3FC5] =	sst s2  }
0x8f: {  	_ = 	snop  }
0x90: {  	s2 =	sld [smem:$0x3FC9]  }
0x91: {  	s18 =	sld [smem:$0x3FC8]  }
0x92: {  	s4 =	sld [smem:$0x3FD0];
	(tm) =	ssettm $0x1  }
0x93: {  	s5 =	sld [smem:$0x3FFB];
	_ =	sdelay $0x3  }
0x94: {  	_ =	strace s5  }
0x95: {  	s5 =	sld [smem:$0x3FFC];
	_ =	sdelay $0x3  }
0x96: {  	_ =	strace s5  }
0x97: {  	s5 =	sld [smem:$0x3FFD];
	_ =	sdelay $0x3  }
0x98: {  	_ =	strace s5  }
0x99: {  	_ =	strace $0x8FFFFFFF  }
0x9a: {  	s19 =	sld [smem:$0x3FDB];
	_ =	sdelay $0x1  }
0x9b: {  	s6 =	simm.s32 $_scs_section_size  }
0x9c: {  	s7 =	simm.s32 $_size__tile_overlayer_lowered;
	s8 =	simm.s32 $_tile_overlayer_lowered  }
0x9d: {  	s22 =	simm.s32 $0x1BFF;
	s21 =	sshll.u32 s8, $0x1;
	s5 =	sadd.s32 s6, s19  }
0x9e: {  	s9 =	simm.s32 $0x0;
	s20 =	sshll.u32 s7, $0x1;
	s7 =	sadd.s32 s21, s5  }
0x9f: {  	[timem:s9], [sflag:s22] =	dma.local [hbm:s7], s20  }
0xa0: {  	_ =	swait.ge [sflag:s22], s20  }
0xa1: {  	s6 =	ssub.s32 $0x0, s20;
	[sflag:s22] =	ssyncset.done $0x0  }
0xa2: {  	[sflag:s22] =	ssyncadd.s32 s6;
	_ =	sdelay $0x1  }
0xa3: {  	s23 =	simm.s32 $0x1B8B  }
0xa4: {  	_ =	swait.ge [sflag:s23], $0x1  }
0xa5: {  	[sflag:s23] =	ssyncset.done $0x0  }
0xa6: {  	s25 =	simm.s32 $0x1B8E;
	s24 =	sld [smem:$0x3FFE];
	[sflag:s23] =	ssyncadd.s32 $0xFFFFFFFF  }
0xa7: {  	s26 =	simm.s32 $execute0_lowered;
	[smem:$0x3FD2] =	sst s25  }
0xa8: {  	s7 =	sshll.u32 s26, $0x1;
	_ =	strace $0x80000046;
	[dreg:$0x1] =	wrdreg $0xFFFFFFFF  }
0xa9: {  	s28 =	simm.s32 $_size_execute0_lowered;
	s5 =	sadd.s32 s5, s7;
	[dreg:$0x0] =	wrdreg $0x0  }
0xaa: {  	s7 =	sshll.u32 s28, $0x1;
	[dreg:$0x2] =	wrdreg s5  }
0xab: {  	[dreg:$0x3] =	wrdreg s7  }
0xac: {  	[dreg:$0x4] =	wrdreg $0xC0  }
0xad: {  	_ =	task [dreg:s9], $0x5FFFF  }
0xae: {  	[dreg:$0x1] =	wrdreg $0xFFFFFFFF  }
0xaf: {  	[dreg:$0x0] =	wrdreg $0x60  }
0xb0: {  	[dreg:$0x2] =	wrdreg s2  }
0xb1: {  	[dreg:$0x3] =	wrdreg s18  }
0xb2: {  	[dreg:$0x4] =	wrdreg s24  }
0xb3: {  	[dreg:$0x5] =	wrdreg s4  }
0xb4: {  	[dreg:$0x6] =	wrdreg $0x9  }
0xb5: {  	_ =	task.clear_ibuf [dreg:s9], $0x7FFFF;
	_ =	strace $0x90000046  }
0xb6: {  	s29 =	simm.s32 $0x9;
	_ =	strace $0x80000048  }
0xb7: {  	_ =	swait.ge [sflag:s29], $0x1  }
0xb8: {  	[sflag:s29] =	ssyncadd.s32 $0xFFFFFFFF  }
0xb9: {  	_ =	strace $0x90000048  }
0xba: {  	_ =	sfence  }
0xbb: {  	s30 =	sld [smem:$0x0];
	_ =	sdelay $0x2  }
0xbc: {  	s31 =	sshll.u32 s1, $0xD;
	s1 =	sshrl.u32 s1, $0x2  }
0xbd: {  	s3 =	sand.u32 $0x4000, s31;
	s1 =	sadd.s32 s1, s30  }
0xbe: {  	s0 =	sor.u32 s3, s0;
	s1 =	sshll.u32 s1, $0x11  }
0xbf: {  	s0 =	sor.u32 s1, s0  }
0xc0: {  	s0 =	sadd.s32 $0x8F2B, s0  }
0xc1: {  	[sflag:s0] =	ssyncadd.remote.s32 $0x1  }
0xc2: {  	_ =	sfence.sel $0xFFFF  }
0xc3: {  	[dreg:$0x0] =	wrdreg $0xFFFFFFFF;
	(pc) =	sbr.abs _section_cstart, $3  }
0xc4: {  	[dreg:$0x1] =	wrdreg $0xFFFFFFFF  }
0xc5: {  	_ =	task.clear_ibuf [dreg:s9], $0x2FFFF;
	_ =	strace $0x9FFFFFFF  }
0xc6: {  	(tm) =	ssettm $0x7FFFFFFF  }
0xc7: {  	_ =	shalt  }
tec
execute0_lowered:
.L_overlay_start_1:
0x0: {  	(tag) =	ssettag $0x1  }
0x1: {  	s0 =	srdreg.scid;
	s1 =	stileid.u32  }
0x2: {  	s0 =	sand.u32 $0x1, s0;
	s1 =	sshll.u32 s1, $0x1  }
0x3: {  	s3 =	sor.u32 s0, s1  }
0x4: {  	s1 =	smul.u32 $0xF, s3  }
0x5: {  	s4 =	smul.u32 $0x3C000, s3  }
0x6: {  	s2 =	rddreg [dreg:$0x3];
	s21 =	ssub.s32 $0x2, s0;
	s3 =	smul.u32 $0x380, s3  }
0x7: {  	s5 =	simm.s32 $0x0;
	s28 =	rddreg [dreg:$0x0];
	s6 =	sshrl.u32 s21, $0x1  }
0x8: {  	[smem:$0x7FF] =	sst s5;
	s5 =	ssub.s32 s21, s6;
	s22 =	sor.u32 s3, s4  }
0x9: {  	s23 =	sadd.s32 $0x1, s1;
	s30 =	sadd.s32 $0x2, s1;
	s8 =	sadd.s32 $0x3, s1  }
0xa: {  	s12 =	sadd.s32 $0x4, s1;
	s14 =	sadd.s32 $0x5, s1;
	s16 =	sadd.s32 $0x6, s1  }
0xb: {  	s20 =	sadd.s32 $0xA, s1;
	s5 =	smax.u32 s5, $0x1;
	s0 =	sand.u32 $0x7E0380, s22  }
0xc: {  	s24 =	sshll.u32 s23, $0xB;
	s3 =	sshll.u32 s23, $0x4;
	s7 =	sshll.u32 s30, $0xB  }
0xd: {  	s31 =	sshll.u32 s8, $0xB;
	s8 =	sshll.u32 s8, $0x4;
	s13 =	sshll.u32 s12, $0xB  }
0xe: {  	s15 =	sshll.u32 s14, $0xB;
	s17 =	sshll.u32 s16, $0xB;
	s21 =	sshll.u32 s20, $0xB  }
0xf: {  	s25 =	sshrl.u32 s0, $0x3;
	s4 =	sor.u32 s3, s24;
	s3 =	sadd.s32 $0x2000, s2  }
0x10: {  	s9 =	sor.u32 s8, s31;
	s24 =	sadd.s32 $0xD, s1;
	s26 =	sadd.s32 s2, s25  }
0x11: {  	s4 =	sand.u32 $0xFFFC070, s4;
	s6 =	sadd.s32 s25, s3;
	s11 =	sand.u32 $0xFFFC070, s9  }
0x12: {  	s9 =	sadd.s32 $0x7, s1;
	s25 =	sshll.u32 s24, $0xB;
	[dreg:$0x5] =	wrdreg s26  }
0x13: {  	[dreg:$0x6] =	wrdreg s6;
	s29 =	sadd.s32 s2, s4;
	s6 =	sshll.u32 s30, $0x4  }
0x14: {  	s4 =	sadd.s32 s4, s3;
	s18 =	sshll.u32 s9, $0xB;
	s6 =	sor.u32 s6, s7  }
0x15: {  	s9 =	sshll.u32 s9, $0x4;
	[dreg:$0x7] =	wrdreg s29;
	s6 =	sand.u32 $0xFFFC070, s6  }
0x16: {  	[dreg:$0x8] =	wrdreg s4;
	s7 =	sshll.u32 s14, $0x4;
	s10 =	sadd.s32 s2, s6  }
0x17: {  	s8 =	sor.u32 s9, s18;
	s4 =	sadd.s32 s6, s3;
	[dreg:$0x9] =	wrdreg s10  }
0x18: {  	s9 =	simm.s32 $0x400;
	s6 =	sadd.s32 s2, s11;
	[dreg:$0xa] =	wrdreg s4  }
0x19: {  	s8 =	sand.u32 $0xFFFC070, s8;
	[dreg:$0xb] =	wrdreg s6;
	s4 =	sadd.s32 s11, s3  }
0x1a: {  	s6 =	sor.u32 s7, s15;
	s7 =	sshll.u32 s16, $0x4;
	s10 =	sadd.s32 $0x9, s1  }
0x1b: {  	s15 =	sadd.s32 $0xE, s1;
	s16 =	sadd.s32 s2, s8;
	[dreg:$0xc] =	wrdreg s4  }
0x1c: {  	s4 =	sshll.u32 s12, $0x4;
	s7 =	sor.u32 s7, s17;
	s11 =	sshll.u32 s10, $0xB  }
0x1d: {  	s10 =	sshll.u32 s10, $0x4;
	s12 =	sadd.s32 $0xB, s1;
	s26 =	sshll.u32 s15, $0xB  }
0x1e: {  	s15 =	sshll.u32 s15, $0x4;
	s6 =	sand.u32 $0xFFFC070, s6;
	[dreg:$0x13] =	wrdreg s16  }
0x1f: {  	s17 =	sadd.s32 $0x20000, s0;
	s0 =	sadd.s32 $0x30000, s0;
	s16 =	simm.s32 $0x1  }
0x20: {  	s4 =	sor.u32 s4, s13;
	s19 =	sor.u32 s10, s11;
	s10 =	sshll.u32 s20, $0x4  }
0x21: {  	s22 =	sshll.u32 s12, $0xB;
	s13 =	sadd.s32 $0xC, s1;
	s12 =	sshll.u32 s12, $0x4  }
0x22: {  	s30 =	sand.u32 $0xFFFC070, s7;
	s31 =	sadd.s32 s2, s6;
	s6 =	sadd.s32 s6, s3  }
0x23: {  	s0 =	sshrl.u32 s0, $0x3;
	s7 =	simm.s32 $0x3;
	s4 =	sand.u32 $0xFFFC070, s4  }
0x24: {  	s10 =	sor.u32 s10, s21;
	s14 =	sshll.u32 s13, $0xB;
	[dreg:$0xf] =	wrdreg s31  }
0x25: {  	s13 =	sshll.u32 s13, $0x4;
	s11 =	sor.u32 s12, s22;
	[dreg:$0x10] =	wrdreg s6  }
0x26: {  	s6 =	sadd.s32 s8, s3;
	s18 =	sand.u32 $0xFFFC070, s19;
	s0 =	sadd.s32 s2, s0  }
0x27: {  	s8 =	simm.s32 $0x80;
	s12 =	simm.s32 $0x8000;
	s23 =	sor.u32 s13, s14  }
0x28: {  	s13 =	sshll.u32 s24, $0x4;
	s14 =	sor.u32 s15, s26;
	s29 =	sadd.s32 s2, s4  }
0x29: {  	s4 =	sadd.s32 s4, s3;
	s15 =	sadd.s32 s2, s30;
	[dreg:$0x14] =	wrdreg s6  }
0x2a: {  	[dreg:$0x16] =	wrdreg s0;
	s19 =	sand.u32 $0xFFFC070, s10;
	s20 =	sadd.s32 s2, s18  }
0x2b: {  	s21 =	sand.u32 $0xFFFC070, s11;
	s6 =	sadd.s32 $0x2000, s28;
	[dreg:$0xd] =	wrdreg s29  }
0x2c: {  	s10 =	simm.s32 $0x4000;
	s11 =	simm.s32 $0x6000;
	[dreg:$0xe] =	wrdreg s4  }
0x2d: {  	s13 =	sor.u32 s13, s25;
	[dreg:$0x11] =	wrdreg s15;
	s4 =	sadd.s32 s30, s3  }
0x2e: {  	[dreg:$0x17] =	wrdreg s20;
	s22 =	sadd.s32 s2, s19;
	s0 =	sadd.s32 s19, s3  }
0x2f: {  	s23 =	sand.u32 $0xFFFC070, s23;
	s24 =	sadd.s32 s2, s21;
	s30 =	rddreg [dreg:$0x2]  }
0x30: {  	s29 =	sand.u32 $0xFFFC070, s14;
	s14 =	simm.s32 $0xC000;
	[dreg:$0x12] =	wrdreg s4  }
0x31: {  	s15 =	simm.s32 $0xE000;
	s19 =	simm.s32 $0x14000;
	[dreg:$0x19] =	wrdreg s22  }
0x32: {  	s20 =	simm.s32 $0x16000;
	s4 =	sshrl.u32 s17, $0x3;
	[dreg:$0x1a] =	wrdreg s0  }
0x33: {  	[dreg:$0x1b] =	wrdreg s24;
	s25 =	sadd.s32 s2, s23;
	s0 =	sadd.s32 s23, s3  }
0x34: {  	s26 =	sand.u32 $0xFFFC070, s13;
	s13 =	simm.s32 $0xA000;
	[dreg:$0x1d] =	wrdreg s25  }
0x35: {  	s17 =	simm.s32 $0x10000;
	s4 =	sadd.s32 s2, s4;
	[dreg:$0x1e] =	wrdreg s0  }
0x36: {  	s22 =	simm.s32 $0x1A000;
	s31 =	sadd.s32 s2, s26;
	[dreg:$0x15] =	wrdreg s4  }
0x37: {  	s23 =	simm.s32 $0x2;
	s0 =	sadd.s32 s26, s3;
	[dreg:$0x1f] =	wrdreg s31  }
0x38: {  	s24 =	simm.s32 $0x0;
	s4 =	sadd.s32 s18, s3;
	[smem:$0x7FD] =	sst s0  }
0x39: {  	s2 =	sadd.s32 s2, s29;
	[dreg:$0x18] =	wrdreg s4;
	s4 =	sadd.s32 s21, s3  }
0x3a: {  	s18 =	simm.s32 $0x12000;
	s3 =	sadd.s32 s29, s3;
	[dreg:$0x1c] =	wrdreg s4  }
0x3b: {  	s21 =	simm.s32 $0x18000;
	s4 =	sadd.s32 $0x400, s30;
	_ =	strace $0x80000047  }
.LBB2_1:
0x3c: {  	s0 =	simm.s32 $0x0;
	s25 =	rddreg [dreg:$0x1]  }
0x3d: {  	[tilespmem:s0], [sflag:$0x3] =	stream.linear.gather [hbm4b:s25+s0], $0x4000, $0x38;
	[tilespmem:$0x1C080] =	vst v63  }
0x3e: {  	_ =	swait.ge [sflag:s7], $0x4000  }
0x3f: {  	[sflag:s7] =	ssyncset.done $0x0  }
0x40: {  	s26 =	simm.s32 $0x1C000;
	[sflag:s7] =	ssyncadd.s32 $0xFFFFC000  }
0x41: {  	[tilespmem:s26], [sflag:$0x3] =	stream.linear.gather [hbm4b:s4+s0], $0x80, $0x38;
	[tilespmem:$0x1C080] =	vst v63  }
0x42: {  	_ =	swait.ge [sflag:s7], $0x80  }
0x43: {  	[sflag:s7] =	ssyncset.done $0x0  }
0x44: {  	[sflag:s7] =	ssyncadd.s32 $0xFFFFFF80  }
0x45: {  	v0 =	vld [tilespmem:$0x1C000];
	_ =	sdelay $0x4  }
0x46: {  	v0 =	vxor.u32 $0x80000000, v0  }
0x47: {  	(xrf0) =	vmin.scan.msk.u32 $0xffff, v0;
	_ =	sdelay $0x5  }
0x48: {  	v0, _, _ =	vpop (xrf0)  }
0x49: {  	(v2sf) =	vpush v0, $0xF;
	_ =	sdelay $0xe  }
0x4a: {  	s26 =	spop (v2sf)  }
0x4b: {  	s25 =	sadd.s32 s1, s26  }
0x4c: {  	s0 =	sshll.u32 s25, $0xE;
	s29 =	sshll.u32 s25, $0x7  }
0x4d: {  	s26 =	sand.u32 $0xFFFE0000, s0;
	s29 =	sand.u32 $0x380, s29  }
0x4e: {  	s0 =	sor.u32 s29, s26  }
0x4f: {  	s0 =	sshrl.u32 s0, $0x3  }
0x50: {  	s30 =	sadd.s32 s28, s0  }
0x51: {  	[tilespmem:s10], [sflag:$0x1] =	stream.strided.gather [hbm4b:s30+s8], $0x2000, s9, s8, $0x38;
	[tilespmem:$0x1C080] =	vst v63  }
0x52: {  	s0 =	sadd.s32 s0, s6  }
0x53: {  	[tilespmem:s11], [sflag:$0x1] =	stream.strided.gather [hbm4b:s0+s8], $0x2000, s9, s8, $0x38;
	[tilespmem:$0x1C080] =	vst v63  }
0x54: {  	s0 =	sadd.s32 $0x1, s25  }
0x55: {  	s30 =	sshll.u32 s0, $0xE;
	s0 =	sshll.u32 s0, $0x7  }
0x56: {  	s30 =	sand.u32 $0xFFFE0000, s30;
	s0 =	sand.u32 $0x380, s0  }
0x57: {  	s0 =	sor.u32 s0, s30  }
0x58: {  	s0 =	sshrl.u32 s0, $0x3  }
0x59: {  	s30 =	sadd.s32 s28, s0  }
0x5a: {  	[tilespmem:s12], [sflag:$0x1] =	stream.strided.gather [hbm4b:s30+s8], $0x2000, s9, s8, $0x38;
	[tilespmem:$0x1C080] =	vst v63  }
0x5b: {  	s0 =	sadd.s32 s0, s6  }
0x5c: {  	[tilespmem:s13], [sflag:$0x1] =	stream.strided.gather [hbm4b:s0+s8], $0x2000, s9, s8, $0x38;
	[tilespmem:$0x1C080] =	vst v63  }
0x5d: {  	s0 =	sadd.s32 $0x2, s25  }
0x5e: {  	s30 =	sshll.u32 s0, $0xE;
	s0 =	sshll.u32 s0, $0x7  }
0x5f: {  	s30 =	sand.u32 $0xFFFE0000, s30;
	s0 =	sand.u32 $0x380, s0  }
0x60: {  	s0 =	sor.u32 s0, s30  }
0x61: {  	s0 =	sshrl.u32 s0, $0x3  }
0x62: {  	s30 =	sadd.s32 s28, s0  }
0x63: {  	[tilespmem:s14], [sflag:$0x1] =	stream.strided.gather [hbm4b:s30+s8], $0x2000, s9, s8, $0x38;
	[tilespmem:$0x1C080] =	vst v63  }
0x64: {  	s0 =	sadd.s32 s0, s6  }
0x65: {  	[tilespmem:s15], [sflag:$0x1] =	stream.strided.gather [hbm4b:s0+s8], $0x2000, s9, s8, $0x38;
	[tilespmem:$0x1C080] =	vst v63  }
0x66: {  	s0 =	sadd.s32 $0x3, s25;
	_ =	swait.ge [sflag:s16], $0x2000  }
0x67: {  	s30 =	sshll.u32 s0, $0xE;
	s0 =	sshll.u32 s0, $0x7;
	[sflag:s16] =	ssyncset.done $0x0  }
0x68: {  	s30 =	sand.u32 $0xFFFE0000, s30;
	s0 =	sand.u32 $0x380, s0;
	[sflag:s16] =	ssyncadd.s32 $0xFFFFE000  }
0x69: {  	s0 =	sor.u32 s0, s30;
	_ =	swait.ge [sflag:s16], $0x2000  }
0x6a: {  	s0 =	sshrl.u32 s0, $0x3;
	[sflag:s16] =	ssyncset.done $0x0  }
0x6b: {  	s30 =	sadd.s32 s28, s0;
	[sflag:s16] =	ssyncadd.s32 $0xFFFFE000  }
0x6c: {  	[tilespmem:s17], [sflag:$0x1] =	stream.strided.gather [hbm4b:s30+s8], $0x2000, s9, s8, $0x38;
	[tilespmem:$0x1C080] =	vst v63  }
0x6d: {  	s0 =	sadd.s32 s0, s6  }
0x6e: {  	[tilespmem:s18], [sflag:$0x1] =	stream.strided.gather [hbm4b:s0+s8], $0x2000, s9, s8, $0x38;
	[tilespmem:$0x1C080] =	vst v63  }
0x6f: {  	s0 =	simm.s32 $0x40  }
0x70: {  	v0 =	vld [tilespmem:s0+$0x30]  }
0x71: {  	v1 =	vld [tilespmem:s0+$0xFFFFFFD0]  }
0x72: {  	v2 =	vld [tilespmem:s0+$0xFFFFFFE0]  }
0x73: {  	v3 =	vld [tilespmem:s0+$0xFFFFFFF0]  }
0x74: {  	v4 =	vld [tilespmem:s0+$0x0]  }
0x75: {  	v6 =	vld [tilespmem:s0+$0x10]  }
0x76: {  	v7 =	vld [tilespmem:s0+$0x20]  }
0x77: {  	v8 =	vld [tilespmem:s0+$0xFFFFFFC0]  }
0x78: {  	v9 =	vld.idx.msk [tilespmem:v0+s10+$0x0], $0xffff  }
0x79: {  	v10 =	vld.idx.msk [tilespmem:v1+s10+$0x0], $0xffff  }
0x7a: {  	v5 =	vld.idx.msk [tilespmem:v2+s10+$0x0], $0xffff  }
0x7b: {  	v3 =	vld.idx.msk [tilespmem:v3+s10+$0x0], $0xffff  }
0x7c: {  	v0 =	vld.idx.msk [tilespmem:v4+s10+$0x0], $0xffff  }
0x7d: {  	s30 =	simm.s32 $0x14040;
	v1 =	vld.idx.msk [tilespmem:v6+s10+$0x0], $0xffff  }
0x7e: {  	v2 =	vld.idx.msk [tilespmem:v7+s10+$0x0], $0xffff;
	[tilespmem:s30+$0x30] =	vst v9  }
0x7f: {  	s31 =	simm.s32 $0xC0;
	s0 =	simm.s32 $0x0;
	v4 =	vld.idx.msk [tilespmem:v8+s10+$0x0], $0xffff;
	[tilespmem:s30+$0xFFFFFFD0] =	vst v10  }
.LBB2_2:
0x80: {  	v6 =	vld [tilespmem:s31+$0x30];
	s0 =	sadd.s32 $0x8, s0;
	[tilespmem:s30+$0xFFFFFFE0] =	vst v5  }
0x81: {  	v5 =	vld [tilespmem:s31+$0xFFFFFFD0];
	p0 =	slt.u32 s0, $0x3F8;
	[tilespmem:s30+$0xFFFFFFF0] =	vst v3  }
0x82: {  	v3 =	vld [tilespmem:s31+$0xFFFFFFE0];
	[tilespmem:s30+$0x0] =	vst v0  }
0x83: {  	v0 =	vld [tilespmem:s31+$0xFFFFFFF0];
	[tilespmem:s30+$0x10] =	vst v1  }
0x84: {  	v1 =	vld [tilespmem:s31+$0x0];
	[tilespmem:s30+$0x20] =	vst v2  }
0x85: {  	v2 =	vld [tilespmem:s31+$0x10];
	[tilespmem:s30+$0xFFFFFFC0] =	vst v4  }
0x86: {  	v4 =	vld [tilespmem:s31+$0x20]  }
0x87: {  	v7 =	vld [tilespmem:s31+$0xFFFFFFC0]  }
0x88: {  	v6 =	vld.idx.msk [tilespmem:v6+s10+$0x0], $0xffff  }
0x89: {  	v8 =	vld.idx.msk [tilespmem:v5+s10+$0x0], $0xffff  }
0x8a: {  	v5 =	vld.idx.msk [tilespmem:v3+s10+$0x0], $0xffff  }
.Ltmp0:
0x8b: {  	v3 =	vld.idx.msk [tilespmem:v0+s10+$0x0], $0xffff;
	(pc) =	sbr.rel @p0 .LBB2_2-.Ltmp0, $4  }
0x8c: {  	v0 =	vld.idx.msk [tilespmem:v1+s10+$0x0], $0xffff  }
0x8d: {  	s30 =	sadd.s32 $0x80, s30;
	v1 =	vld.idx.msk [tilespmem:v2+s10+$0x0], $0xffff  }
0x8e: {  	v2 =	vld.idx.msk [tilespmem:v4+s10+$0x0], $0xffff;
	[tilespmem:s30+$0x30] =	vst v6  }
0x8f: {  	s31 =	sadd.s32 $0x80, s31;
	v4 =	vld.idx.msk [tilespmem:v7+s10+$0x0], $0xffff;
	[tilespmem:s30+$0xFFFFFFD0] =	vst v8  }
0x90: {  	[tilespmem:s30+$0xFFFFFFE0] =	vst v5  }
0x91: {  	[tilespmem:s30+$0xFFFFFFF0] =	vst v3  }
0x92: {  	[tilespmem:s30+$0x0] =	vst v0  }
0x93: {  	[tilespmem:s30+$0x10] =	vst v1  }
0x94: {  	[tilespmem:s30+$0x20] =	vst v2  }
0x95: {  	[tilespmem:s30+$0xFFFFFFC0] =	vst v4  }
0x96: {  	s0 =	rddreg [dreg:$0x5]  }
0x97: {  	[hbm4b:s0+s8] =	stream.strided.scatter [tilespmem:s19], [sflag:$0x2], $0x2000, s9, s8, $0x38;
	[tilespmem:$0x1C080] =	vst v63  }
0x98: {  	s0 =	rddreg [dreg:$0x6]  }
0x99: {  	[hbm4b:s0+s8] =	stream.strided.scatter [tilespmem:s20], [sflag:$0x2], $0x2000, s9, s8, $0x38;
	[tilespmem:$0x1C080] =	vst v63  }
0x9a: {  	s0 =	sadd.s32 $0x4, s25;
	_ =	swait.ge [sflag:s16], $0x2000  }
0x9b: {  	s30 =	sshll.u32 s0, $0xE;
	s0 =	sshll.u32 s0, $0x7;
	[sflag:s16] =	ssyncset.done $0x0  }
0x9c: {  	s30 =	sand.u32 $0xFFFE0000, s30;
	s0 =	sand.u32 $0x380, s0;
	[sflag:s16] =	ssyncadd.s32 $0xFFFFE000  }
0x9d: {  	s0 =	sor.u32 s0, s30;
	_ =	swait.ge [sflag:s16], $0x2000  }
0x9e: {  	s0 =	sshrl.u32 s0, $0x3;
	[sflag:s16] =	ssyncset.done $0x0  }
0x9f: {  	s30 =	sadd.s32 s28, s0;
	[sflag:s16] =	ssyncadd.s32 $0xFFFFE000  }
0xa0: {  	[tilespmem:s10], [sflag:$0x1] =	stream.strided.gather [hbm4b:s30+s8], $0x2000, s9, s8, $0x38;
	[tilespmem:$0x1C080] =	vst v63  }
0xa1: {  	s0 =	sadd.s32 s0, s6  }
0xa2: {  	[tilespmem:s11], [sflag:$0x1] =	stream.strided.gather [hbm4b:s0+s8], $0x2000, s9, s8, $0x38;
	[tilespmem:$0x1C080] =	vst v63  }
0xa3: {  	s0 =	simm.s32 $0x40  }
0xa4: {  	v0 =	vld [tilespmem:s0+$0x30]  }
0xa5: {  	v1 =	vld [tilespmem:s0+$0xFFFFFFD0]  }
0xa6: {  	v2 =	vld [tilespmem:s0+$0xFFFFFFE0]  }
0xa7: {  	v3 =	vld [tilespmem:s0+$0xFFFFFFF0]  }
0xa8: {  	v4 =	vld [tilespmem:s0+$0x0]  }
0xa9: {  	v6 =	vld [tilespmem:s0+$0x10]  }
0xaa: {  	v7 =	vld [tilespmem:s0+$0x20]  }
0xab: {  	v8 =	vld [tilespmem:s0+$0xFFFFFFC0]  }
0xac: {  	v9 =	vld.idx.msk [tilespmem:v0+s12+$0x0], $0xffff  }
0xad: {  	v10 =	vld.idx.msk [tilespmem:v1+s12+$0x0], $0xffff  }
0xae: {  	v5 =	vld.idx.msk [tilespmem:v2+s12+$0x0], $0xffff  }
0xaf: {  	v3 =	vld.idx.msk [tilespmem:v3+s12+$0x0], $0xffff  }
0xb0: {  	v0 =	vld.idx.msk [tilespmem:v4+s12+$0x0], $0xffff  }
0xb1: {  	s30 =	simm.s32 $0x18040;
	v1 =	vld.idx.msk [tilespmem:v6+s12+$0x0], $0xffff  }
0xb2: {  	v2 =	vld.idx.msk [tilespmem:v7+s12+$0x0], $0xffff;
	[tilespmem:s30+$0x30] =	vst v9  }
0xb3: {  	s31 =	simm.s32 $0xC0;
	s0 =	simm.s32 $0x0;
	v4 =	vld.idx.msk [tilespmem:v8+s12+$0x0], $0xffff;
	[tilespmem:s30+$0xFFFFFFD0] =	vst v10  }
.LBB2_4:
0xb4: {  	v6 =	vld [tilespmem:s31+$0x30];
	s0 =	sadd.s32 $0x8, s0;
	[tilespmem:s30+$0xFFFFFFE0] =	vst v5  }
0xb5: {  	v5 =	vld [tilespmem:s31+$0xFFFFFFD0];
	p0 =	slt.u32 s0, $0x3F8;
	[tilespmem:s30+$0xFFFFFFF0] =	vst v3  }
0xb6: {  	v3 =	vld [tilespmem:s31+$0xFFFFFFE0];
	[tilespmem:s30+$0x0] =	vst v0  }
0xb7: {  	v0 =	vld [tilespmem:s31+$0xFFFFFFF0];
	[tilespmem:s30+$0x10] =	vst v1  }
0xb8: {  	v1 =	vld [tilespmem:s31+$0x0];
	[tilespmem:s30+$0x20] =	vst v2  }
0xb9: {  	v2 =	vld [tilespmem:s31+$0x10];
	[tilespmem:s30+$0xFFFFFFC0] =	vst v4  }
0xba: {  	v4 =	vld [tilespmem:s31+$0x20]  }
0xbb: {  	v7 =	vld [tilespmem:s31+$0xFFFFFFC0]  }
0xbc: {  	v6 =	vld.idx.msk [tilespmem:v6+s12+$0x0], $0xffff  }
0xbd: {  	v8 =	vld.idx.msk [tilespmem:v5+s12+$0x0], $0xffff  }
0xbe: {  	v5 =	vld.idx.msk [tilespmem:v3+s12+$0x0], $0xffff  }
.Ltmp1:
0xbf: {  	v3 =	vld.idx.msk [tilespmem:v0+s12+$0x0], $0xffff;
	(pc) =	sbr.rel @p0 .LBB2_4-.Ltmp1, $4  }
0xc0: {  	v0 =	vld.idx.msk [tilespmem:v1+s12+$0x0], $0xffff  }
0xc1: {  	s30 =	sadd.s32 $0x80, s30;
	v1 =	vld.idx.msk [tilespmem:v2+s12+$0x0], $0xffff  }
0xc2: {  	v2 =	vld.idx.msk [tilespmem:v4+s12+$0x0], $0xffff;
	[tilespmem:s30+$0x30] =	vst v6  }
0xc3: {  	s31 =	sadd.s32 $0x80, s31;
	v4 =	vld.idx.msk [tilespmem:v7+s12+$0x0], $0xffff;
	[tilespmem:s30+$0xFFFFFFD0] =	vst v8  }
0xc4: {  	[tilespmem:s30+$0xFFFFFFE0] =	vst v5  }
0xc5: {  	[tilespmem:s30+$0xFFFFFFF0] =	vst v3  }
0xc6: {  	[tilespmem:s30+$0x0] =	vst v0  }
0xc7: {  	[tilespmem:s30+$0x10] =	vst v1  }
0xc8: {  	[tilespmem:s30+$0x20] =	vst v2  }
0xc9: {  	[tilespmem:s30+$0xFFFFFFC0] =	vst v4  }
0xca: {  	s0 =	rddreg [dreg:$0x7]  }
0xcb: {  	[hbm4b:s0+s8] =	stream.strided.scatter [tilespmem:s21], [sflag:$0x2], $0x2000, s9, s8, $0x38;
	[tilespmem:$0x1C080] =	vst v63  }
0xcc: {  	s0 =	rddreg [dreg:$0x8]  }
0xcd: {  	[hbm4b:s0+s8] =	stream.strided.scatter [tilespmem:s22], [sflag:$0x2], $0x2000, s9, s8, $0x38;
	[tilespmem:$0x1C080] =	vst v63  }
0xce: {  	s0 =	sadd.s32 $0x5, s25;
	_ =	swait.ge [sflag:s16], $0x2000  }
0xcf: {  	s30 =	sshll.u32 s0, $0xE;
	s0 =	sshll.u32 s0, $0x7;
	[sflag:s16] =	ssyncset.done $0x0  }
0xd0: {  	s30 =	sand.u32 $0xFFFE0000, s30;
	s0 =	sand.u32 $0x380, s0;
	[sflag:s16] =	ssyncadd.s32 $0xFFFFE000  }
0xd1: {  	s0 =	sor.u32 s0, s30;
	_ =	swait.ge [sflag:s16], $0x2000  }
0xd2: {  	s0 =	sshrl.u32 s0, $0x3;
	[sflag:s16] =	ssyncset.done $0x0  }
0xd3: {  	s30 =	sadd.s32 s28, s0;
	[sflag:s16] =	ssyncadd.s32 $0xFFFFE000  }
0xd4: {  	[tilespmem:s12], [sflag:$0x1] =	stream.strided.gather [hbm4b:s30+s8], $0x2000, s9, s8, $0x38;
	[tilespmem:$0x1C080] =	vst v63  }
0xd5: {  	s0 =	sadd.s32 s0, s6  }
0xd6: {  	[tilespmem:s13], [sflag:$0x1] =	stream.strided.gather [hbm4b:s0+s8], $0x2000, s9, s8, $0x38;
	[tilespmem:$0x1C080] =	vst v63  }
0xd7: {  	_ =	swait.ge [sflag:s23], $0x2000  }
0xd8: {  	[sflag:s23] =	ssyncset.done $0x0  }
0xd9: {  	[sflag:s23] =	ssyncadd.s32 $0xFFFFE000  }
0xda: {  	_ =	swait.ge [sflag:s23], $0x2000  }
0xdb: {  	[sflag:s23] =	ssyncset.done $0x0  }
0xdc: {  	s0 =	simm.s32 $0x40;
	[sflag:s23] =	ssyncadd.s32 $0xFFFFE000  }
0xdd: {  	v0 =	vld [tilespmem:s0+$0x30]  }
0xde: {  	v1 =	vld [tilespmem:s0+$0xFFFFFFD0]  }
0xdf: {  	v2 =	vld [tilespmem:s0+$0xFFFFFFE0]  }
0xe0: {  	v3 =	vld [tilespmem:s0+$0xFFFFFFF0]  }
0xe1: {  	v4 =	vld [tilespmem:s0+$0x0]  }
0xe2: {  	v6 =	vld [tilespmem:s0+$0x10]  }
0xe3: {  	v7 =	vld [tilespmem:s0+$0x20]  }
0xe4: {  	v8 =	vld [tilespmem:s0+$0xFFFFFFC0]  }
0xe5: {  	v9 =	vld.idx.msk [tilespmem:v0+s14+$0x0], $0xffff  }
0xe6: {  	v10 =	vld.idx.msk [tilespmem:v1+s14+$0x0], $0xffff  }
0xe7: {  	v5 =	vld.idx.msk [tilespmem:v2+s14+$0x0], $0xffff  }
0xe8: {  	v3 =	vld.idx.msk [tilespmem:v3+s14+$0x0], $0xffff  }
0xe9: {  	v0 =	vld.idx.msk [tilespmem:v4+s14+$0x0], $0xffff  }
0xea: {  	s30 =	simm.s32 $0x14040;
	v1 =	vld.idx.msk [tilespmem:v6+s14+$0x0], $0xffff  }
0xeb: {  	v2 =	vld.idx.msk [tilespmem:v7+s14+$0x0], $0xffff;
	[tilespmem:s30+$0x30] =	vst v9  }
0xec: {  	s31 =	simm.s32 $0xC0;
	s0 =	simm.s32 $0x0;
	v4 =	vld.idx.msk [tilespmem:v8+s14+$0x0], $0xffff;
	[tilespmem:s30+$0xFFFFFFD0] =	vst v10  }
.LBB2_6:
0xed: {  	v6 =	vld [tilespmem:s31+$0x30];
	s0 =	sadd.s32 $0x8, s0;
	[tilespmem:s30+$0xFFFFFFE0] =	vst v5  }
0xee: {  	v5 =	vld [tilespmem:s31+$0xFFFFFFD0];
	p0 =	slt.u32 s0, $0x3F8;
	[tilespmem:s30+$0xFFFFFFF0] =	vst v3  }
0xef: {  	v3 =	vld [tilespmem:s31+$0xFFFFFFE0];
	[tilespmem:s30+$0x0] =	vst v0  }
0xf0: {  	v0 =	vld [tilespmem:s31+$0xFFFFFFF0];
	[tilespmem:s30+$0x10] =	vst v1  }
0xf1: {  	v1 =	vld [tilespmem:s31+$0x0];
	[tilespmem:s30+$0x20] =	vst v2  }
0xf2: {  	v2 =	vld [tilespmem:s31+$0x10];
	[tilespmem:s30+$0xFFFFFFC0] =	vst v4  }
0xf3: {  	v4 =	vld [tilespmem:s31+$0x20]  }
0xf4: {  	v7 =	vld [tilespmem:s31+$0xFFFFFFC0]  }
0xf5: {  	v6 =	vld.idx.msk [tilespmem:v6+s14+$0x0], $0xffff  }
0xf6: {  	v8 =	vld.idx.msk [tilespmem:v5+s14+$0x0], $0xffff  }
0xf7: {  	v5 =	vld.idx.msk [tilespmem:v3+s14+$0x0], $0xffff  }
.Ltmp2:
0xf8: {  	v3 =	vld.idx.msk [tilespmem:v0+s14+$0x0], $0xffff;
	(pc) =	sbr.rel @p0 .LBB2_6-.Ltmp2, $4  }
0xf9: {  	v0 =	vld.idx.msk [tilespmem:v1+s14+$0x0], $0xffff  }
0xfa: {  	s30 =	sadd.s32 $0x80, s30;
	v1 =	vld.idx.msk [tilespmem:v2+s14+$0x0], $0xffff  }
0xfb: {  	v2 =	vld.idx.msk [tilespmem:v4+s14+$0x0], $0xffff;
	[tilespmem:s30+$0x30] =	vst v6  }
0xfc: {  	s31 =	sadd.s32 $0x80, s31;
	v4 =	vld.idx.msk [tilespmem:v7+s14+$0x0], $0xffff;
	[tilespmem:s30+$0xFFFFFFD0] =	vst v8  }
0xfd: {  	[tilespmem:s30+$0xFFFFFFE0] =	vst v5  }
0xfe: {  	[tilespmem:s30+$0xFFFFFFF0] =	vst v3  }
0xff: {  	[tilespmem:s30+$0x0] =	vst v0  }
0x100: {  	[tilespmem:s30+$0x10] =	vst v1  }
0x101: {  	[tilespmem:s30+$0x20] =	vst v2  }
0x102: {  	[tilespmem:s30+$0xFFFFFFC0] =	vst v4  }
0x103: {  	s0 =	rddreg [dreg:$0x9]  }
0x104: {  	[hbm4b:s0+s8] =	stream.strided.scatter [tilespmem:s19], [sflag:$0x2], $0x2000, s9, s8, $0x38;
	[tilespmem:$0x1C080] =	vst v63  }
0x105: {  	s0 =	rddreg [dreg:$0xa]  }
0x106: {  	[hbm4b:s0+s8] =	stream.strided.scatter [tilespmem:s20], [sflag:$0x2], $0x2000, s9, s8, $0x38;
	[tilespmem:$0x1C080] =	vst v63  }
0x107: {  	s0 =	sadd.s32 $0x6, s25;
	_ =	swait.ge [sflag:s16], $0x2000  }
0x108: {  	s30 =	sshll.u32 s0, $0xE;
	s0 =	sshll.u32 s0, $0x7;
	[sflag:s16] =	ssyncset.done $0x0  }
0x109: {  	s30 =	sand.u32 $0xFFFE0000, s30;
	s0 =	sand.u32 $0x380, s0;
	[sflag:s16] =	ssyncadd.s32 $0xFFFFE000  }
0x10a: {  	s0 =	sor.u32 s0, s30;
	_ =	swait.ge [sflag:s16], $0x2000  }
0x10b: {  	s0 =	sshrl.u32 s0, $0x3;
	[sflag:s16] =	ssyncset.done $0x0  }
0x10c: {  	s30 =	sadd.s32 s28, s0;
	[sflag:s16] =	ssyncadd.s32 $0xFFFFE000  }
0x10d: {  	[tilespmem:s14], [sflag:$0x1] =	stream.strided.gather [hbm4b:s30+s8], $0x2000, s9, s8, $0x38;
	[tilespmem:$0x1C080] =	vst v63  }
0x10e: {  	s0 =	sadd.s32 s0, s6  }
0x10f: {  	[tilespmem:s15], [sflag:$0x1] =	stream.strided.gather [hbm4b:s0+s8], $0x2000, s9, s8, $0x38;
	[tilespmem:$0x1C080] =	vst v63  }
0x110: {  	_ =	swait.ge [sflag:s23], $0x2000  }
0x111: {  	[sflag:s23] =	ssyncset.done $0x0  }
0x112: {  	[sflag:s23] =	ssyncadd.s32 $0xFFFFE000  }
0x113: {  	_ =	swait.ge [sflag:s23], $0x2000  }
0x114: {  	[sflag:s23] =	ssyncset.done $0x0  }
0x115: {  	s0 =	simm.s32 $0x40;
	[sflag:s23] =	ssyncadd.s32 $0xFFFFE000  }
0x116: {  	v0 =	vld [tilespmem:s0+$0x30]  }
0x117: {  	v1 =	vld [tilespmem:s0+$0xFFFFFFD0]  }
0x118: {  	v2 =	vld [tilespmem:s0+$0xFFFFFFE0]  }
0x119: {  	v3 =	vld [tilespmem:s0+$0xFFFFFFF0]  }
0x11a: {  	v4 =	vld [tilespmem:s0+$0x0]  }
0x11b: {  	v6 =	vld [tilespmem:s0+$0x10]  }
0x11c: {  	v7 =	vld [tilespmem:s0+$0x20]  }
0x11d: {  	v8 =	vld [tilespmem:s0+$0xFFFFFFC0]  }
0x11e: {  	v9 =	vld.idx.msk [tilespmem:v0+s17+$0x0], $0xffff  }
0x11f: {  	v10 =	vld.idx.msk [tilespmem:v1+s17+$0x0], $0xffff  }
0x120: {  	v5 =	vld.idx.msk [tilespmem:v2+s17+$0x0], $0xffff  }
0x121: {  	v3 =	vld.idx.msk [tilespmem:v3+s17+$0x0], $0xffff  }
0x122: {  	v0 =	vld.idx.msk [tilespmem:v4+s17+$0x0], $0xffff  }
0x123: {  	s30 =	simm.s32 $0x18040;
	v1 =	vld.idx.msk [tilespmem:v6+s17+$0x0], $0xffff  }
0x124: {  	v2 =	vld.idx.msk [tilespmem:v7+s17+$0x0], $0xffff;
	[tilespmem:s30+$0x30] =	vst v9  }
0x125: {  	s31 =	simm.s32 $0xC0;
	s0 =	simm.s32 $0x0;
	v4 =	vld.idx.msk [tilespmem:v8+s17+$0x0], $0xffff;
	[tilespmem:s30+$0xFFFFFFD0] =	vst v10  }
.LBB2_8:
0x126: {  	v6 =	vld [tilespmem:s31+$0x30];
	s0 =	sadd.s32 $0x8, s0;
	[tilespmem:s30+$0xFFFFFFE0] =	vst v5  }
0x127: {  	v5 =	vld [tilespmem:s31+$0xFFFFFFD0];
	p0 =	slt.u32 s0, $0x3F8;
	[tilespmem:s30+$0xFFFFFFF0] =	vst v3  }
0x128: {  	v3 =	vld [tilespmem:s31+$0xFFFFFFE0];
	[tilespmem:s30+$0x0] =	vst v0  }
0x129: {  	v0 =	vld [tilespmem:s31+$0xFFFFFFF0];
	[tilespmem:s30+$0x10] =	vst v1  }
0x12a: {  	v1 =	vld [tilespmem:s31+$0x0];
	[tilespmem:s30+$0x20] =	vst v2  }
0x12b: {  	v2 =	vld [tilespmem:s31+$0x10];
	[tilespmem:s30+$0xFFFFFFC0] =	vst v4  }
0x12c: {  	v4 =	vld [tilespmem:s31+$0x20]  }
0x12d: {  	v7 =	vld [tilespmem:s31+$0xFFFFFFC0]  }
0x12e: {  	v6 =	vld.idx.msk [tilespmem:v6+s17+$0x0], $0xffff  }
0x12f: {  	v8 =	vld.idx.msk [tilespmem:v5+s17+$0x0], $0xffff  }
0x130: {  	v5 =	vld.idx.msk [tilespmem:v3+s17+$0x0], $0xffff  }
.Ltmp3:
0x131: {  	v3 =	vld.idx.msk [tilespmem:v0+s17+$0x0], $0xffff;
	(pc) =	sbr.rel @p0 .LBB2_8-.Ltmp3, $4  }
0x132: {  	v0 =	vld.idx.msk [tilespmem:v1+s17+$0x0], $0xffff  }
0x133: {  	s30 =	sadd.s32 $0x80, s30;
	v1 =	vld.idx.msk [tilespmem:v2+s17+$0x0], $0xffff  }
0x134: {  	v2 =	vld.idx.msk [tilespmem:v4+s17+$0x0], $0xffff;
	[tilespmem:s30+$0x30] =	vst v6  }
0x135: {  	s31 =	sadd.s32 $0x80, s31;
	v4 =	vld.idx.msk [tilespmem:v7+s17+$0x0], $0xffff;
	[tilespmem:s30+$0xFFFFFFD0] =	vst v8  }
0x136: {  	[tilespmem:s30+$0xFFFFFFE0] =	vst v5  }
0x137: {  	[tilespmem:s30+$0xFFFFFFF0] =	vst v3  }
0x138: {  	[tilespmem:s30+$0x0] =	vst v0  }
0x139: {  	[tilespmem:s30+$0x10] =	vst v1  }
0x13a: {  	[tilespmem:s30+$0x20] =	vst v2  }
0x13b: {  	[tilespmem:s30+$0xFFFFFFC0] =	vst v4  }
0x13c: {  	s0 =	rddreg [dreg:$0xb]  }
0x13d: {  	[hbm4b:s0+s8] =	stream.strided.scatter [tilespmem:s21], [sflag:$0x2], $0x2000, s9, s8, $0x38;
	[tilespmem:$0x1C080] =	vst v63  }
0x13e: {  	s0 =	rddreg [dreg:$0xc]  }
0x13f: {  	[hbm4b:s0+s8] =	stream.strided.scatter [tilespmem:s22], [sflag:$0x2], $0x2000, s9, s8, $0x38;
	[tilespmem:$0x1C080] =	vst v63  }
0x140: {  	s0 =	sadd.s32 $0x7, s25;
	_ =	swait.ge [sflag:s16], $0x2000  }
0x141: {  	s30 =	sshll.u32 s0, $0xE;
	s0 =	sshll.u32 s0, $0x7;
	[sflag:s16] =	ssyncset.done $0x0  }
0x142: {  	s30 =	sand.u32 $0xFFFE0000, s30;
	s0 =	sand.u32 $0x380, s0;
	[sflag:s16] =	ssyncadd.s32 $0xFFFFE000  }
0x143: {  	s0 =	sor.u32 s0, s30;
	_ =	swait.ge [sflag:s16], $0x2000  }
0x144: {  	s0 =	sshrl.u32 s0, $0x3;
	[sflag:s16] =	ssyncset.done $0x0  }
0x145: {  	s30 =	sadd.s32 s28, s0;
	[sflag:s16] =	ssyncadd.s32 $0xFFFFE000  }
0x146: {  	[tilespmem:s17], [sflag:$0x1] =	stream.strided.gather [hbm4b:s30+s8], $0x2000, s9, s8, $0x38;
	[tilespmem:$0x1C080] =	vst v63  }
0x147: {  	s0 =	sadd.s32 s0, s6  }
0x148: {  	[tilespmem:s18], [sflag:$0x1] =	stream.strided.gather [hbm4b:s0+s8], $0x2000, s9, s8, $0x38;
	[tilespmem:$0x1C080] =	vst v63  }
0x149: {  	_ =	swait.ge [sflag:s23], $0x2000  }
0x14a: {  	[sflag:s23] =	ssyncset.done $0x0  }
0x14b: {  	[sflag:s23] =	ssyncadd.s32 $0xFFFFE000  }
0x14c: {  	_ =	swait.ge [sflag:s23], $0x2000  }
0x14d: {  	[sflag:s23] =	ssyncset.done $0x0  }
0x14e: {  	s0 =	simm.s32 $0x40;
	[sflag:s23] =	ssyncadd.s32 $0xFFFFE000  }
0x14f: {  	v0 =	vld [tilespmem:s0+$0x30]  }
0x150: {  	v1 =	vld [tilespmem:s0+$0xFFFFFFD0]  }
0x151: {  	v2 =	vld [tilespmem:s0+$0xFFFFFFE0]  }
0x152: {  	v3 =	vld [tilespmem:s0+$0xFFFFFFF0]  }
0x153: {  	v4 =	vld [tilespmem:s0+$0x0]  }
0x154: {  	v6 =	vld [tilespmem:s0+$0x10]  }
0x155: {  	v7 =	vld [tilespmem:s0+$0x20]  }
0x156: {  	v8 =	vld [tilespmem:s0+$0xFFFFFFC0]  }
0x157: {  	v9 =	vld.idx.msk [tilespmem:v0+s10+$0x0], $0xffff  }
0x158: {  	v10 =	vld.idx.msk [tilespmem:v1+s10+$0x0], $0xffff  }
0x159: {  	v5 =	vld.idx.msk [tilespmem:v2+s10+$0x0], $0xffff  }
0x15a: {  	v3 =	vld.idx.msk [tilespmem:v3+s10+$0x0], $0xffff  }
0x15b: {  	v0 =	vld.idx.msk [tilespmem:v4+s10+$0x0], $0xffff  }
0x15c: {  	s30 =	simm.s32 $0x14040;
	v1 =	vld.idx.msk [tilespmem:v6+s10+$0x0], $0xffff  }
0x15d: {  	v2 =	vld.idx.msk [tilespmem:v7+s10+$0x0], $0xffff;
	[tilespmem:s30+$0x30] =	vst v9  }
0x15e: {  	s31 =	simm.s32 $0xC0;
	s0 =	simm.s32 $0x0;
	v4 =	vld.idx.msk [tilespmem:v8+s10+$0x0], $0xffff;
	[tilespmem:s30+$0xFFFFFFD0] =	vst v10  }
.LBB2_10:
0x15f: {  	v6 =	vld [tilespmem:s31+$0x30];
	s0 =	sadd.s32 $0x8, s0;
	[tilespmem:s30+$0xFFFFFFE0] =	vst v5  }
0x160: {  	v5 =	vld [tilespmem:s31+$0xFFFFFFD0];
	p0 =	slt.u32 s0, $0x3F8;
	[tilespmem:s30+$0xFFFFFFF0] =	vst v3  }
0x161: {  	v3 =	vld [tilespmem:s31+$0xFFFFFFE0];
	[tilespmem:s30+$0x0] =	vst v0  }
0x162: {  	v0 =	vld [tilespmem:s31+$0xFFFFFFF0];
	[tilespmem:s30+$0x10] =	vst v1  }
0x163: {  	v1 =	vld [tilespmem:s31+$0x0];
	[tilespmem:s30+$0x20] =	vst v2  }
0x164: {  	v2 =	vld [tilespmem:s31+$0x10];
	[tilespmem:s30+$0xFFFFFFC0] =	vst v4  }
0x165: {  	v4 =	vld [tilespmem:s31+$0x20]  }
0x166: {  	v7 =	vld [tilespmem:s31+$0xFFFFFFC0]  }
0x167: {  	v6 =	vld.idx.msk [tilespmem:v6+s10+$0x0], $0xffff  }
0x168: {  	v8 =	vld.idx.msk [tilespmem:v5+s10+$0x0], $0xffff  }
0x169: {  	v5 =	vld.idx.msk [tilespmem:v3+s10+$0x0], $0xffff  }
.Ltmp4:
0x16a: {  	v3 =	vld.idx.msk [tilespmem:v0+s10+$0x0], $0xffff;
	(pc) =	sbr.rel @p0 .LBB2_10-.Ltmp4, $4  }
0x16b: {  	v0 =	vld.idx.msk [tilespmem:v1+s10+$0x0], $0xffff  }
0x16c: {  	s30 =	sadd.s32 $0x80, s30;
	v1 =	vld.idx.msk [tilespmem:v2+s10+$0x0], $0xffff  }
0x16d: {  	v2 =	vld.idx.msk [tilespmem:v4+s10+$0x0], $0xffff;
	[tilespmem:s30+$0x30] =	vst v6  }
0x16e: {  	s31 =	sadd.s32 $0x80, s31;
	v4 =	vld.idx.msk [tilespmem:v7+s10+$0x0], $0xffff;
	[tilespmem:s30+$0xFFFFFFD0] =	vst v8  }
0x16f: {  	[tilespmem:s30+$0xFFFFFFE0] =	vst v5  }
0x170: {  	[tilespmem:s30+$0xFFFFFFF0] =	vst v3  }
0x171: {  	[tilespmem:s30+$0x0] =	vst v0  }
0x172: {  	[tilespmem:s30+$0x10] =	vst v1  }
0x173: {  	[tilespmem:s30+$0x20] =	vst v2  }
0x174: {  	[tilespmem:s30+$0xFFFFFFC0] =	vst v4  }
0x175: {  	s0 =	rddreg [dreg:$0xd]  }
0x176: {  	[hbm4b:s0+s8] =	stream.strided.scatter [tilespmem:s19], [sflag:$0x2], $0x2000, s9, s8, $0x38;
	[tilespmem:$0x1C080] =	vst v63  }
0x177: {  	s31 =	rddreg [dreg:$0xe]  }
0x178: {  	[hbm4b:s31+s8] =	stream.strided.scatter [tilespmem:s20], [sflag:$0x2], $0x2000, s9, s8, $0x38;
	[tilespmem:$0x1C080] =	vst v63  }
0x179: {  	_ =	swait.ge [sflag:s16], $0x2000  }
0x17a: {  	[sflag:s16] =	ssyncset.done $0x0  }
0x17b: {  	s30 =	sadd.s32 s29, s26;
	[sflag:s16] =	ssyncadd.s32 $0xFFFFE000  }
0x17c: {  	s26 =	sadd.s32 $0x20000, s30;
	_ =	swait.ge [sflag:s16], $0x2000  }
0x17d: {  	s26 =	sshrl.u32 s26, $0x3;
	s0 =	sadd.s32 $0x30000, s30;
	[sflag:s16] =	ssyncset.done $0x0  }
0x17e: {  	s26 =	sadd.s32 s28, s26;
	s0 =	sshrl.u32 s0, $0x3;
	[sflag:s16] =	ssyncadd.s32 $0xFFFFE000  }
0x17f: {  	[tilespmem:s10], [sflag:$0x1] =	stream.strided.gather [hbm4b:s26+s8], $0x2000, s9, s8, $0x38;
	[tilespmem:$0x1C080] =	vst v63  }
0x180: {  	s0 =	sadd.s32 s28, s0  }
0x181: {  	[tilespmem:s11], [sflag:$0x1] =	stream.strided.gather [hbm4b:s0+s8], $0x2000, s9, s8, $0x38;
	[tilespmem:$0x1C080] =	vst v63  }
0x182: {  	_ =	swait.ge [sflag:s23], $0x2000  }
0x183: {  	[sflag:s23] =	ssyncset.done $0x0  }
0x184: {  	[sflag:s23] =	ssyncadd.s32 $0xFFFFE000  }
0x185: {  	_ =	swait.ge [sflag:s23], $0x2000  }
0x186: {  	[sflag:s23] =	ssyncset.done $0x0  }
0x187: {  	s31 =	simm.s32 $0x40;
	[sflag:s23] =	ssyncadd.s32 $0xFFFFE000  }
0x188: {  	v0 =	vld [tilespmem:s31+$0x30]  }
0x189: {  	v1 =	vld [tilespmem:s31+$0xFFFFFFD0]  }
0x18a: {  	v2 =	vld [tilespmem:s31+$0xFFFFFFE0]  }
0x18b: {  	v3 =	vld [tilespmem:s31+$0xFFFFFFF0]  }
0x18c: {  	v4 =	vld [tilespmem:s31+$0x0]  }
0x18d: {  	v6 =	vld [tilespmem:s31+$0x10]  }
0x18e: {  	v7 =	vld [tilespmem:s31+$0x20]  }
0x18f: {  	v8 =	vld [tilespmem:s31+$0xFFFFFFC0]  }
0x190: {  	v9 =	vld.idx.msk [tilespmem:v0+s12+$0x0], $0xffff  }
0x191: {  	v10 =	vld.idx.msk [tilespmem:v1+s12+$0x0], $0xffff  }
0x192: {  	v5 =	vld.idx.msk [tilespmem:v2+s12+$0x0], $0xffff  }
0x193: {  	v3 =	vld.idx.msk [tilespmem:v3+s12+$0x0], $0xffff  }
0x194: {  	v0 =	vld.idx.msk [tilespmem:v4+s12+$0x0], $0xffff  }
0x195: {  	s26 =	simm.s32 $0x18040;
	v1 =	vld.idx.msk [tilespmem:v6+s12+$0x0], $0xffff  }
0x196: {  	v2 =	vld.idx.msk [tilespmem:v7+s12+$0x0], $0xffff;
	[tilespmem:s26+$0x30] =	vst v9  }
0x197: {  	s29 =	simm.s32 $0xC0;
	s0 =	simm.s32 $0x0;
	v4 =	vld.idx.msk [tilespmem:v8+s12+$0x0], $0xffff;
	[tilespmem:s26+$0xFFFFFFD0] =	vst v10  }
.LBB2_12:
0x198: {  	v6 =	vld [tilespmem:s29+$0x30];
	s0 =	sadd.s32 $0x8, s0;
	[tilespmem:s26+$0xFFFFFFE0] =	vst v5  }
0x199: {  	v5 =	vld [tilespmem:s29+$0xFFFFFFD0];
	p0 =	slt.u32 s0, $0x3F8;
	[tilespmem:s26+$0xFFFFFFF0] =	vst v3  }
0x19a: {  	v3 =	vld [tilespmem:s29+$0xFFFFFFE0];
	[tilespmem:s26+$0x0] =	vst v0  }
0x19b: {  	v0 =	vld [tilespmem:s29+$0xFFFFFFF0];
	[tilespmem:s26+$0x10] =	vst v1  }
0x19c: {  	v1 =	vld [tilespmem:s29+$0x0];
	[tilespmem:s26+$0x20] =	vst v2  }
0x19d: {  	v2 =	vld [tilespmem:s29+$0x10];
	[tilespmem:s26+$0xFFFFFFC0] =	vst v4  }
0x19e: {  	v4 =	vld [tilespmem:s29+$0x20]  }
0x19f: {  	v7 =	vld [tilespmem:s29+$0xFFFFFFC0]  }
0x1a0: {  	v6 =	vld.idx.msk [tilespmem:v6+s12+$0x0], $0xffff  }
0x1a1: {  	v8 =	vld.idx.msk [tilespmem:v5+s12+$0x0], $0xffff  }
0x1a2: {  	v5 =	vld.idx.msk [tilespmem:v3+s12+$0x0], $0xffff  }
.Ltmp5:
0x1a3: {  	v3 =	vld.idx.msk [tilespmem:v0+s12+$0x0], $0xffff;
	(pc) =	sbr.rel @p0 .LBB2_12-.Ltmp5, $4  }
0x1a4: {  	v0 =	vld.idx.msk [tilespmem:v1+s12+$0x0], $0xffff  }
0x1a5: {  	s26 =	sadd.s32 $0x80, s26;
	v1 =	vld.idx.msk [tilespmem:v2+s12+$0x0], $0xffff  }
0x1a6: {  	v2 =	vld.idx.msk [tilespmem:v4+s12+$0x0], $0xffff;
	[tilespmem:s26+$0x30] =	vst v6  }
0x1a7: {  	s29 =	sadd.s32 $0x80, s29;
	v4 =	vld.idx.msk [tilespmem:v7+s12+$0x0], $0xffff;
	[tilespmem:s26+$0xFFFFFFD0] =	vst v8  }
0x1a8: {  	[tilespmem:s26+$0xFFFFFFE0] =	vst v5  }
0x1a9: {  	[tilespmem:s26+$0xFFFFFFF0] =	vst v3  }
0x1aa: {  	[tilespmem:s26+$0x0] =	vst v0  }
0x1ab: {  	[tilespmem:s26+$0x10] =	vst v1  }
0x1ac: {  	[tilespmem:s26+$0x20] =	vst v2  }
0x1ad: {  	[tilespmem:s26+$0xFFFFFFC0] =	vst v4  }
0x1ae: {  	s0 =	rddreg [dreg:$0xf]  }
0x1af: {  	[hbm4b:s0+s8] =	stream.strided.scatter [tilespmem:s21], [sflag:$0x2], $0x2000, s9, s8, $0x38;
	[tilespmem:$0x1C080] =	vst v63  }
0x1b0: {  	s26 =	rddreg [dreg:$0x10]  }
0x1b1: {  	[hbm4b:s26+s8] =	stream.strided.scatter [tilespmem:s22], [sflag:$0x2], $0x2000, s9, s8, $0x38;
	[tilespmem:$0x1C080] =	vst v63  }
0x1b2: {  	s30 =	sadd.s32 $0x9, s25;
	_ =	swait.ge [sflag:s16], $0x2000  }
0x1b3: {  	s31 =	sshll.u32 s30, $0xE;
	s0 =	sshll.u32 s30, $0x7;
	[sflag:s16] =	ssyncset.done $0x0  }
0x1b4: {  	s0 =	sand.u32 $0x380, s0;
	s26 =	sand.u32 $0xFFFE0000, s31;
	[sflag:s16] =	ssyncadd.s32 $0xFFFFE000  }
0x1b5: {  	s0 =	sor.u32 s0, s26;
	_ =	swait.ge [sflag:s16], $0x2000  }
0x1b6: {  	s0 =	sshrl.u32 s0, $0x3;
	[sflag:s16] =	ssyncset.done $0x0  }
0x1b7: {  	s30 =	sadd.s32 s28, s0;
	[sflag:s16] =	ssyncadd.s32 $0xFFFFE000  }
0x1b8: {  	[tilespmem:s12], [sflag:$0x1] =	stream.strided.gather [hbm4b:s30+s8], $0x2000, s9, s8, $0x38;
	[tilespmem:$0x1C080] =	vst v63  }
0x1b9: {  	s0 =	sadd.s32 s0, s6  }
0x1ba: {  	[tilespmem:s13], [sflag:$0x1] =	stream.strided.gather [hbm4b:s0+s8], $0x2000, s9, s8, $0x38;
	[tilespmem:$0x1C080] =	vst v63  }
0x1bb: {  	_ =	swait.ge [sflag:s23], $0x2000  }
0x1bc: {  	[sflag:s23] =	ssyncset.done $0x0  }
0x1bd: {  	[sflag:s23] =	ssyncadd.s32 $0xFFFFE000  }
0x1be: {  	_ =	swait.ge [sflag:s23], $0x2000  }
0x1bf: {  	[sflag:s23] =	ssyncset.done $0x0  }
0x1c0: {  	s31 =	simm.s32 $0x40;
	[sflag:s23] =	ssyncadd.s32 $0xFFFFE000  }
0x1c1: {  	v0 =	vld [tilespmem:s31+$0x30]  }
0x1c2: {  	v1 =	vld [tilespmem:s31+$0xFFFFFFD0]  }
0x1c3: {  	v2 =	vld [tilespmem:s31+$0xFFFFFFE0]  }
0x1c4: {  	v3 =	vld [tilespmem:s31+$0xFFFFFFF0]  }
0x1c5: {  	v4 =	vld [tilespmem:s31+$0x0]  }
0x1c6: {  	v6 =	vld [tilespmem:s31+$0x10]  }
0x1c7: {  	v7 =	vld [tilespmem:s31+$0x20]  }
0x1c8: {  	v8 =	vld [tilespmem:s31+$0xFFFFFFC0]  }
0x1c9: {  	v9 =	vld.idx.msk [tilespmem:v0+s14+$0x0], $0xffff  }
0x1ca: {  	v10 =	vld.idx.msk [tilespmem:v1+s14+$0x0], $0xffff  }
0x1cb: {  	v5 =	vld.idx.msk [tilespmem:v2+s14+$0x0], $0xffff  }
0x1cc: {  	v3 =	vld.idx.msk [tilespmem:v3+s14+$0x0], $0xffff  }
0x1cd: {  	v0 =	vld.idx.msk [tilespmem:v4+s14+$0x0], $0xffff  }
0x1ce: {  	s26 =	simm.s32 $0x14040;
	v1 =	vld.idx.msk [tilespmem:v6+s14+$0x0], $0xffff  }
0x1cf: {  	v2 =	vld.idx.msk [tilespmem:v7+s14+$0x0], $0xffff;
	[tilespmem:s26+$0x30] =	vst v9  }
0x1d0: {  	s29 =	simm.s32 $0xC0;
	s0 =	simm.s32 $0x0;
	v4 =	vld.idx.msk [tilespmem:v8+s14+$0x0], $0xffff;
	[tilespmem:s26+$0xFFFFFFD0] =	vst v10  }
.LBB2_14:
0x1d1: {  	v6 =	vld [tilespmem:s29+$0x30];
	s0 =	sadd.s32 $0x8, s0;
	[tilespmem:s26+$0xFFFFFFE0] =	vst v5  }
0x1d2: {  	v5 =	vld [tilespmem:s29+$0xFFFFFFD0];
	p0 =	slt.u32 s0, $0x3F8;
	[tilespmem:s26+$0xFFFFFFF0] =	vst v3  }
0x1d3: {  	v3 =	vld [tilespmem:s29+$0xFFFFFFE0];
	[tilespmem:s26+$0x0] =	vst v0  }
0x1d4: {  	v0 =	vld [tilespmem:s29+$0xFFFFFFF0];
	[tilespmem:s26+$0x10] =	vst v1  }
0x1d5: {  	v1 =	vld [tilespmem:s29+$0x0];
	[tilespmem:s26+$0x20] =	vst v2  }
0x1d6: {  	v2 =	vld [tilespmem:s29+$0x10];
	[tilespmem:s26+$0xFFFFFFC0] =	vst v4  }
0x1d7: {  	v4 =	vld [tilespmem:s29+$0x20]  }
0x1d8: {  	v7 =	vld [tilespmem:s29+$0xFFFFFFC0]  }
0x1d9: {  	v6 =	vld.idx.msk [tilespmem:v6+s14+$0x0], $0xffff  }
0x1da: {  	v8 =	vld.idx.msk [tilespmem:v5+s14+$0x0], $0xffff  }
0x1db: {  	v5 =	vld.idx.msk [tilespmem:v3+s14+$0x0], $0xffff  }
.Ltmp6:
0x1dc: {  	v3 =	vld.idx.msk [tilespmem:v0+s14+$0x0], $0xffff;
	(pc) =	sbr.rel @p0 .LBB2_14-.Ltmp6, $4  }
0x1dd: {  	v0 =	vld.idx.msk [tilespmem:v1+s14+$0x0], $0xffff  }
0x1de: {  	s26 =	sadd.s32 $0x80, s26;
	v1 =	vld.idx.msk [tilespmem:v2+s14+$0x0], $0xffff  }
0x1df: {  	v2 =	vld.idx.msk [tilespmem:v4+s14+$0x0], $0xffff;
	[tilespmem:s26+$0x30] =	vst v6  }
0x1e0: {  	s29 =	sadd.s32 $0x80, s29;
	v4 =	vld.idx.msk [tilespmem:v7+s14+$0x0], $0xffff;
	[tilespmem:s26+$0xFFFFFFD0] =	vst v8  }
0x1e1: {  	[tilespmem:s26+$0xFFFFFFE0] =	vst v5  }
0x1e2: {  	[tilespmem:s26+$0xFFFFFFF0] =	vst v3  }
0x1e3: {  	[tilespmem:s26+$0x0] =	vst v0  }
0x1e4: {  	[tilespmem:s26+$0x10] =	vst v1  }
0x1e5: {  	[tilespmem:s26+$0x20] =	vst v2  }
0x1e6: {  	[tilespmem:s26+$0xFFFFFFC0] =	vst v4  }
0x1e7: {  	s0 =	rddreg [dreg:$0x11]  }
0x1e8: {  	[hbm4b:s0+s8] =	stream.strided.scatter [tilespmem:s19], [sflag:$0x2], $0x2000, s9, s8, $0x38;
	[tilespmem:$0x1C080] =	vst v63  }
0x1e9: {  	s26 =	rddreg [dreg:$0x12]  }
0x1ea: {  	[hbm4b:s26+s8] =	stream.strided.scatter [tilespmem:s20], [sflag:$0x2], $0x2000, s9, s8, $0x38;
	[tilespmem:$0x1C080] =	vst v63  }
0x1eb: {  	s30 =	sadd.s32 $0xA, s25;
	_ =	swait.ge [sflag:s16], $0x2000  }
0x1ec: {  	s31 =	sshll.u32 s30, $0xE;
	s0 =	sshll.u32 s30, $0x7;
	[sflag:s16] =	ssyncset.done $0x0  }
0x1ed: {  	s0 =	sand.u32 $0x380, s0;
	s26 =	sand.u32 $0xFFFE0000, s31;
	[sflag:s16] =	ssyncadd.s32 $0xFFFFE000  }
0x1ee: {  	s0 =	sor.u32 s0, s26;
	_ =	swait.ge [sflag:s16], $0x2000  }
0x1ef: {  	s0 =	sshrl.u32 s0, $0x3;
	[sflag:s16] =	ssyncset.done $0x0  }
0x1f0: {  	s30 =	sadd.s32 s28, s0;
	[sflag:s16] =	ssyncadd.s32 $0xFFFFE000  }
0x1f1: {  	[tilespmem:s14], [sflag:$0x1] =	stream.strided.gather [hbm4b:s30+s8], $0x2000, s9, s8, $0x38;
	[tilespmem:$0x1C080] =	vst v63  }
0x1f2: {  	s0 =	sadd.s32 s0, s6  }
0x1f3: {  	[tilespmem:s15], [sflag:$0x1] =	stream.strided.gather [hbm4b:s0+s8], $0x2000, s9, s8, $0x38;
	[tilespmem:$0x1C080] =	vst v63  }
0x1f4: {  	_ =	swait.ge [sflag:s23], $0x2000  }
0x1f5: {  	[sflag:s23] =	ssyncset.done $0x0  }
0x1f6: {  	[sflag:s23] =	ssyncadd.s32 $0xFFFFE000  }
0x1f7: {  	_ =	swait.ge [sflag:s23], $0x2000  }
0x1f8: {  	[sflag:s23] =	ssyncset.done $0x0  }
0x1f9: {  	s31 =	simm.s32 $0x40;
	[sflag:s23] =	ssyncadd.s32 $0xFFFFE000  }
0x1fa: {  	v0 =	vld [tilespmem:s31+$0x30]  }
0x1fb: {  	v1 =	vld [tilespmem:s31+$0xFFFFFFD0]  }
0x1fc: {  	v2 =	vld [tilespmem:s31+$0xFFFFFFE0]  }
0x1fd: {  	v3 =	vld [tilespmem:s31+$0xFFFFFFF0]  }
0x1fe: {  	v4 =	vld [tilespmem:s31+$0x0]  }
0x1ff: {  	v6 =	vld [tilespmem:s31+$0x10]  }
0x200: {  	v7 =	vld [tilespmem:s31+$0x20]  }
0x201: {  	v8 =	vld [tilespmem:s31+$0xFFFFFFC0]  }
0x202: {  	v9 =	vld.idx.msk [tilespmem:v0+s17+$0x0], $0xffff  }
0x203: {  	v10 =	vld.idx.msk [tilespmem:v1+s17+$0x0], $0xffff  }
0x204: {  	v5 =	vld.idx.msk [tilespmem:v2+s17+$0x0], $0xffff  }
0x205: {  	v3 =	vld.idx.msk [tilespmem:v3+s17+$0x0], $0xffff  }
0x206: {  	v0 =	vld.idx.msk [tilespmem:v4+s17+$0x0], $0xffff  }
0x207: {  	s26 =	simm.s32 $0x18040;
	v1 =	vld.idx.msk [tilespmem:v6+s17+$0x0], $0xffff  }
0x208: {  	v2 =	vld.idx.msk [tilespmem:v7+s17+$0x0], $0xffff;
	[tilespmem:s26+$0x30] =	vst v9  }
0x209: {  	s29 =	simm.s32 $0xC0;
	s0 =	simm.s32 $0x0;
	v4 =	vld.idx.msk [tilespmem:v8+s17+$0x0], $0xffff;
	[tilespmem:s26+$0xFFFFFFD0] =	vst v10  }
.LBB2_16:
0x20a: {  	v6 =	vld [tilespmem:s29+$0x30];
	s0 =	sadd.s32 $0x8, s0;
	[tilespmem:s26+$0xFFFFFFE0] =	vst v5  }
0x20b: {  	v5 =	vld [tilespmem:s29+$0xFFFFFFD0];
	p0 =	slt.u32 s0, $0x3F8;
	[tilespmem:s26+$0xFFFFFFF0] =	vst v3  }
0x20c: {  	v3 =	vld [tilespmem:s29+$0xFFFFFFE0];
	[tilespmem:s26+$0x0] =	vst v0  }
0x20d: {  	v0 =	vld [tilespmem:s29+$0xFFFFFFF0];
	[tilespmem:s26+$0x10] =	vst v1  }
0x20e: {  	v1 =	vld [tilespmem:s29+$0x0];
	[tilespmem:s26+$0x20] =	vst v2  }
0x20f: {  	v2 =	vld [tilespmem:s29+$0x10];
	[tilespmem:s26+$0xFFFFFFC0] =	vst v4  }
0x210: {  	v4 =	vld [tilespmem:s29+$0x20]  }
0x211: {  	v7 =	vld [tilespmem:s29+$0xFFFFFFC0]  }
0x212: {  	v6 =	vld.idx.msk [tilespmem:v6+s17+$0x0], $0xffff  }
0x213: {  	v8 =	vld.idx.msk [tilespmem:v5+s17+$0x0], $0xffff  }
0x214: {  	v5 =	vld.idx.msk [tilespmem:v3+s17+$0x0], $0xffff  }
.Ltmp7:
0x215: {  	v3 =	vld.idx.msk [tilespmem:v0+s17+$0x0], $0xffff;
	(pc) =	sbr.rel @p0 .LBB2_16-.Ltmp7, $4  }
0x216: {  	v0 =	vld.idx.msk [tilespmem:v1+s17+$0x0], $0xffff  }
0x217: {  	s26 =	sadd.s32 $0x80, s26;
	v1 =	vld.idx.msk [tilespmem:v2+s17+$0x0], $0xffff  }
0x218: {  	v2 =	vld.idx.msk [tilespmem:v4+s17+$0x0], $0xffff;
	[tilespmem:s26+$0x30] =	vst v6  }
0x219: {  	s29 =	sadd.s32 $0x80, s29;
	v4 =	vld.idx.msk [tilespmem:v7+s17+$0x0], $0xffff;
	[tilespmem:s26+$0xFFFFFFD0] =	vst v8  }
0x21a: {  	[tilespmem:s26+$0xFFFFFFE0] =	vst v5  }
0x21b: {  	[tilespmem:s26+$0xFFFFFFF0] =	vst v3  }
0x21c: {  	[tilespmem:s26+$0x0] =	vst v0  }
0x21d: {  	[tilespmem:s26+$0x10] =	vst v1  }
0x21e: {  	[tilespmem:s26+$0x20] =	vst v2  }
0x21f: {  	[tilespmem:s26+$0xFFFFFFC0] =	vst v4  }
0x220: {  	s0 =	rddreg [dreg:$0x13]  }
0x221: {  	[hbm4b:s0+s8] =	stream.strided.scatter [tilespmem:s21], [sflag:$0x2], $0x2000, s9, s8, $0x38;
	[tilespmem:$0x1C080] =	vst v63  }
0x222: {  	s26 =	rddreg [dreg:$0x14]  }
0x223: {  	[hbm4b:s26+s8] =	stream.strided.scatter [tilespmem:s22], [sflag:$0x2], $0x2000, s9, s8, $0x38;
	[tilespmem:$0x1C080] =	vst v63  }
0x224: {  	s30 =	sadd.s32 $0xB, s25;
	_ =	swait.ge [sflag:s16], $0x2000  }
0x225: {  	s31 =	sshll.u32 s30, $0xE;
	s0 =	sshll.u32 s30, $0x7;
	[sflag:s16] =	ssyncset.done $0x0  }
0x226: {  	s0 =	sand.u32 $0x380, s0;
	s26 =	sand.u32 $0xFFFE0000, s31;
	[sflag:s16] =	ssyncadd.s32 $0xFFFFE000  }
0x227: {  	s0 =	sor.u32 s0, s26;
	_ =	swait.ge [sflag:s16], $0x2000  }
0x228: {  	s0 =	sshrl.u32 s0, $0x3;
	[sflag:s16] =	ssyncset.done $0x0  }
0x229: {  	s30 =	sadd.s32 s28, s0;
	[sflag:s16] =	ssyncadd.s32 $0xFFFFE000  }
0x22a: {  	[tilespmem:s17], [sflag:$0x1] =	stream.strided.gather [hbm4b:s30+s8], $0x2000, s9, s8, $0x38;
	[tilespmem:$0x1C080] =	vst v63  }
0x22b: {  	s0 =	sadd.s32 s0, s6  }
0x22c: {  	[tilespmem:s18], [sflag:$0x1] =	stream.strided.gather [hbm4b:s0+s8], $0x2000, s9, s8, $0x38;
	[tilespmem:$0x1C080] =	vst v63  }
0x22d: {  	_ =	swait.ge [sflag:s23], $0x2000  }
0x22e: {  	[sflag:s23] =	ssyncset.done $0x0  }
0x22f: {  	[sflag:s23] =	ssyncadd.s32 $0xFFFFE000  }
0x230: {  	_ =	swait.ge [sflag:s23], $0x2000  }
0x231: {  	[sflag:s23] =	ssyncset.done $0x0  }
0x232: {  	s31 =	simm.s32 $0x40;
	[sflag:s23] =	ssyncadd.s32 $0xFFFFE000  }
0x233: {  	v0 =	vld [tilespmem:s31+$0x30]  }
0x234: {  	v1 =	vld [tilespmem:s31+$0xFFFFFFD0]  }
0x235: {  	v2 =	vld [tilespmem:s31+$0xFFFFFFE0]  }
0x236: {  	v3 =	vld [tilespmem:s31+$0xFFFFFFF0]  }
0x237: {  	v4 =	vld [tilespmem:s31+$0x0]  }
0x238: {  	v6 =	vld [tilespmem:s31+$0x10]  }
0x239: {  	v7 =	vld [tilespmem:s31+$0x20]  }
0x23a: {  	v8 =	vld [tilespmem:s31+$0xFFFFFFC0]  }
0x23b: {  	v9 =	vld.idx.msk [tilespmem:v0+s10+$0x0], $0xffff  }
0x23c: {  	v10 =	vld.idx.msk [tilespmem:v1+s10+$0x0], $0xffff  }
0x23d: {  	v5 =	vld.idx.msk [tilespmem:v2+s10+$0x0], $0xffff  }
0x23e: {  	v3 =	vld.idx.msk [tilespmem:v3+s10+$0x0], $0xffff  }
0x23f: {  	v0 =	vld.idx.msk [tilespmem:v4+s10+$0x0], $0xffff  }
0x240: {  	s26 =	simm.s32 $0x14040;
	v1 =	vld.idx.msk [tilespmem:v6+s10+$0x0], $0xffff  }
0x241: {  	v2 =	vld.idx.msk [tilespmem:v7+s10+$0x0], $0xffff;
	[tilespmem:s26+$0x30] =	vst v9  }
0x242: {  	s29 =	simm.s32 $0xC0;
	s0 =	simm.s32 $0x0;
	v4 =	vld.idx.msk [tilespmem:v8+s10+$0x0], $0xffff;
	[tilespmem:s26+$0xFFFFFFD0] =	vst v10  }
.LBB2_18:
0x243: {  	v6 =	vld [tilespmem:s29+$0x30];
	s0 =	sadd.s32 $0x8, s0;
	[tilespmem:s26+$0xFFFFFFE0] =	vst v5  }
0x244: {  	v5 =	vld [tilespmem:s29+$0xFFFFFFD0];
	p0 =	slt.u32 s0, $0x3F8;
	[tilespmem:s26+$0xFFFFFFF0] =	vst v3  }
0x245: {  	v3 =	vld [tilespmem:s29+$0xFFFFFFE0];
	[tilespmem:s26+$0x0] =	vst v0  }
0x246: {  	v0 =	vld [tilespmem:s29+$0xFFFFFFF0];
	[tilespmem:s26+$0x10] =	vst v1  }
0x247: {  	v1 =	vld [tilespmem:s29+$0x0];
	[tilespmem:s26+$0x20] =	vst v2  }
0x248: {  	v2 =	vld [tilespmem:s29+$0x10];
	[tilespmem:s26+$0xFFFFFFC0] =	vst v4  }
0x249: {  	v4 =	vld [tilespmem:s29+$0x20]  }
0x24a: {  	v7 =	vld [tilespmem:s29+$0xFFFFFFC0]  }
0x24b: {  	v6 =	vld.idx.msk [tilespmem:v6+s10+$0x0], $0xffff  }
0x24c: {  	v8 =	vld.idx.msk [tilespmem:v5+s10+$0x0], $0xffff  }
0x24d: {  	v5 =	vld.idx.msk [tilespmem:v3+s10+$0x0], $0xffff  }
.Ltmp8:
0x24e: {  	v3 =	vld.idx.msk [tilespmem:v0+s10+$0x0], $0xffff;
	(pc) =	sbr.rel @p0 .LBB2_18-.Ltmp8, $4  }
0x24f: {  	v0 =	vld.idx.msk [tilespmem:v1+s10+$0x0], $0xffff  }
0x250: {  	s26 =	sadd.s32 $0x80, s26;
	v1 =	vld.idx.msk [tilespmem:v2+s10+$0x0], $0xffff  }
0x251: {  	v2 =	vld.idx.msk [tilespmem:v4+s10+$0x0], $0xffff;
	[tilespmem:s26+$0x30] =	vst v6  }
0x252: {  	s29 =	sadd.s32 $0x80, s29;
	v4 =	vld.idx.msk [tilespmem:v7+s10+$0x0], $0xffff;
	[tilespmem:s26+$0xFFFFFFD0] =	vst v8  }
0x253: {  	[tilespmem:s26+$0xFFFFFFE0] =	vst v5  }
0x254: {  	[tilespmem:s26+$0xFFFFFFF0] =	vst v3  }
0x255: {  	[tilespmem:s26+$0x0] =	vst v0  }
0x256: {  	[tilespmem:s26+$0x10] =	vst v1  }
0x257: {  	[tilespmem:s26+$0x20] =	vst v2  }
0x258: {  	[tilespmem:s26+$0xFFFFFFC0] =	vst v4  }
0x259: {  	s0 =	rddreg [dreg:$0x15]  }
0x25a: {  	[hbm4b:s0+s8] =	stream.strided.scatter [tilespmem:s19], [sflag:$0x2], $0x2000, s9, s8, $0x38;
	[tilespmem:$0x1C080] =	vst v63  }
0x25b: {  	s26 =	rddreg [dreg:$0x16]  }
0x25c: {  	[hbm4b:s26+s8] =	stream.strided.scatter [tilespmem:s20], [sflag:$0x2], $0x2000, s9, s8, $0x38;
	[tilespmem:$0x1C080] =	vst v63  }
0x25d: {  	s30 =	sadd.s32 $0xC, s25;
	_ =	swait.ge [sflag:s16], $0x2000  }
0x25e: {  	s31 =	sshll.u32 s30, $0xE;
	s0 =	sshll.u32 s30, $0x7;
	[sflag:s16] =	ssyncset.done $0x0  }
0x25f: {  	s0 =	sand.u32 $0x380, s0;
	s26 =	sand.u32 $0xFFFE0000, s31;
	[sflag:s16] =	ssyncadd.s32 $0xFFFFE000  }
0x260: {  	s0 =	sor.u32 s0, s26;
	_ =	swait.ge [sflag:s16], $0x2000  }
0x261: {  	s0 =	sshrl.u32 s0, $0x3;
	[sflag:s16] =	ssyncset.done $0x0  }
0x262: {  	s30 =	sadd.s32 s28, s0;
	[sflag:s16] =	ssyncadd.s32 $0xFFFFE000  }
0x263: {  	[tilespmem:s10], [sflag:$0x1] =	stream.strided.gather [hbm4b:s30+s8], $0x2000, s9, s8, $0x38;
	[tilespmem:$0x1C080] =	vst v63  }
0x264: {  	s0 =	sadd.s32 s0, s6  }
0x265: {  	[tilespmem:s11], [sflag:$0x1] =	stream.strided.gather [hbm4b:s0+s8], $0x2000, s9, s8, $0x38;
	[tilespmem:$0x1C080] =	vst v63  }
0x266: {  	_ =	swait.ge [sflag:s23], $0x2000  }
0x267: {  	[sflag:s23] =	ssyncset.done $0x0  }
0x268: {  	[sflag:s23] =	ssyncadd.s32 $0xFFFFE000  }
0x269: {  	_ =	swait.ge [sflag:s23], $0x2000  }
0x26a: {  	[sflag:s23] =	ssyncset.done $0x0  }
0x26b: {  	s31 =	simm.s32 $0x40;
	[sflag:s23] =	ssyncadd.s32 $0xFFFFE000  }
0x26c: {  	v0 =	vld [tilespmem:s31+$0x30]  }
0x26d: {  	v1 =	vld [tilespmem:s31+$0xFFFFFFD0]  }
0x26e: {  	v2 =	vld [tilespmem:s31+$0xFFFFFFE0]  }
0x26f: {  	v3 =	vld [tilespmem:s31+$0xFFFFFFF0]  }
0x270: {  	v4 =	vld [tilespmem:s31+$0x0]  }
0x271: {  	v6 =	vld [tilespmem:s31+$0x10]  }
0x272: {  	v7 =	vld [tilespmem:s31+$0x20]  }
0x273: {  	v8 =	vld [tilespmem:s31+$0xFFFFFFC0]  }
0x274: {  	v9 =	vld.idx.msk [tilespmem:v0+s12+$0x0], $0xffff  }
0x275: {  	v10 =	vld.idx.msk [tilespmem:v1+s12+$0x0], $0xffff  }
0x276: {  	v5 =	vld.idx.msk [tilespmem:v2+s12+$0x0], $0xffff  }
0x277: {  	v3 =	vld.idx.msk [tilespmem:v3+s12+$0x0], $0xffff  }
0x278: {  	v0 =	vld.idx.msk [tilespmem:v4+s12+$0x0], $0xffff  }
0x279: {  	s26 =	simm.s32 $0x18040;
	v1 =	vld.idx.msk [tilespmem:v6+s12+$0x0], $0xffff  }
0x27a: {  	v2 =	vld.idx.msk [tilespmem:v7+s12+$0x0], $0xffff;
	[tilespmem:s26+$0x30] =	vst v9  }
0x27b: {  	s29 =	simm.s32 $0xC0;
	s0 =	simm.s32 $0x0;
	v4 =	vld.idx.msk [tilespmem:v8+s12+$0x0], $0xffff;
	[tilespmem:s26+$0xFFFFFFD0] =	vst v10  }
.LBB2_20:
0x27c: {  	v6 =	vld [tilespmem:s29+$0x30];
	s0 =	sadd.s32 $0x8, s0;
	[tilespmem:s26+$0xFFFFFFE0] =	vst v5  }
0x27d: {  	v5 =	vld [tilespmem:s29+$0xFFFFFFD0];
	p0 =	slt.u32 s0, $0x3F8;
	[tilespmem:s26+$0xFFFFFFF0] =	vst v3  }
0x27e: {  	v3 =	vld [tilespmem:s29+$0xFFFFFFE0];
	[tilespmem:s26+$0x0] =	vst v0  }
0x27f: {  	v0 =	vld [tilespmem:s29+$0xFFFFFFF0];
	[tilespmem:s26+$0x10] =	vst v1  }
0x280: {  	v1 =	vld [tilespmem:s29+$0x0];
	[tilespmem:s26+$0x20] =	vst v2  }
0x281: {  	v2 =	vld [tilespmem:s29+$0x10];
	[tilespmem:s26+$0xFFFFFFC0] =	vst v4  }
0x282: {  	v4 =	vld [tilespmem:s29+$0x20]  }
0x283: {  	v7 =	vld [tilespmem:s29+$0xFFFFFFC0]  }
0x284: {  	v6 =	vld.idx.msk [tilespmem:v6+s12+$0x0], $0xffff  }
0x285: {  	v8 =	vld.idx.msk [tilespmem:v5+s12+$0x0], $0xffff  }
0x286: {  	v5 =	vld.idx.msk [tilespmem:v3+s12+$0x0], $0xffff  }
.Ltmp9:
0x287: {  	v3 =	vld.idx.msk [tilespmem:v0+s12+$0x0], $0xffff;
	(pc) =	sbr.rel @p0 .LBB2_20-.Ltmp9, $4  }
0x288: {  	v0 =	vld.idx.msk [tilespmem:v1+s12+$0x0], $0xffff  }
0x289: {  	s26 =	sadd.s32 $0x80, s26;
	v1 =	vld.idx.msk [tilespmem:v2+s12+$0x0], $0xffff  }
0x28a: {  	v2 =	vld.idx.msk [tilespmem:v4+s12+$0x0], $0xffff;
	[tilespmem:s26+$0x30] =	vst v6  }
0x28b: {  	s29 =	sadd.s32 $0x80, s29;
	v4 =	vld.idx.msk [tilespmem:v7+s12+$0x0], $0xffff;
	[tilespmem:s26+$0xFFFFFFD0] =	vst v8  }
0x28c: {  	[tilespmem:s26+$0xFFFFFFE0] =	vst v5  }
0x28d: {  	[tilespmem:s26+$0xFFFFFFF0] =	vst v3  }
0x28e: {  	[tilespmem:s26+$0x0] =	vst v0  }
0x28f: {  	[tilespmem:s26+$0x10] =	vst v1  }
0x290: {  	[tilespmem:s26+$0x20] =	vst v2  }
0x291: {  	[tilespmem:s26+$0xFFFFFFC0] =	vst v4  }
0x292: {  	s0 =	rddreg [dreg:$0x17]  }
0x293: {  	[hbm4b:s0+s8] =	stream.strided.scatter [tilespmem:s21], [sflag:$0x2], $0x2000, s9, s8, $0x38;
	[tilespmem:$0x1C080] =	vst v63  }
0x294: {  	s26 =	rddreg [dreg:$0x18]  }
0x295: {  	[hbm4b:s26+s8] =	stream.strided.scatter [tilespmem:s22], [sflag:$0x2], $0x2000, s9, s8, $0x38;
	[tilespmem:$0x1C080] =	vst v63  }
0x296: {  	s30 =	sadd.s32 $0xD, s25;
	_ =	swait.ge [sflag:s16], $0x2000  }
0x297: {  	s31 =	sshll.u32 s30, $0xE;
	s0 =	sshll.u32 s30, $0x7;
	[sflag:s16] =	ssyncset.done $0x0  }
0x298: {  	s0 =	sand.u32 $0x380, s0;
	s26 =	sand.u32 $0xFFFE0000, s31;
	[sflag:s16] =	ssyncadd.s32 $0xFFFFE000  }
0x299: {  	s0 =	sor.u32 s0, s26;
	_ =	swait.ge [sflag:s16], $0x2000  }
0x29a: {  	s0 =	sshrl.u32 s0, $0x3;
	[sflag:s16] =	ssyncset.done $0x0  }
0x29b: {  	s30 =	sadd.s32 s28, s0;
	[sflag:s16] =	ssyncadd.s32 $0xFFFFE000  }
0x29c: {  	[tilespmem:s12], [sflag:$0x1] =	stream.strided.gather [hbm4b:s30+s8], $0x2000, s9, s8, $0x38;
	[tilespmem:$0x1C080] =	vst v63  }
0x29d: {  	s0 =	sadd.s32 s0, s6  }
0x29e: {  	[tilespmem:s13], [sflag:$0x1] =	stream.strided.gather [hbm4b:s0+s8], $0x2000, s9, s8, $0x38;
	[tilespmem:$0x1C080] =	vst v63  }
0x29f: {  	_ =	swait.ge [sflag:s23], $0x2000  }
0x2a0: {  	[sflag:s23] =	ssyncset.done $0x0  }
0x2a1: {  	[sflag:s23] =	ssyncadd.s32 $0xFFFFE000  }
0x2a2: {  	_ =	swait.ge [sflag:s23], $0x2000  }
0x2a3: {  	[sflag:s23] =	ssyncset.done $0x0  }
0x2a4: {  	s31 =	simm.s32 $0x40;
	[sflag:s23] =	ssyncadd.s32 $0xFFFFE000  }
0x2a5: {  	v0 =	vld [tilespmem:s31+$0x30]  }
0x2a6: {  	v1 =	vld [tilespmem:s31+$0xFFFFFFD0]  }
0x2a7: {  	v2 =	vld [tilespmem:s31+$0xFFFFFFE0]  }
0x2a8: {  	v3 =	vld [tilespmem:s31+$0xFFFFFFF0]  }
0x2a9: {  	v4 =	vld [tilespmem:s31+$0x0]  }
0x2aa: {  	v6 =	vld [tilespmem:s31+$0x10]  }
0x2ab: {  	v7 =	vld [tilespmem:s31+$0x20]  }
0x2ac: {  	v8 =	vld [tilespmem:s31+$0xFFFFFFC0]  }
0x2ad: {  	v9 =	vld.idx.msk [tilespmem:v0+s14+$0x0], $0xffff  }
0x2ae: {  	v10 =	vld.idx.msk [tilespmem:v1+s14+$0x0], $0xffff  }
0x2af: {  	v5 =	vld.idx.msk [tilespmem:v2+s14+$0x0], $0xffff  }
0x2b0: {  	v3 =	vld.idx.msk [tilespmem:v3+s14+$0x0], $0xffff  }
0x2b1: {  	v0 =	vld.idx.msk [tilespmem:v4+s14+$0x0], $0xffff  }
0x2b2: {  	s26 =	simm.s32 $0x14040;
	v1 =	vld.idx.msk [tilespmem:v6+s14+$0x0], $0xffff  }
0x2b3: {  	v2 =	vld.idx.msk [tilespmem:v7+s14+$0x0], $0xffff;
	[tilespmem:s26+$0x30] =	vst v9  }
0x2b4: {  	s29 =	simm.s32 $0xC0;
	s0 =	simm.s32 $0x0;
	v4 =	vld.idx.msk [tilespmem:v8+s14+$0x0], $0xffff;
	[tilespmem:s26+$0xFFFFFFD0] =	vst v10  }
.LBB2_22:
0x2b5: {  	v6 =	vld [tilespmem:s29+$0x30];
	s0 =	sadd.s32 $0x8, s0;
	[tilespmem:s26+$0xFFFFFFE0] =	vst v5  }
0x2b6: {  	v5 =	vld [tilespmem:s29+$0xFFFFFFD0];
	p0 =	slt.u32 s0, $0x3F8;
	[tilespmem:s26+$0xFFFFFFF0] =	vst v3  }
0x2b7: {  	v3 =	vld [tilespmem:s29+$0xFFFFFFE0];
	[tilespmem:s26+$0x0] =	vst v0  }
0x2b8: {  	v0 =	vld [tilespmem:s29+$0xFFFFFFF0];
	[tilespmem:s26+$0x10] =	vst v1  }
0x2b9: {  	v1 =	vld [tilespmem:s29+$0x0];
	[tilespmem:s26+$0x20] =	vst v2  }
0x2ba: {  	v2 =	vld [tilespmem:s29+$0x10];
	[tilespmem:s26+$0xFFFFFFC0] =	vst v4  }
0x2bb: {  	v4 =	vld [tilespmem:s29+$0x20]  }
0x2bc: {  	v7 =	vld [tilespmem:s29+$0xFFFFFFC0]  }
0x2bd: {  	v6 =	vld.idx.msk [tilespmem:v6+s14+$0x0], $0xffff  }
0x2be: {  	v8 =	vld.idx.msk [tilespmem:v5+s14+$0x0], $0xffff  }
0x2bf: {  	v5 =	vld.idx.msk [tilespmem:v3+s14+$0x0], $0xffff  }
.Ltmp10:
0x2c0: {  	v3 =	vld.idx.msk [tilespmem:v0+s14+$0x0], $0xffff;
	(pc) =	sbr.rel @p0 .LBB2_22-.Ltmp10, $4  }
0x2c1: {  	v0 =	vld.idx.msk [tilespmem:v1+s14+$0x0], $0xffff  }
0x2c2: {  	s26 =	sadd.s32 $0x80, s26;
	v1 =	vld.idx.msk [tilespmem:v2+s14+$0x0], $0xffff  }
0x2c3: {  	v2 =	vld.idx.msk [tilespmem:v4+s14+$0x0], $0xffff;
	[tilespmem:s26+$0x30] =	vst v6  }
0x2c4: {  	s29 =	sadd.s32 $0x80, s29;
	v4 =	vld.idx.msk [tilespmem:v7+s14+$0x0], $0xffff;
	[tilespmem:s26+$0xFFFFFFD0] =	vst v8  }
0x2c5: {  	[tilespmem:s26+$0xFFFFFFE0] =	vst v5  }
0x2c6: {  	[tilespmem:s26+$0xFFFFFFF0] =	vst v3  }
0x2c7: {  	[tilespmem:s26+$0x0] =	vst v0  }
0x2c8: {  	[tilespmem:s26+$0x10] =	vst v1  }
0x2c9: {  	[tilespmem:s26+$0x20] =	vst v2  }
0x2ca: {  	[tilespmem:s26+$0xFFFFFFC0] =	vst v4  }
0x2cb: {  	s0 =	rddreg [dreg:$0x19]  }
0x2cc: {  	[hbm4b:s0+s8] =	stream.strided.scatter [tilespmem:s19], [sflag:$0x2], $0x2000, s9, s8, $0x38;
	[tilespmem:$0x1C080] =	vst v63  }
0x2cd: {  	s26 =	rddreg [dreg:$0x1a]  }
0x2ce: {  	[hbm4b:s26+s8] =	stream.strided.scatter [tilespmem:s20], [sflag:$0x2], $0x2000, s9, s8, $0x38;
	[tilespmem:$0x1C080] =	vst v63  }
0x2cf: {  	s29 =	sadd.s32 $0xE, s25;
	_ =	swait.ge [sflag:s16], $0x2000  }
0x2d0: {  	s25 =	sshll.u32 s29, $0xE;
	s0 =	sshll.u32 s29, $0x7;
	[sflag:s16] =	ssyncset.done $0x0  }
0x2d1: {  	s25 =	sand.u32 $0xFFFE0000, s25;
	s0 =	sand.u32 $0x380, s0;
	[sflag:s16] =	ssyncadd.s32 $0xFFFFE000  }
0x2d2: {  	s0 =	sor.u32 s0, s25;
	_ =	swait.ge [sflag:s16], $0x2000  }
0x2d3: {  	s0 =	sshrl.u32 s0, $0x3;
	[sflag:s16] =	ssyncset.done $0x0  }
0x2d4: {  	s30 =	sadd.s32 s28, s0;
	[sflag:s16] =	ssyncadd.s32 $0xFFFFE000  }
0x2d5: {  	[tilespmem:s14], [sflag:$0x1] =	stream.strided.gather [hbm4b:s30+s8], $0x2000, s9, s8, $0x38;
	[tilespmem:$0x1C080] =	vst v63  }
0x2d6: {  	s0 =	sadd.s32 s0, s6  }
0x2d7: {  	[tilespmem:s15], [sflag:$0x1] =	stream.strided.gather [hbm4b:s0+s8], $0x2000, s9, s8, $0x38;
	[tilespmem:$0x1C080] =	vst v63  }
0x2d8: {  	_ =	swait.ge [sflag:s23], $0x2000  }
0x2d9: {  	[sflag:s23] =	ssyncset.done $0x0  }
0x2da: {  	[sflag:s23] =	ssyncadd.s32 $0xFFFFE000  }
0x2db: {  	_ =	swait.ge [sflag:s23], $0x2000  }
0x2dc: {  	[sflag:s23] =	ssyncset.done $0x0  }
0x2dd: {  	s31 =	simm.s32 $0x40;
	[sflag:s23] =	ssyncadd.s32 $0xFFFFE000  }
0x2de: {  	v0 =	vld [tilespmem:s31+$0x30]  }
0x2df: {  	v1 =	vld [tilespmem:s31+$0xFFFFFFD0]  }
0x2e0: {  	v2 =	vld [tilespmem:s31+$0xFFFFFFE0]  }
0x2e1: {  	v3 =	vld [tilespmem:s31+$0xFFFFFFF0]  }
0x2e2: {  	v4 =	vld [tilespmem:s31+$0x0]  }
0x2e3: {  	v6 =	vld [tilespmem:s31+$0x10]  }
0x2e4: {  	v7 =	vld [tilespmem:s31+$0x20]  }
0x2e5: {  	v8 =	vld [tilespmem:s31+$0xFFFFFFC0]  }
0x2e6: {  	v9 =	vld.idx.msk [tilespmem:v0+s17+$0x0], $0xffff  }
0x2e7: {  	v10 =	vld.idx.msk [tilespmem:v1+s17+$0x0], $0xffff  }
0x2e8: {  	v5 =	vld.idx.msk [tilespmem:v2+s17+$0x0], $0xffff  }
0x2e9: {  	v3 =	vld.idx.msk [tilespmem:v3+s17+$0x0], $0xffff  }
0x2ea: {  	v0 =	vld.idx.msk [tilespmem:v4+s17+$0x0], $0xffff  }
0x2eb: {  	s25 =	simm.s32 $0x18040;
	v1 =	vld.idx.msk [tilespmem:v6+s17+$0x0], $0xffff  }
0x2ec: {  	v2 =	vld.idx.msk [tilespmem:v7+s17+$0x0], $0xffff;
	[tilespmem:s25+$0x30] =	vst v9  }
0x2ed: {  	s26 =	simm.s32 $0xC0;
	s0 =	simm.s32 $0x0;
	v4 =	vld.idx.msk [tilespmem:v8+s17+$0x0], $0xffff;
	[tilespmem:s25+$0xFFFFFFD0] =	vst v10  }
.LBB2_24:
0x2ee: {  	v6 =	vld [tilespmem:s26+$0x30];
	s0 =	sadd.s32 $0x8, s0;
	[tilespmem:s25+$0xFFFFFFE0] =	vst v5  }
0x2ef: {  	v5 =	vld [tilespmem:s26+$0xFFFFFFD0];
	p0 =	slt.u32 s0, $0x3F8;
	[tilespmem:s25+$0xFFFFFFF0] =	vst v3  }
0x2f0: {  	v3 =	vld [tilespmem:s26+$0xFFFFFFE0];
	[tilespmem:s25+$0x0] =	vst v0  }
0x2f1: {  	v0 =	vld [tilespmem:s26+$0xFFFFFFF0];
	[tilespmem:s25+$0x10] =	vst v1  }
0x2f2: {  	v1 =	vld [tilespmem:s26+$0x0];
	[tilespmem:s25+$0x20] =	vst v2  }
0x2f3: {  	v2 =	vld [tilespmem:s26+$0x10];
	[tilespmem:s25+$0xFFFFFFC0] =	vst v4  }
0x2f4: {  	v4 =	vld [tilespmem:s26+$0x20]  }
0x2f5: {  	v7 =	vld [tilespmem:s26+$0xFFFFFFC0]  }
0x2f6: {  	v6 =	vld.idx.msk [tilespmem:v6+s17+$0x0], $0xffff  }
0x2f7: {  	v8 =	vld.idx.msk [tilespmem:v5+s17+$0x0], $0xffff  }
0x2f8: {  	v5 =	vld.idx.msk [tilespmem:v3+s17+$0x0], $0xffff  }
.Ltmp11:
0x2f9: {  	v3 =	vld.idx.msk [tilespmem:v0+s17+$0x0], $0xffff;
	(pc) =	sbr.rel @p0 .LBB2_24-.Ltmp11, $4  }
0x2fa: {  	v0 =	vld.idx.msk [tilespmem:v1+s17+$0x0], $0xffff  }
0x2fb: {  	s25 =	sadd.s32 $0x80, s25;
	v1 =	vld.idx.msk [tilespmem:v2+s17+$0x0], $0xffff  }
0x2fc: {  	v2 =	vld.idx.msk [tilespmem:v4+s17+$0x0], $0xffff;
	[tilespmem:s25+$0x30] =	vst v6  }
0x2fd: {  	s26 =	sadd.s32 $0x80, s26;
	v4 =	vld.idx.msk [tilespmem:v7+s17+$0x0], $0xffff;
	[tilespmem:s25+$0xFFFFFFD0] =	vst v8  }
0x2fe: {  	[tilespmem:s25+$0xFFFFFFE0] =	vst v5  }
0x2ff: {  	[tilespmem:s25+$0xFFFFFFF0] =	vst v3  }
0x300: {  	[tilespmem:s25+$0x0] =	vst v0  }
0x301: {  	[tilespmem:s25+$0x10] =	vst v1  }
0x302: {  	[tilespmem:s25+$0x20] =	vst v2  }
0x303: {  	[tilespmem:s25+$0xFFFFFFC0] =	vst v4  }
0x304: {  	s0 =	rddreg [dreg:$0x1b]  }
0x305: {  	[hbm4b:s0+s8] =	stream.strided.scatter [tilespmem:s21], [sflag:$0x2], $0x2000, s9, s8, $0x38;
	[tilespmem:$0x1C080] =	vst v63  }
0x306: {  	s30 =	rddreg [dreg:$0x1c]  }
0x307: {  	[hbm4b:s30+s8] =	stream.strided.scatter [tilespmem:s22], [sflag:$0x2], $0x2000, s9, s8, $0x38;
	[tilespmem:$0x1C080] =	vst v63  }
0x308: {  	_ =	swait.ge [sflag:s16], $0x2000  }
0x309: {  	[sflag:s16] =	ssyncset.done $0x0  }
0x30a: {  	[sflag:s16] =	ssyncadd.s32 $0xFFFFE000  }
0x30b: {  	_ =	swait.ge [sflag:s16], $0x2000  }
0x30c: {  	[sflag:s16] =	ssyncset.done $0x0  }
0x30d: {  	[sflag:s16] =	ssyncadd.s32 $0xFFFFE000  }
0x30e: {  	_ =	swait.ge [sflag:s23], $0x2000  }
0x30f: {  	[sflag:s23] =	ssyncset.done $0x0  }
0x310: {  	[sflag:s23] =	ssyncadd.s32 $0xFFFFE000  }
0x311: {  	_ =	swait.ge [sflag:s23], $0x2000  }
0x312: {  	[sflag:s23] =	ssyncset.done $0x0  }
0x313: {  	s31 =	simm.s32 $0x40;
	[sflag:s23] =	ssyncadd.s32 $0xFFFFE000  }
0x314: {  	v0 =	vld [tilespmem:s31+$0x30]  }
0x315: {  	v1 =	vld [tilespmem:s31+$0xFFFFFFD0]  }
0x316: {  	v2 =	vld [tilespmem:s31+$0xFFFFFFE0]  }
0x317: {  	v3 =	vld [tilespmem:s31+$0xFFFFFFF0]  }
0x318: {  	v4 =	vld [tilespmem:s31+$0x0]  }
0x319: {  	v6 =	vld [tilespmem:s31+$0x10]  }
0x31a: {  	v7 =	vld [tilespmem:s31+$0x20]  }
0x31b: {  	v8 =	vld [tilespmem:s31+$0xFFFFFFC0]  }
0x31c: {  	v9 =	vld.idx.msk [tilespmem:v0+s10+$0x0], $0xffff  }
0x31d: {  	v10 =	vld.idx.msk [tilespmem:v1+s10+$0x0], $0xffff  }
0x31e: {  	v5 =	vld.idx.msk [tilespmem:v2+s10+$0x0], $0xffff  }
0x31f: {  	v3 =	vld.idx.msk [tilespmem:v3+s10+$0x0], $0xffff  }
0x320: {  	v0 =	vld.idx.msk [tilespmem:v4+s10+$0x0], $0xffff  }
0x321: {  	s25 =	simm.s32 $0x14040;
	v1 =	vld.idx.msk [tilespmem:v6+s10+$0x0], $0xffff  }
0x322: {  	v2 =	vld.idx.msk [tilespmem:v7+s10+$0x0], $0xffff;
	[tilespmem:s25+$0x30] =	vst v9  }
0x323: {  	s26 =	simm.s32 $0xC0;
	s0 =	simm.s32 $0x0;
	v4 =	vld.idx.msk [tilespmem:v8+s10+$0x0], $0xffff;
	[tilespmem:s25+$0xFFFFFFD0] =	vst v10  }
.LBB2_26:
0x324: {  	v6 =	vld [tilespmem:s26+$0x30];
	s0 =	sadd.s32 $0x8, s0;
	[tilespmem:s25+$0xFFFFFFE0] =	vst v5  }
0x325: {  	v5 =	vld [tilespmem:s26+$0xFFFFFFD0];
	p0 =	slt.u32 s0, $0x3F8;
	[tilespmem:s25+$0xFFFFFFF0] =	vst v3  }
0x326: {  	v3 =	vld [tilespmem:s26+$0xFFFFFFE0];
	[tilespmem:s25+$0x0] =	vst v0  }
0x327: {  	v0 =	vld [tilespmem:s26+$0xFFFFFFF0];
	[tilespmem:s25+$0x10] =	vst v1  }
0x328: {  	v1 =	vld [tilespmem:s26+$0x0];
	[tilespmem:s25+$0x20] =	vst v2  }
0x329: {  	v2 =	vld [tilespmem:s26+$0x10];
	[tilespmem:s25+$0xFFFFFFC0] =	vst v4  }
0x32a: {  	v4 =	vld [tilespmem:s26+$0x20]  }
0x32b: {  	v7 =	vld [tilespmem:s26+$0xFFFFFFC0]  }
0x32c: {  	v6 =	vld.idx.msk [tilespmem:v6+s10+$0x0], $0xffff  }
0x32d: {  	v8 =	vld.idx.msk [tilespmem:v5+s10+$0x0], $0xffff  }
0x32e: {  	v5 =	vld.idx.msk [tilespmem:v3+s10+$0x0], $0xffff  }
.Ltmp12:
0x32f: {  	v3 =	vld.idx.msk [tilespmem:v0+s10+$0x0], $0xffff;
	(pc) =	sbr.rel @p0 .LBB2_26-.Ltmp12, $4  }
0x330: {  	v0 =	vld.idx.msk [tilespmem:v1+s10+$0x0], $0xffff  }
0x331: {  	s25 =	sadd.s32 $0x80, s25;
	v1 =	vld.idx.msk [tilespmem:v2+s10+$0x0], $0xffff  }
0x332: {  	v2 =	vld.idx.msk [tilespmem:v4+s10+$0x0], $0xffff;
	[tilespmem:s25+$0x30] =	vst v6  }
0x333: {  	s26 =	sadd.s32 $0x80, s26;
	v4 =	vld.idx.msk [tilespmem:v7+s10+$0x0], $0xffff;
	[tilespmem:s25+$0xFFFFFFD0] =	vst v8  }
0x334: {  	[tilespmem:s25+$0xFFFFFFE0] =	vst v5  }
0x335: {  	[tilespmem:s25+$0xFFFFFFF0] =	vst v3  }
0x336: {  	[tilespmem:s25+$0x0] =	vst v0  }
0x337: {  	[tilespmem:s25+$0x10] =	vst v1  }
0x338: {  	[tilespmem:s25+$0x20] =	vst v2  }
0x339: {  	[tilespmem:s25+$0xFFFFFFC0] =	vst v4  }
0x33a: {  	s0 =	rddreg [dreg:$0x1d]  }
0x33b: {  	[hbm4b:s0+s8] =	stream.strided.scatter [tilespmem:s19], [sflag:$0x2], $0x2000, s9, s8, $0x38;
	[tilespmem:$0x1C080] =	vst v63  }
0x33c: {  	s30 =	rddreg [dreg:$0x1e]  }
0x33d: {  	[hbm4b:s30+s8] =	stream.strided.scatter [tilespmem:s20], [sflag:$0x2], $0x2000, s9, s8, $0x38;
	[tilespmem:$0x1C080] =	vst v63  }
0x33e: {  	_ =	swait.ge [sflag:s16], $0x2000  }
0x33f: {  	[sflag:s16] =	ssyncset.done $0x0  }
0x340: {  	[sflag:s16] =	ssyncadd.s32 $0xFFFFE000  }
0x341: {  	_ =	swait.ge [sflag:s16], $0x2000  }
0x342: {  	[sflag:s16] =	ssyncset.done $0x0  }
0x343: {  	[sflag:s16] =	ssyncadd.s32 $0xFFFFE000  }
0x344: {  	_ =	swait.ge [sflag:s23], $0x2000  }
0x345: {  	[sflag:s23] =	ssyncset.done $0x0  }
0x346: {  	[sflag:s23] =	ssyncadd.s32 $0xFFFFE000  }
0x347: {  	_ =	swait.ge [sflag:s23], $0x2000  }
0x348: {  	[sflag:s23] =	ssyncset.done $0x0  }
0x349: {  	s31 =	simm.s32 $0x40;
	[sflag:s23] =	ssyncadd.s32 $0xFFFFE000  }
0x34a: {  	v0 =	vld [tilespmem:s31+$0x30]  }
0x34b: {  	v1 =	vld [tilespmem:s31+$0xFFFFFFD0]  }
0x34c: {  	v2 =	vld [tilespmem:s31+$0xFFFFFFE0]  }
0x34d: {  	v3 =	vld [tilespmem:s31+$0xFFFFFFF0]  }
0x34e: {  	v4 =	vld [tilespmem:s31+$0x0]  }
0x34f: {  	v6 =	vld [tilespmem:s31+$0x10]  }
0x350: {  	v7 =	vld [tilespmem:s31+$0x20]  }
0x351: {  	v8 =	vld [tilespmem:s31+$0xFFFFFFC0]  }
0x352: {  	v9 =	vld.idx.msk [tilespmem:v0+s12+$0x0], $0xffff  }
0x353: {  	v10 =	vld.idx.msk [tilespmem:v1+s12+$0x0], $0xffff  }
0x354: {  	v5 =	vld.idx.msk [tilespmem:v2+s12+$0x0], $0xffff  }
0x355: {  	v3 =	vld.idx.msk [tilespmem:v3+s12+$0x0], $0xffff  }
0x356: {  	v0 =	vld.idx.msk [tilespmem:v4+s12+$0x0], $0xffff  }
0x357: {  	s25 =	simm.s32 $0x18040;
	v1 =	vld.idx.msk [tilespmem:v6+s12+$0x0], $0xffff  }
0x358: {  	v2 =	vld.idx.msk [tilespmem:v7+s12+$0x0], $0xffff;
	[tilespmem:s25+$0x30] =	vst v9  }
0x359: {  	s26 =	simm.s32 $0xC0;
	s0 =	simm.s32 $0x0;
	v4 =	vld.idx.msk [tilespmem:v8+s12+$0x0], $0xffff;
	[tilespmem:s25+$0xFFFFFFD0] =	vst v10  }
.LBB2_28:
0x35a: {  	v6 =	vld [tilespmem:s26+$0x30];
	s0 =	sadd.s32 $0x8, s0;
	[tilespmem:s25+$0xFFFFFFE0] =	vst v5  }
0x35b: {  	v5 =	vld [tilespmem:s26+$0xFFFFFFD0];
	p0 =	slt.u32 s0, $0x3F8;
	[tilespmem:s25+$0xFFFFFFF0] =	vst v3  }
0x35c: {  	v3 =	vld [tilespmem:s26+$0xFFFFFFE0];
	[tilespmem:s25+$0x0] =	vst v0  }
0x35d: {  	v0 =	vld [tilespmem:s26+$0xFFFFFFF0];
	[tilespmem:s25+$0x10] =	vst v1  }
0x35e: {  	v1 =	vld [tilespmem:s26+$0x0];
	[tilespmem:s25+$0x20] =	vst v2  }
0x35f: {  	v2 =	vld [tilespmem:s26+$0x10];
	[tilespmem:s25+$0xFFFFFFC0] =	vst v4  }
0x360: {  	v4 =	vld [tilespmem:s26+$0x20]  }
0x361: {  	v7 =	vld [tilespmem:s26+$0xFFFFFFC0]  }
0x362: {  	v6 =	vld.idx.msk [tilespmem:v6+s12+$0x0], $0xffff  }
0x363: {  	v8 =	vld.idx.msk [tilespmem:v5+s12+$0x0], $0xffff  }
0x364: {  	v5 =	vld.idx.msk [tilespmem:v3+s12+$0x0], $0xffff  }
.Ltmp13:
0x365: {  	v3 =	vld.idx.msk [tilespmem:v0+s12+$0x0], $0xffff;
	(pc) =	sbr.rel @p0 .LBB2_28-.Ltmp13, $4  }
0x366: {  	v0 =	vld.idx.msk [tilespmem:v1+s12+$0x0], $0xffff  }
0x367: {  	s25 =	sadd.s32 $0x80, s25;
	v1 =	vld.idx.msk [tilespmem:v2+s12+$0x0], $0xffff  }
0x368: {  	v2 =	vld.idx.msk [tilespmem:v4+s12+$0x0], $0xffff;
	[tilespmem:s25+$0x30] =	vst v6  }
0x369: {  	s26 =	sadd.s32 $0x80, s26;
	v4 =	vld.idx.msk [tilespmem:v7+s12+$0x0], $0xffff;
	[tilespmem:s25+$0xFFFFFFD0] =	vst v8  }
0x36a: {  	[tilespmem:s25+$0xFFFFFFE0] =	vst v5  }
0x36b: {  	[tilespmem:s25+$0xFFFFFFF0] =	vst v3  }
0x36c: {  	[tilespmem:s25+$0x0] =	vst v0  }
0x36d: {  	[tilespmem:s25+$0x10] =	vst v1  }
0x36e: {  	[tilespmem:s25+$0x20] =	vst v2  }
0x36f: {  	[tilespmem:s25+$0xFFFFFFC0] =	vst v4  }
0x370: {  	s0 =	rddreg [dreg:$0x1f]  }
0x371: {  	s30 =	sld [smem:$0x7FD]  }
0x372: {  	[hbm4b:s0+s8] =	stream.strided.scatter [tilespmem:s21], [sflag:$0x2], $0x2000, s9, s8, $0x38;
	[tilespmem:$0x1C080] =	vst v63  }
0x373: {  	_ = 	snop  }
0x374: {  	[hbm4b:s30+s8] =	stream.strided.scatter [tilespmem:s22], [sflag:$0x2], $0x2000, s9, s8, $0x38;
	[tilespmem:$0x1C080] =	vst v63  }
0x375: {  	_ =	swait.ge [sflag:s16], $0x2000  }
0x376: {  	[sflag:s16] =	ssyncset.done $0x0  }
0x377: {  	[sflag:s16] =	ssyncadd.s32 $0xFFFFE000  }
0x378: {  	_ =	swait.ge [sflag:s16], $0x2000  }
0x379: {  	[sflag:s16] =	ssyncset.done $0x0  }
0x37a: {  	[sflag:s16] =	ssyncadd.s32 $0xFFFFE000  }
0x37b: {  	_ =	swait.ge [sflag:s23], $0x2000  }
0x37c: {  	[sflag:s23] =	ssyncset.done $0x0  }
0x37d: {  	[sflag:s23] =	ssyncadd.s32 $0xFFFFE000  }
0x37e: {  	_ =	swait.ge [sflag:s23], $0x2000  }
0x37f: {  	[sflag:s23] =	ssyncset.done $0x0  }
0x380: {  	s31 =	simm.s32 $0x40;
	[sflag:s23] =	ssyncadd.s32 $0xFFFFE000  }
0x381: {  	v0 =	vld [tilespmem:s31+$0x30]  }
0x382: {  	v1 =	vld [tilespmem:s31+$0xFFFFFFD0]  }
0x383: {  	v2 =	vld [tilespmem:s31+$0xFFFFFFE0]  }
0x384: {  	v3 =	vld [tilespmem:s31+$0xFFFFFFF0]  }
0x385: {  	v4 =	vld [tilespmem:s31+$0x0]  }
0x386: {  	v6 =	vld [tilespmem:s31+$0x10]  }
0x387: {  	v7 =	vld [tilespmem:s31+$0x20]  }
0x388: {  	v8 =	vld [tilespmem:s31+$0xFFFFFFC0]  }
0x389: {  	v9 =	vld.idx.msk [tilespmem:v0+s14+$0x0], $0xffff  }
0x38a: {  	v10 =	vld.idx.msk [tilespmem:v1+s14+$0x0], $0xffff  }
0x38b: {  	v5 =	vld.idx.msk [tilespmem:v2+s14+$0x0], $0xffff  }
0x38c: {  	v3 =	vld.idx.msk [tilespmem:v3+s14+$0x0], $0xffff  }
0x38d: {  	v0 =	vld.idx.msk [tilespmem:v4+s14+$0x0], $0xffff  }
0x38e: {  	s25 =	simm.s32 $0x14040;
	v1 =	vld.idx.msk [tilespmem:v6+s14+$0x0], $0xffff  }
0x38f: {  	v2 =	vld.idx.msk [tilespmem:v7+s14+$0x0], $0xffff;
	[tilespmem:s25+$0x30] =	vst v9  }
0x390: {  	s26 =	simm.s32 $0xC0;
	s0 =	simm.s32 $0x0;
	v4 =	vld.idx.msk [tilespmem:v8+s14+$0x0], $0xffff;
	[tilespmem:s25+$0xFFFFFFD0] =	vst v10  }
.LBB2_30:
0x391: {  	v6 =	vld [tilespmem:s26+$0x30];
	s0 =	sadd.s32 $0x8, s0;
	[tilespmem:s25+$0xFFFFFFE0] =	vst v5  }
0x392: {  	v5 =	vld [tilespmem:s26+$0xFFFFFFD0];
	p0 =	slt.u32 s0, $0x3F8;
	[tilespmem:s25+$0xFFFFFFF0] =	vst v3  }
0x393: {  	v3 =	vld [tilespmem:s26+$0xFFFFFFE0];
	[tilespmem:s25+$0x0] =	vst v0  }
0x394: {  	v0 =	vld [tilespmem:s26+$0xFFFFFFF0];
	[tilespmem:s25+$0x10] =	vst v1  }
0x395: {  	v1 =	vld [tilespmem:s26+$0x0];
	[tilespmem:s25+$0x20] =	vst v2  }
0x396: {  	v2 =	vld [tilespmem:s26+$0x10];
	[tilespmem:s25+$0xFFFFFFC0] =	vst v4  }
0x397: {  	v4 =	vld [tilespmem:s26+$0x20]  }
0x398: {  	v7 =	vld [tilespmem:s26+$0xFFFFFFC0]  }
0x399: {  	v6 =	vld.idx.msk [tilespmem:v6+s14+$0x0], $0xffff  }
0x39a: {  	v8 =	vld.idx.msk [tilespmem:v5+s14+$0x0], $0xffff  }
0x39b: {  	v5 =	vld.idx.msk [tilespmem:v3+s14+$0x0], $0xffff  }
.Ltmp14:
0x39c: {  	v3 =	vld.idx.msk [tilespmem:v0+s14+$0x0], $0xffff;
	(pc) =	sbr.rel @p0 .LBB2_30-.Ltmp14, $4  }
0x39d: {  	v0 =	vld.idx.msk [tilespmem:v1+s14+$0x0], $0xffff  }
0x39e: {  	s25 =	sadd.s32 $0x80, s25;
	v1 =	vld.idx.msk [tilespmem:v2+s14+$0x0], $0xffff  }
0x39f: {  	v2 =	vld.idx.msk [tilespmem:v4+s14+$0x0], $0xffff;
	[tilespmem:s25+$0x30] =	vst v6  }
0x3a0: {  	s26 =	sadd.s32 $0x80, s26;
	v4 =	vld.idx.msk [tilespmem:v7+s14+$0x0], $0xffff;
	[tilespmem:s25+$0xFFFFFFD0] =	vst v8  }
0x3a1: {  	[tilespmem:s25+$0xFFFFFFE0] =	vst v5  }
0x3a2: {  	[tilespmem:s25+$0xFFFFFFF0] =	vst v3  }
0x3a3: {  	[tilespmem:s25+$0x0] =	vst v0  }
0x3a4: {  	[tilespmem:s25+$0x10] =	vst v1  }
0x3a5: {  	[tilespmem:s25+$0x20] =	vst v2  }
0x3a6: {  	[tilespmem:s25+$0xFFFFFFC0] =	vst v4  }
0x3a7: {  	[hbm4b:s2+s8] =	stream.strided.scatter [tilespmem:s19], [sflag:$0x2], $0x2000, s9, s8, $0x38;
	[tilespmem:$0x1C080] =	vst v63  }
0x3a8: {  	_ = 	snop  }
0x3a9: {  	[hbm4b:s3+s8] =	stream.strided.scatter [tilespmem:s20], [sflag:$0x2], $0x2000, s9, s8, $0x38;
	[tilespmem:$0x1C080] =	vst v63  }
0x3aa: {  	_ =	swait.ge [sflag:s23], $0x2000  }
0x3ab: {  	[sflag:s23] =	ssyncset.done $0x0  }
0x3ac: {  	[sflag:s23] =	ssyncadd.s32 $0xFFFFE000  }
0x3ad: {  	_ =	swait.ge [sflag:s23], $0x2000  }
0x3ae: {  	[sflag:s23] =	ssyncset.done $0x0  }
0x3af: {  	s24 =	sadd.s32 $0x1, s24;
	[sflag:s23] =	ssyncadd.s32 $0xFFFFE000  }
0x3b0: {  	p0 =	sne.s32 s24, s5;
	_ =	swait.ge [sflag:s23], $0x2000  }
.Ltmp15:
0x3b1: {  	[sflag:s23] =	ssyncset.done $0x0;
	(pc) =	sbr.rel @p0 .LBB2_1-.Ltmp15, $4  }
0x3b2: {  	[sflag:s23] =	ssyncadd.s32 $0xFFFFE000  }
0x3b3: {  	_ =	swait.ge [sflag:s23], $0x2000  }
0x3b4: {  	[sflag:s23] =	ssyncset.done $0x0  }
0x3b5: {  	[sflag:s23] =	ssyncadd.s32 $0xFFFFE000  }
0x3b6: {  	_ =	sfence.sel $0x180000  }
0x3b7: {  	[bflag:$0x0] =	sbarrier.arrive $0xFFFF  }
0x3b8: {  	_ =	strace $0x90000047  }
0x3b9: {  	s0 =	stileid.u32;
	[bflag:$0x2] =	sbarrier.arrive $0xFFFF  }
0x3ba: {  	p0 =	sne.s32 s0, $0x0;
	s0 =	rddreg [dreg:$0x4]  }
0x3bb: {  	s0 =	sadd.s32 @!p0 $0x100000, s0  }
0x3bc: {  	[sflag:s0] =	ssyncadd.tile.s32 @!p0 $0x1;
	_ =	shalt  }
.Lfunc_end2:
_tile_overlayer_lowered:
.L_overlay_start_2:
0x3bd: {  	(tag) =	ssettag $0x2  }
0x3be: {  	s0 =	rddreg [dreg:$0x0];
	s2 =	stileid.u32  }
0x3bf: {  	s1 =	rddreg [dreg:$0x1];
	p0 =	sne.s32 s2, $0x0  }
0x3c0: {  	s3 =	rddreg [dreg:$0x2];
	[bflag:$0x3] =	sbarrier.arrive $0xFFFF;
	s2 =	simm.s32 @!p0 $0x1C03  }
0x3c1: {  	[timem:s3], [sflag:s2] =	dma.local @!p0 [hbm:s0], s1  }
0x3c2: {  	s0 =	simm.s32 @!p0 $0x3  }
0x3c3: {  	_ =	swait.ge @!p0 [sflag:s0], s1  }
0x3c4: {  	s1 =	ssub.s32 @!p0 $0x0, s1;
	[sflag:s0] =	ssyncset.done @!p0 $0x0  }
0x3c5: {  	[sflag:s0] =	ssyncadd.s32 @!p0 s1  }
0x3c6: {  	[bflag:$0x3] =	sbarrier.arrive $0xFFFF  }
0x3c7: {  	_ =	shalt  }

</sc_bundles>
